<compile_context>
chip_gen: v7x
topology: tpu7x:2x2x1
jax: 0.10.2.dev20260603
libtpu: 0.0.44.dev20260713+nightly
codegen_flags: <defaults>
</compile_context>

<pallas_src>
import functools

import jax
import jax.numpy as jnp
from jax import lax
from jax.experimental import pallas as pl
from jax.experimental.pallas import tpu as pltpu
from jax.experimental.pallas import tpu_sc as plsc

_ALPHA = 0.005
_L = 16


@functools.lru_cache(maxsize=None)
def _build(N: int, E: int, B: int):
    NN = N * N
    NC, NS = 2, 16
    BPC = B // NC
    EC = E // NS
    ROWS = N // NS
    STRIPE = ROWS * N
    RCH = 16
    CW = RCH * N
    NCH = ROWS // RCH
    SCC = 128
    NSC = EC // SCC

    mesh = plsc.VectorSubcoreMesh(core_axis_name="c", subcore_axis_name="s")

    @functools.partial(
        pl.kernel,
        out_type=jax.ShapeDtypeStruct((B * NN,), jnp.float32),
        mesh=mesh,
        scratch_types=[
            pltpu.VMEM((2, CW), jnp.float32),
            pltpu.VMEM((EC,), jnp.int32),
            pltpu.VMEM((EC,), jnp.int32),
            pltpu.VMEM((BPC, EC), jnp.float32),
            pltpu.VMEM((NSC, SCC), jnp.int32),
            pltpu.VMEM((BPC, NSC, SCC), jnp.int32),
            pltpu.VMEM((EC,), jnp.float32),
            pltpu.VMEM((BPC, NSC, SCC), jnp.float32),
            pltpu.SemaphoreType.DMA,
            pltpu.SemaphoreType.DMA,
            pltpu.SemaphoreType.DMA,
            pltpu.SemaphoreType.DMA,
            pltpu.SemaphoreType.DMA,
        ],
    )
    def adj_kernel(a_hbm, src_hbm, dst_hbm, g_hbm, out_hbm,
                   cbuf, src_v, dst_v, g2, off2, offb3, base_v, vals3,
                   sem_cr, sem_cw, sem_i, sem_g, sem_s):
        c = lax.axis_index("c")
        s = lax.axis_index("s")

        e0 = s * EC
        d_src = pltpu.async_copy(src_hbm.at[pl.ds(e0, EC)], src_v, sem_i)
        d_dst = pltpu.async_copy(dst_hbm.at[pl.ds(e0, EC)], dst_v, sem_i)
        d_g = []
        for bl in range(BPC):
            b = c * BPC + bl
            d_g.append(pltpu.async_copy(
                g_hbm.at[pl.ds(b * E + e0, EC)], g2.at[bl], sem_i))

        seg0 = s * STRIPE
        rd = [None] * NCH
        wr = [[None] * BPC for _ in range(NCH)]

        def _read(ch):
            return pltpu.async_copy(
                a_hbm.at[pl.ds(seg0 + ch * CW, CW)], cbuf.at[ch % 2], sem_cr)

        rd[0] = _read(0)
        for ch in range(NCH):
            if ch + 1 < NCH:
                if ch >= 1:
                    for bl in range(BPC):
                        wr[ch - 1][bl].wait()
                rd[ch + 1] = _read(ch + 1)
            rd[ch].wait()
            for bl in range(BPC):
                b = c * BPC + bl
                wr[ch][bl] = pltpu.async_copy(
                    cbuf.at[ch % 2],
                    out_hbm.at[pl.ds(b * NN + seg0 + ch * CW, CW)], sem_cw)

        d_src.wait()
        d_dst.wait()

        def off_chunk(j, carry):
            def off_vec(k, carry2):
                fl = pl.ds(j * SCC + k * _L, _L)
                off2[j, pl.ds(k * _L, _L)] = src_v[fl] * N + dst_v[fl]
                return carry2
            return lax.fori_loop(0, SCC // _L, off_vec, carry)
        lax.fori_loop(0, NSC, off_chunk, 0)

        def g_fire(j, carry):
            pltpu.async_copy(a_hbm.at[off2.at[j]],
                             base_v.at[pl.ds(j * SCC, SCC)], sem_g)
            return carry
        lax.fori_loop(0, NSC, g_fire, 0)

        def g_drain(j, carry):
            pltpu.make_async_copy(a_hbm.at[off2.at[j]],
                                  base_v.at[pl.ds(j * SCC, SCC)], sem_g).wait()
            return carry
        lax.fori_loop(0, NSC, g_drain, 0)

        for bl in range(BPC):
            b = c * BPC + bl
            d_g[bl].wait()

            def val_chunk(j, carry):
                def val_vec(k, carry2):
                    sl = pl.ds(k * _L, _L)
                    fl = pl.ds(j * SCC + k * _L, _L)
                    w = _ALPHA / (1.0 + jnp.exp(-g2[bl, fl]))
                    vals3[bl, j, sl] = base_v[fl] + w
                    offb3[bl, j, sl] = off2[j, sl] + b * NN
                    return carry2
                return lax.fori_loop(0, SCC // _L, val_vec, carry)
            lax.fori_loop(0, NSC, val_chunk, 0)

        for ch in (NCH - 2, NCH - 1):
            for bl in range(BPC):
                wr[ch][bl].wait()
        plsc.subcore_barrier()

        for bl in range(BPC):
            def s_fire(j, carry):
                pltpu.async_copy(vals3.at[bl, j],
                                 out_hbm.at[offb3.at[bl, j]], sem_s)
                return carry
            lax.fori_loop(0, NSC, s_fire, 0)
        for bl in range(BPC):
            def s_drain(j, carry):
                pltpu.make_async_copy(vals3.at[bl, j],
                                      out_hbm.at[offb3.at[bl, j]], sem_s).wait()
                return carry
            lax.fori_loop(0, NSC, s_drain, 0)

    return adj_kernel


def kernel(A_base, edge_index, edge_gates):
    N = A_base.shape[0]
    B, E = edge_gates.shape
    out = _build(N, E, B)(
        A_base.reshape(-1),
        edge_index[0],
        edge_index[1],
        edge_gates.reshape(-1),
    )
    return out.reshape(B, N, N)

# --- scband reference (transcript-rebuilt; emitter-appended) ---
"""Pipeline reference for scband-dynamic-adj-84250078478504 (READ-ONLY COPY).

The authoritative reference and input builder live on the scoring server;
editing this copy changes nothing except your own understanding.
"""

import jax, jax.numpy as jnp
import numpy as np

ALPHA = 0.005

def setup_inputs(seed: int = 0) -> dict:
    key = jax.random.key(seed)
    k1, k2, k3 = jax.random.split(key, 3)
    N, E, B = 2048, 65536, 4
    A_base = jax.random.normal(k1, (N, N), dtype=jnp.float32)
    edge_index = jax.random.randint(k2, (2, E), 0, N, dtype=jnp.int32)
    edge_gates = jax.random.normal(k3, (B, E), dtype=jnp.float32)
    return {"A_base": A_base, "edge_index": edge_index, "edge_gates": edge_gates}

def reference(A_base, edge_index, edge_gates):
    B, E = edge_gates.shape
    N = A_base.shape[0]
    src = edge_index[0]
    dst = edge_index[1]
    edge_weights = ALPHA * jax.nn.sigmoid(edge_gates)  # [B, E]
    # Expand base adjacency to batch: [B, N, N]
    A = jnp.broadcast_to(A_base[None, :, :], (B, N, N))
    batch_idx = jnp.arange(B)[:, None]  # [B, 1]
    # Gather current values (equal to A_base[src, dst] broadcast over batch),
    # add gated weights, then scatter-overwrite (torch advanced-index assignment semantics).
    gathered = A[batch_idx, src[None, :], dst[None, :]]  # [B, E]
    vals = gathered + edge_weights
    A = A.at[batch_idx, src[None, :], dst[None, :]].set(vals)
    return A

if __name__ == "__main__":
    import jax
    _d = setup_inputs()
    print(jax.jit(kernel)(*tuple(_d.values())))

</pallas_src>

<mosaic_0001>
#map = affine_map<(d0, d1) -> (0)>
module attributes {stable_mosaic.version = 14 : i64} {
  func.func @adj_kernel(%arg0: i32, %arg1: i32, %arg2: memref<4194304xf32, #tpu.memory_space<hbm>>, %arg3: memref<65536xi32, #tpu.memory_space<hbm>>, %arg4: memref<65536xi32, #tpu.memory_space<hbm>>, %arg5: memref<262144xf32, #tpu.memory_space<hbm>>, %arg6: memref<16777216xf32, #tpu.memory_space<hbm>>, %arg7: memref<2x32768xf32, #tpu.memory_space<vmem>>, %arg8: memref<4096xi32, #tpu.memory_space<vmem>>, %arg9: memref<4096xi32, #tpu.memory_space<vmem>>, %arg10: memref<2x4096xf32, #tpu.memory_space<vmem>>, %arg11: memref<32x128xi32, #tpu.memory_space<vmem>>, %arg12: memref<2x32x128xi32, #tpu.memory_space<vmem>>, %arg13: memref<4096xf32, #tpu.memory_space<vmem>>, %arg14: memref<2x32x128xf32, #tpu.memory_space<vmem>>, %arg15: memref<!tpu.dma_semaphore, #tpu.memory_space<semaphore_mem>>, %arg16: memref<!tpu.dma_semaphore, #tpu.memory_space<semaphore_mem>>, %arg17: memref<!tpu.dma_semaphore, #tpu.memory_space<semaphore_mem>>, %arg18: memref<!tpu.dma_semaphore, #tpu.memory_space<semaphore_mem>>, %arg19: memref<!tpu.dma_semaphore, #tpu.memory_space<semaphore_mem>>) attributes {dimension_semantics = [#tpu.dimension_semantics<core_parallel>, #tpu.dimension_semantics<subcore_parallel>], iteration_bounds = array<i64: 2, 16>, scalar_prefetch = 0 : i64, scratch_operands = 13 : i64, tpu.core_type = #tpu.core_type<sc_vector_subcore>, window_params = [{transform_indices = #map}, {transform_indices = #map}, {transform_indices = #map}, {transform_indices = #map}, {transform_indices = #map}]} {
    %mul3A = arith.constant 4096 : i32
    %mul3A_0 = arith.muli %arg1, %mul3A : i32
    %dma_start3A = tpu.memref_slice %arg3[%mul3A_0] : memref<65536xi32, #tpu.memory_space<hbm>> -> memref<4096xi32, #tpu.memory_space<hbm>>
    %dma_start3A_1 = tpu.memref_slice %arg3[%mul3A_0] : memref<65536xi32, #tpu.memory_space<hbm>> -> memref<4096xi32, #tpu.memory_space<hbm>>
    tpu.enqueue_dma source(%dma_start3A_1 : memref<4096xi32, #tpu.memory_space<hbm>>) target(%arg8 : memref<4096xi32, #tpu.memory_space<vmem>>) target_semaphore(%arg17 : memref<!tpu.dma_semaphore, #tpu.memory_space<semaphore_mem>>)
    %dma_start3A_2 = tpu.memref_slice %arg4[%mul3A_0] : memref<65536xi32, #tpu.memory_space<hbm>> -> memref<4096xi32, #tpu.memory_space<hbm>>
    %dma_start3A_3 = tpu.memref_slice %arg4[%mul3A_0] : memref<65536xi32, #tpu.memory_space<hbm>> -> memref<4096xi32, #tpu.memory_space<hbm>>
    tpu.enqueue_dma source(%dma_start3A_3 : memref<4096xi32, #tpu.memory_space<hbm>>) target(%arg9 : memref<4096xi32, #tpu.memory_space<vmem>>) target_semaphore(%arg17 : memref<!tpu.dma_semaphore, #tpu.memory_space<semaphore_mem>>)
    %mul3A_4 = arith.constant 2 : i32
    %mul3A_5 = arith.muli %arg0, %mul3A_4 : i32
    %add3A = arith.constant 0 : i32
    %add3A_6 = arith.addi %mul3A_5, %add3A : i32
    %mul3A_7 = arith.constant 65536 : i32
    %mul3A_8 = arith.muli %add3A_6, %mul3A_7 : i32
    %add3A_9 = arith.addi %mul3A_8, %mul3A_0 : i32
    %dma_start3A_10 = arith.constant 0 : i32
    %dma_start3A_11 = arith.constant 0 : i32
    %dma_start3A_12 = tpu.memref_slice %arg10[%dma_start3A_10, %dma_start3A_11] : memref<2x4096xf32, #tpu.memory_space<vmem>> -> memref<1x4096xf32, #tpu.memory_space<vmem>>
    %dma_start3A_13 = tpu.memref_squeeze %dma_start3A_12 : memref<1x4096xf32, #tpu.memory_space<vmem>> -> memref<4096xf32, #tpu.memory_space<vmem>>
    %dma_start3A_14 = tpu.memref_slice %arg5[%add3A_9] : memref<262144xf32, #tpu.memory_space<hbm>> -> memref<4096xf32, #tpu.memory_space<hbm>>
    %dma_start3A_15 = arith.constant 0 : i32
    %dma_start3A_16 = tpu.memref_slice %arg10[%dma_start3A_10, %dma_start3A_15] : memref<2x4096xf32, #tpu.memory_space<vmem>> -> memref<1x4096xf32, #tpu.memory_space<vmem>>
    %dma_start3A_17 = tpu.memref_squeeze %dma_start3A_16 : memref<1x4096xf32, #tpu.memory_space<vmem>> -> memref<4096xf32, #tpu.memory_space<vmem>>
    %dma_start3A_18 = tpu.memref_slice %arg5[%add3A_9] : memref<262144xf32, #tpu.memory_space<hbm>> -> memref<4096xf32, #tpu.memory_space<hbm>>
    tpu.enqueue_dma source(%dma_start3A_18 : memref<4096xf32, #tpu.memory_space<hbm>>) target(%dma_start3A_17 : memref<4096xf32, #tpu.memory_space<vmem>>) target_semaphore(%arg17 : memref<!tpu.dma_semaphore, #tpu.memory_space<semaphore_mem>>)
    %mul3A_19 = arith.constant 2 : i32
    %mul3A_20 = arith.muli %arg0, %mul3A_19 : i32
    %add3A_21 = arith.constant 1 : i32
    %add3A_22 = arith.addi %mul3A_20, %add3A_21 : i32
    %mul3A_23 = arith.constant 65536 : i32
    %mul3A_24 = arith.muli %add3A_22, %mul3A_23 : i32
    %add3A_25 = arith.addi %mul3A_24, %mul3A_0 : i32
    %dma_start3A_26 = arith.constant 1 : i32
    %dma_start3A_27 = arith.constant 0 : i32
    %dma_start3A_28 = tpu.memref_slice %arg10[%dma_start3A_26, %dma_start3A_27] : memref<2x4096xf32, #tpu.memory_space<vmem>> -> memref<1x4096xf32, #tpu.memory_space<vmem>>
    %dma_start3A_29 = tpu.memref_squeeze %dma_start3A_28 : memref<1x4096xf32, #tpu.memory_space<vmem>> -> memref<4096xf32, #tpu.memory_space<vmem>>
    %dma_start3A_30 = tpu.memref_slice %arg5[%add3A_25] : memref<262144xf32, #tpu.memory_space<hbm>> -> memref<4096xf32, #tpu.memory_space<hbm>>
    %dma_start3A_31 = arith.constant 0 : i32
    %dma_start3A_32 = tpu.memref_slice %arg10[%dma_start3A_26, %dma_start3A_31] : memref<2x4096xf32, #tpu.memory_space<vmem>> -> memref<1x4096xf32, #tpu.memory_space<vmem>>
    %dma_start3A_33 = tpu.memref_squeeze %dma_start3A_32 : memref<1x4096xf32, #tpu.memory_space<vmem>> -> memref<4096xf32, #tpu.memory_space<vmem>>
    %dma_start3A_34 = tpu.memref_slice %arg5[%add3A_25] : memref<262144xf32, #tpu.memory_space<hbm>> -> memref<4096xf32, #tpu.memory_space<hbm>>
    tpu.enqueue_dma source(%dma_start3A_34 : memref<4096xf32, #tpu.memory_space<hbm>>) target(%dma_start3A_33 : memref<4096xf32, #tpu.memory_space<vmem>>) target_semaphore(%arg17 : memref<!tpu.dma_semaphore, #tpu.memory_space<semaphore_mem>>)
    %mul3A_35 = arith.constant 262144 : i32
    %mul3A_36 = arith.muli %arg1, %mul3A_35 : i32
    %add3A_37 = arith.constant 0 : i32
    %add3A_38 = arith.addi %mul3A_36, %add3A_37 : i32
    %dma_start3A_39 = arith.constant 0 : i32
    %dma_start3A_40 = arith.constant 0 : i32
    %dma_start3A_41 = tpu.memref_slice %arg7[%dma_start3A_39, %dma_start3A_40] : memref<2x32768xf32, #tpu.memory_space<vmem>> -> memref<1x32768xf32, #tpu.memory_space<vmem>>
    %dma_start3A_42 = tpu.memref_squeeze %dma_start3A_41 : memref<1x32768xf32, #tpu.memory_space<vmem>> -> memref<32768xf32, #tpu.memory_space<vmem>>
    %dma_start3A_43 = tpu.memref_slice %arg2[%add3A_38] : memref<4194304xf32, #tpu.memory_space<hbm>> -> memref<32768xf32, #tpu.memory_space<hbm>>
    %dma_start3A_44 = arith.constant 0 : i32
    %dma_start3A_45 = tpu.memref_slice %arg7[%dma_start3A_39, %dma_start3A_44] : memref<2x32768xf32, #tpu.memory_space<vmem>> -> memref<1x32768xf32, #tpu.memory_space<vmem>>
    %dma_start3A_46 = tpu.memref_squeeze %dma_start3A_45 : memref<1x32768xf32, #tpu.memory_space<vmem>> -> memref<32768xf32, #tpu.memory_space<vmem>>
    %dma_start3A_47 = tpu.memref_slice %arg2[%add3A_38] : memref<4194304xf32, #tpu.memory_space<hbm>> -> memref<32768xf32, #tpu.memory_space<hbm>>
    tpu.enqueue_dma source(%dma_start3A_47 : memref<32768xf32, #tpu.memory_space<hbm>>) target(%dma_start3A_46 : memref<32768xf32, #tpu.memory_space<vmem>>) target_semaphore(%arg15 : memref<!tpu.dma_semaphore, #tpu.memory_space<semaphore_mem>>)
    %add3A_48 = arith.constant 32768 : i32
    %add3A_49 = arith.addi %mul3A_36, %add3A_48 : i32
    %dma_start3A_50 = arith.constant 1 : i32
    %dma_start3A_51 = arith.constant 0 : i32
    %dma_start3A_52 = tpu.memref_slice %arg7[%dma_start3A_50, %dma_start3A_51] : memref<2x32768xf32, #tpu.memory_space<vmem>> -> memref<1x32768xf32, #tpu.memory_space<vmem>>
    %dma_start3A_53 = tpu.memref_squeeze %dma_start3A_52 : memref<1x32768xf32, #tpu.memory_space<vmem>> -> memref<32768xf32, #tpu.memory_space<vmem>>
    %dma_start3A_54 = tpu.memref_slice %arg2[%add3A_49] : memref<4194304xf32, #tpu.memory_space<hbm>> -> memref<32768xf32, #tpu.memory_space<hbm>>
    %dma_start3A_55 = arith.constant 0 : i32
    %dma_start3A_56 = tpu.memref_slice %arg7[%dma_start3A_50, %dma_start3A_55] : memref<2x32768xf32, #tpu.memory_space<vmem>> -> memref<1x32768xf32, #tpu.memory_space<vmem>>
    %dma_start3A_57 = tpu.memref_squeeze %dma_start3A_56 : memref<1x32768xf32, #tpu.memory_space<vmem>> -> memref<32768xf32, #tpu.memory_space<vmem>>
    %dma_start3A_58 = tpu.memref_slice %arg2[%add3A_49] : memref<4194304xf32, #tpu.memory_space<hbm>> -> memref<32768xf32, #tpu.memory_space<hbm>>
    tpu.enqueue_dma source(%dma_start3A_58 : memref<32768xf32, #tpu.memory_space<hbm>>) target(%dma_start3A_57 : memref<32768xf32, #tpu.memory_space<vmem>>) target_semaphore(%arg15 : memref<!tpu.dma_semaphore, #tpu.memory_space<semaphore_mem>>)
    %dma_wait3A = arith.constant 0 : i32
    %dma_wait3A_59 = arith.constant 0 : i32
    %dma_wait3A_60 = tpu.memref_slice %arg7[%dma_wait3A, %dma_wait3A_59] : memref<2x32768xf32, #tpu.memory_space<vmem>> -> memref<1x32768xf32, #tpu.memory_space<vmem>>
    %dma_wait3A_61 = tpu.memref_squeeze %dma_wait3A_60 : memref<1x32768xf32, #tpu.memory_space<vmem>> -> memref<32768xf32, #tpu.memory_space<vmem>>
    %dma_wait3A_62 = tpu.memref_slice %arg2[%add3A_38] : memref<4194304xf32, #tpu.memory_space<hbm>> -> memref<32768xf32, #tpu.memory_space<hbm>>
    %dma_wait3A_63 = arith.constant 0 : i32
    %dma_wait3A_64 = tpu.memref_slice %arg7[%dma_wait3A, %dma_wait3A_63] : memref<2x32768xf32, #tpu.memory_space<vmem>> -> memref<1x32768xf32, #tpu.memory_space<vmem>>
    %dma_wait3A_65 = tpu.memref_squeeze %dma_wait3A_64 : memref<1x32768xf32, #tpu.memory_space<vmem>> -> memref<32768xf32, #tpu.memory_space<vmem>>
    %dma_wait3A_66 = tpu.memref_slice %arg2[%add3A_38] : memref<4194304xf32, #tpu.memory_space<hbm>> -> memref<32768xf32, #tpu.memory_space<hbm>>
    tpu.wait_dma2 semaphore(%arg15 : memref<!tpu.dma_semaphore, #tpu.memory_space<semaphore_mem>>) src(%dma_wait3A_66 : memref<32768xf32, #tpu.memory_space<hbm>>) dst(%dma_wait3A_65 : memref<32768xf32, #tpu.memory_space<vmem>>)
    %mul3A_67 = arith.constant 2 : i32
    %mul3A_68 = arith.muli %arg0, %mul3A_67 : i32
    %add3A_69 = arith.constant 0 : i32
    %add3A_70 = arith.addi %mul3A_68, %add3A_69 : i32
    %mul3A_71 = arith.constant 4194304 : i32
    %mul3A_72 = arith.muli %add3A_70, %mul3A_71 : i32
    %add3A_73 = arith.addi %mul3A_72, %mul3A_36 : i32
    %add3A_74 = arith.constant 0 : i32
    %add3A_75 = arith.addi %add3A_73, %add3A_74 : i32
    %dma_start3A_76 = arith.constant 0 : i32
    %dma_start3A_77 = arith.constant 0 : i32
    %dma_start3A_78 = tpu.memref_slice %arg7[%dma_start3A_76, %dma_start3A_77] : memref<2x32768xf32, #tpu.memory_space<vmem>> -> memref<1x32768xf32, #tpu.memory_space<vmem>>
    %dma_start3A_79 = tpu.memref_squeeze %dma_start3A_78 : memref<1x32768xf32, #tpu.memory_space<vmem>> -> memref<32768xf32, #tpu.memory_space<vmem>>
    %dma_start3A_80 = tpu.memref_slice %arg6[%add3A_75] : memref<16777216xf32, #tpu.memory_space<hbm>> -> memref<32768xf32, #tpu.memory_space<hbm>>
    %dma_start3A_81 = tpu.memref_slice %arg6[%add3A_75] : memref<16777216xf32, #tpu.memory_space<hbm>> -> memref<32768xf32, #tpu.memory_space<hbm>>
    %dma_start3A_82 = arith.constant 0 : i32
    %dma_start3A_83 = tpu.memref_slice %arg7[%dma_start3A_76, %dma_start3A_82] : memref<2x32768xf32, #tpu.memory_space<vmem>> -> memref<1x32768xf32, #tpu.memory_space<vmem>>
    %dma_start3A_84 = tpu.memref_squeeze %dma_start3A_83 : memref<1x32768xf32, #tpu.memory_space<vmem>> -> memref<32768xf32, #tpu.memory_space<vmem>>
    tpu.enqueue_dma source(%dma_start3A_84 : memref<32768xf32, #tpu.memory_space<vmem>>) target(%dma_start3A_81 : memref<32768xf32, #tpu.memory_space<hbm>>) target_semaphore(%arg16 : memref<!tpu.dma_semaphore, #tpu.memory_space<semaphore_mem>>)
    %mul3A_85 = arith.constant 2 : i32
    %mul3A_86 = arith.muli %arg0, %mul3A_85 : i32
    %add3A_87 = arith.constant 1 : i32
    %add3A_88 = arith.addi %mul3A_86, %add3A_87 : i32
    %mul3A_89 = arith.constant 4194304 : i32
    %mul3A_90 = arith.muli %add3A_88, %mul3A_89 : i32
    %add3A_91 = arith.addi %mul3A_90, %mul3A_36 : i32
    %add3A_92 = arith.constant 0 : i32
    %add3A_93 = arith.addi %add3A_91, %add3A_92 : i32
    %dma_start3A_94 = arith.constant 0 : i32
    %dma_start3A_95 = arith.constant 0 : i32
    %dma_start3A_96 = tpu.memref_slice %arg7[%dma_start3A_94, %dma_start3A_95] : memref<2x32768xf32, #tpu.memory_space<vmem>> -> memref<1x32768xf32, #tpu.memory_space<vmem>>
    %dma_start3A_97 = tpu.memref_squeeze %dma_start3A_96 : memref<1x32768xf32, #tpu.memory_space<vmem>> -> memref<32768xf32, #tpu.memory_space<vmem>>
    %dma_start3A_98 = tpu.memref_slice %arg6[%add3A_93] : memref<16777216xf32, #tpu.memory_space<hbm>> -> memref<32768xf32, #tpu.memory_space<hbm>>
    %dma_start3A_99 = tpu.memref_slice %arg6[%add3A_93] : memref<16777216xf32, #tpu.memory_space<hbm>> -> memref<32768xf32, #tpu.memory_space<hbm>>
    %dma_start3A_100 = arith.constant 0 : i32
    %dma_start3A_101 = tpu.memref_slice %arg7[%dma_start3A_94, %dma_start3A_100] : memref<2x32768xf32, #tpu.memory_space<vmem>> -> memref<1x32768xf32, #tpu.memory_space<vmem>>
    %dma_start3A_102 = tpu.memref_squeeze %dma_start3A_101 : memref<1x32768xf32, #tpu.memory_space<vmem>> -> memref<32768xf32, #tpu.memory_space<vmem>>
    tpu.enqueue_dma source(%dma_start3A_102 : memref<32768xf32, #tpu.memory_space<vmem>>) target(%dma_start3A_99 : memref<32768xf32, #tpu.memory_space<hbm>>) target_semaphore(%arg16 : memref<!tpu.dma_semaphore, #tpu.memory_space<semaphore_mem>>)
    %dma_wait3A_103 = arith.constant 0 : i32
    %dma_wait3A_104 = arith.constant 0 : i32
    %dma_wait3A_105 = tpu.memref_slice %arg7[%dma_wait3A_103, %dma_wait3A_104] : memref<2x32768xf32, #tpu.memory_space<vmem>> -> memref<1x32768xf32, #tpu.memory_space<vmem>>
    %dma_wait3A_106 = tpu.memref_squeeze %dma_wait3A_105 : memref<1x32768xf32, #tpu.memory_space<vmem>> -> memref<32768xf32, #tpu.memory_space<vmem>>
    %dma_wait3A_107 = tpu.memref_slice %arg6[%add3A_75] : memref<16777216xf32, #tpu.memory_space<hbm>> -> memref<32768xf32, #tpu.memory_space<hbm>>
    %dma_wait3A_108 = tpu.memref_slice %arg6[%add3A_75] : memref<16777216xf32, #tpu.memory_space<hbm>> -> memref<32768xf32, #tpu.memory_space<hbm>>
    %dma_wait3A_109 = arith.constant 0 : i32
    %dma_wait3A_110 = tpu.memref_slice %arg7[%dma_wait3A_103, %dma_wait3A_109] : memref<2x32768xf32, #tpu.memory_space<vmem>> -> memref<1x32768xf32, #tpu.memory_space<vmem>>
    %dma_wait3A_111 = tpu.memref_squeeze %dma_wait3A_110 : memref<1x32768xf32, #tpu.memory_space<vmem>> -> memref<32768xf32, #tpu.memory_space<vmem>>
    tpu.wait_dma2 semaphore(%arg16 : memref<!tpu.dma_semaphore, #tpu.memory_space<semaphore_mem>>) src(%dma_wait3A_111 : memref<32768xf32, #tpu.memory_space<vmem>>) dst(%dma_wait3A_108 : memref<32768xf32, #tpu.memory_space<hbm>>)
    %dma_wait3A_112 = arith.constant 0 : i32
    %dma_wait3A_113 = arith.constant 0 : i32
    %dma_wait3A_114 = tpu.memref_slice %arg7[%dma_wait3A_112, %dma_wait3A_113] : memref<2x32768xf32, #tpu.memory_space<vmem>> -> memref<1x32768xf32, #tpu.memory_space<vmem>>
    %dma_wait3A_115 = tpu.memref_squeeze %dma_wait3A_114 : memref<1x32768xf32, #tpu.memory_space<vmem>> -> memref<32768xf32, #tpu.memory_space<vmem>>
    %dma_wait3A_116 = tpu.memref_slice %arg6[%add3A_93] : memref<16777216xf32, #tpu.memory_space<hbm>> -> memref<32768xf32, #tpu.memory_space<hbm>>
    %dma_wait3A_117 = tpu.memref_slice %arg6[%add3A_93] : memref<16777216xf32, #tpu.memory_space<hbm>> -> memref<32768xf32, #tpu.memory_space<hbm>>
    %dma_wait3A_118 = arith.constant 0 : i32
    %dma_wait3A_119 = tpu.memref_slice %arg7[%dma_wait3A_112, %dma_wait3A_118] : memref<2x32768xf32, #tpu.memory_space<vmem>> -> memref<1x32768xf32, #tpu.memory_space<vmem>>
    %dma_wait3A_120 = tpu.memref_squeeze %dma_wait3A_119 : memref<1x32768xf32, #tpu.memory_space<vmem>> -> memref<32768xf32, #tpu.memory_space<vmem>>
    tpu.wait_dma2 semaphore(%arg16 : memref<!tpu.dma_semaphore, #tpu.memory_space<semaphore_mem>>) src(%dma_wait3A_120 : memref<32768xf32, #tpu.memory_space<vmem>>) dst(%dma_wait3A_117 : memref<32768xf32, #tpu.memory_space<hbm>>)
    %add3A_121 = arith.constant 65536 : i32
    %add3A_122 = arith.addi %mul3A_36, %add3A_121 : i32
    %dma_start3A_123 = arith.constant 0 : i32
    %dma_start3A_124 = arith.constant 0 : i32
    %dma_start3A_125 = tpu.memref_slice %arg7[%dma_start3A_123, %dma_start3A_124] : memref<2x32768xf32, #tpu.memory_space<vmem>> -> memref<1x32768xf32, #tpu.memory_space<vmem>>
    %dma_start3A_126 = tpu.memref_squeeze %dma_start3A_125 : memref<1x32768xf32, #tpu.memory_space<vmem>> -> memref<32768xf32, #tpu.memory_space<vmem>>
    %dma_start3A_127 = tpu.memref_slice %arg2[%add3A_122] : memref<4194304xf32, #tpu.memory_space<hbm>> -> memref<32768xf32, #tpu.memory_space<hbm>>
    %dma_start3A_128 = arith.constant 0 : i32
    %dma_start3A_129 = tpu.memref_slice %arg7[%dma_start3A_123, %dma_start3A_128] : memref<2x32768xf32, #tpu.memory_space<vmem>> -> memref<1x32768xf32, #tpu.memory_space<vmem>>
    %dma_start3A_130 = tpu.memref_squeeze %dma_start3A_129 : memref<1x32768xf32, #tpu.memory_space<vmem>> -> memref<32768xf32, #tpu.memory_space<vmem>>
    %dma_start3A_131 = tpu.memref_slice %arg2[%add3A_122] : memref<4194304xf32, #tpu.memory_space<hbm>> -> memref<32768xf32, #tpu.memory_space<hbm>>
    tpu.enqueue_dma source(%dma_start3A_131 : memref<32768xf32, #tpu.memory_space<hbm>>) target(%dma_start3A_130 : memref<32768xf32, #tpu.memory_space<vmem>>) target_semaphore(%arg15 : memref<!tpu.dma_semaphore, #tpu.memory_space<semaphore_mem>>)
    %dma_wait3A_132 = arith.constant 1 : i32
    %dma_wait3A_133 = arith.constant 0 : i32
    %dma_wait3A_134 = tpu.memref_slice %arg7[%dma_wait3A_132, %dma_wait3A_133] : memref<2x32768xf32, #tpu.memory_space<vmem>> -> memref<1x32768xf32, #tpu.memory_space<vmem>>
    %dma_wait3A_135 = tpu.memref_squeeze %dma_wait3A_134 : memref<1x32768xf32, #tpu.memory_space<vmem>> -> memref<32768xf32, #tpu.memory_space<vmem>>
    %dma_wait3A_136 = tpu.memref_slice %arg2[%add3A_49] : memref<4194304xf32, #tpu.memory_space<hbm>> -> memref<32768xf32, #tpu.memory_space<hbm>>
    %dma_wait3A_137 = arith.constant 0 : i32
    %dma_wait3A_138 = tpu.memref_slice %arg7[%dma_wait3A_132, %dma_wait3A_137] : memref<2x32768xf32, #tpu.memory_space<vmem>> -> memref<1x32768xf32, #tpu.memory_space<vmem>>
    %dma_wait3A_139 = tpu.memref_squeeze %dma_wait3A_138 : memref<1x32768xf32, #tpu.memory_space<vmem>> -> memref<32768xf32, #tpu.memory_space<vmem>>
    %dma_wait3A_140 = tpu.memref_slice %arg2[%add3A_49] : memref<4194304xf32, #tpu.memory_space<hbm>> -> memref<32768xf32, #tpu.memory_space<hbm>>
    tpu.wait_dma2 semaphore(%arg15 : memref<!tpu.dma_semaphore, #tpu.memory_space<semaphore_mem>>) src(%dma_wait3A_140 : memref<32768xf32, #tpu.memory_space<hbm>>) dst(%dma_wait3A_139 : memref<32768xf32, #tpu.memory_space<vmem>>)
    %mul3A_141 = arith.constant 2 : i32
    %mul3A_142 = arith.muli %arg0, %mul3A_141 : i32
    %add3A_143 = arith.constant 0 : i32
    %add3A_144 = arith.addi %mul3A_142, %add3A_143 : i32
    %mul3A_145 = arith.constant 4194304 : i32
    %mul3A_146 = arith.muli %add3A_144, %mul3A_145 : i32
    %add3A_147 = arith.addi %mul3A_146, %mul3A_36 : i32
    %add3A_148 = arith.constant 32768 : i32
    %add3A_149 = arith.addi %add3A_147, %add3A_148 : i32
    %dma_start3A_150 = arith.constant 1 : i32
    %dma_start3A_151 = arith.constant 0 : i32
    %dma_start3A_152 = tpu.memref_slice %arg7[%dma_start3A_150, %dma_start3A_151] : memref<2x32768xf32, #tpu.memory_space<vmem>> -> memref<1x32768xf32, #tpu.memory_space<vmem>>
    %dma_start3A_153 = tpu.memref_squeeze %dma_start3A_152 : memref<1x32768xf32, #tpu.memory_space<vmem>> -> memref<32768xf32, #tpu.memory_space<vmem>>
    %dma_start3A_154 = tpu.memref_slice %arg6[%add3A_149] : memref<16777216xf32, #tpu.memory_space<hbm>> -> memref<32768xf32, #tpu.memory_space<hbm>>
    %dma_start3A_155 = tpu.memref_slice %arg6[%add3A_149] : memref<16777216xf32, #tpu.memory_space<hbm>> -> memref<32768xf32, #tpu.memory_space<hbm>>
    %dma_start3A_156 = arith.constant 0 : i32
    %dma_start3A_157 = tpu.memref_slice %arg7[%dma_start3A_150, %dma_start3A_156] : memref<2x32768xf32, #tpu.memory_space<vmem>> -> memref<1x32768xf32, #tpu.memory_space<vmem>>
    %dma_start3A_158 = tpu.memref_squeeze %dma_start3A_157 : memref<1x32768xf32, #tpu.memory_space<vmem>> -> memref<32768xf32, #tpu.memory_space<vmem>>
    tpu.enqueue_dma source(%dma_start3A_158 : memref<32768xf32, #tpu.memory_space<vmem>>) target(%dma_start3A_155 : memref<32768xf32, #tpu.memory_space<hbm>>) target_semaphore(%arg16 : memref<!tpu.dma_semaphore, #tpu.memory_space<semaphore_mem>>)
    %mul3A_159 = arith.constant 2 : i32
    %mul3A_160 = arith.muli %arg0, %mul3A_159 : i32
    %add3A_161 = arith.constant 1 : i32
    %add3A_162 = arith.addi %mul3A_160, %add3A_161 : i32
    %mul3A_163 = arith.constant 4194304 : i32
    %mul3A_164 = arith.muli %add3A_162, %mul3A_163 : i32
    %add3A_165 = arith.addi %mul3A_164, %mul3A_36 : i32
    %add3A_166 = arith.constant 32768 : i32
    %add3A_167 = arith.addi %add3A_165, %add3A_166 : i32
    %dma_start3A_168 = arith.constant 1 : i32
    %dma_start3A_169 = arith.constant 0 : i32
    %dma_start3A_170 = tpu.memref_slice %arg7[%dma_start3A_168, %dma_start3A_169] : memref<2x32768xf32, #tpu.memory_space<vmem>> -> memref<1x32768xf32, #tpu.memory_space<vmem>>
    %dma_start3A_171 = tpu.memref_squeeze %dma_start3A_170 : memref<1x32768xf32, #tpu.memory_space<vmem>> -> memref<32768xf32, #tpu.memory_space<vmem>>
    %dma_start3A_172 = tpu.memref_slice %arg6[%add3A_167] : memref<16777216xf32, #tpu.memory_space<hbm>> -> memref<32768xf32, #tpu.memory_space<hbm>>
    %dma_start3A_173 = tpu.memref_slice %arg6[%add3A_167] : memref<16777216xf32, #tpu.memory_space<hbm>> -> memref<32768xf32, #tpu.memory_space<hbm>>
    %dma_start3A_174 = arith.constant 0 : i32
    %dma_start3A_175 = tpu.memref_slice %arg7[%dma_start3A_168, %dma_start3A_174] : memref<2x32768xf32, #tpu.memory_space<vmem>> -> memref<1x32768xf32, #tpu.memory_space<vmem>>
    %dma_start3A_176 = tpu.memref_squeeze %dma_start3A_175 : memref<1x32768xf32, #tpu.memory_space<vmem>> -> memref<32768xf32, #tpu.memory_space<vmem>>
    tpu.enqueue_dma source(%dma_start3A_176 : memref<32768xf32, #tpu.memory_space<vmem>>) target(%dma_start3A_173 : memref<32768xf32, #tpu.memory_space<hbm>>) target_semaphore(%arg16 : memref<!tpu.dma_semaphore, #tpu.memory_space<semaphore_mem>>)
    %dma_wait3A_177 = arith.constant 1 : i32
    %dma_wait3A_178 = arith.constant 0 : i32
    %dma_wait3A_179 = tpu.memref_slice %arg7[%dma_wait3A_177, %dma_wait3A_178] : memref<2x32768xf32, #tpu.memory_space<vmem>> -> memref<1x32768xf32, #tpu.memory_space<vmem>>
    %dma_wait3A_180 = tpu.memref_squeeze %dma_wait3A_179 : memref<1x32768xf32, #tpu.memory_space<vmem>> -> memref<32768xf32, #tpu.memory_space<vmem>>
    %dma_wait3A_181 = tpu.memref_slice %arg6[%add3A_149] : memref<16777216xf32, #tpu.memory_space<hbm>> -> memref<32768xf32, #tpu.memory_space<hbm>>
    %dma_wait3A_182 = tpu.memref_slice %arg6[%add3A_149] : memref<16777216xf32, #tpu.memory_space<hbm>> -> memref<32768xf32, #tpu.memory_space<hbm>>
    %dma_wait3A_183 = arith.constant 0 : i32
    %dma_wait3A_184 = tpu.memref_slice %arg7[%dma_wait3A_177, %dma_wait3A_183] : memref<2x32768xf32, #tpu.memory_space<vmem>> -> memref<1x32768xf32, #tpu.memory_space<vmem>>
    %dma_wait3A_185 = tpu.memref_squeeze %dma_wait3A_184 : memref<1x32768xf32, #tpu.memory_space<vmem>> -> memref<32768xf32, #tpu.memory_space<vmem>>
    tpu.wait_dma2 semaphore(%arg16 : memref<!tpu.dma_semaphore, #tpu.memory_space<semaphore_mem>>) src(%dma_wait3A_185 : memref<32768xf32, #tpu.memory_space<vmem>>) dst(%dma_wait3A_182 : memref<32768xf32, #tpu.memory_space<hbm>>)
    %dma_wait3A_186 = arith.constant 1 : i32
    %dma_wait3A_187 = arith.constant 0 : i32
    %dma_wait3A_188 = tpu.memref_slice %arg7[%dma_wait3A_186, %dma_wait3A_187] : memref<2x32768xf32, #tpu.memory_space<vmem>> -> memref<1x32768xf32, #tpu.memory_space<vmem>>
    %dma_wait3A_189 = tpu.memref_squeeze %dma_wait3A_188 : memref<1x32768xf32, #tpu.memory_space<vmem>> -> memref<32768xf32, #tpu.memory_space<vmem>>
    %dma_wait3A_190 = tpu.memref_slice %arg6[%add3A_167] : memref<16777216xf32, #tpu.memory_space<hbm>> -> memref<32768xf32, #tpu.memory_space<hbm>>
    %dma_wait3A_191 = tpu.memref_slice %arg6[%add3A_167] : memref<16777216xf32, #tpu.memory_space<hbm>> -> memref<32768xf32, #tpu.memory_space<hbm>>
    %dma_wait3A_192 = arith.constant 0 : i32
    %dma_wait3A_193 = tpu.memref_slice %arg7[%dma_wait3A_186, %dma_wait3A_192] : memref<2x32768xf32, #tpu.memory_space<vmem>> -> memref<1x32768xf32, #tpu.memory_space<vmem>>
    %dma_wait3A_194 = tpu.memref_squeeze %dma_wait3A_193 : memref<1x32768xf32, #tpu.memory_space<vmem>> -> memref<32768xf32, #tpu.memory_space<vmem>>
    tpu.wait_dma2 semaphore(%arg16 : memref<!tpu.dma_semaphore, #tpu.memory_space<semaphore_mem>>) src(%dma_wait3A_194 : memref<32768xf32, #tpu.memory_space<vmem>>) dst(%dma_wait3A_191 : memref<32768xf32, #tpu.memory_space<hbm>>)
    %add3A_195 = arith.constant 98304 : i32
    %add3A_196 = arith.addi %mul3A_36, %add3A_195 : i32
    %dma_start3A_197 = arith.constant 1 : i32
    %dma_start3A_198 = arith.constant 0 : i32
    %dma_start3A_199 = tpu.memref_slice %arg7[%dma_start3A_197, %dma_start3A_198] : memref<2x32768xf32, #tpu.memory_space<vmem>> -> memref<1x32768xf32, #tpu.memory_space<vmem>>
    %dma_start3A_200 = tpu.memref_squeeze %dma_start3A_199 : memref<1x32768xf32, #tpu.memory_space<vmem>> -> memref<32768xf32, #tpu.memory_space<vmem>>
    %dma_start3A_201 = tpu.memref_slice %arg2[%add3A_196] : memref<4194304xf32, #tpu.memory_space<hbm>> -> memref<32768xf32, #tpu.memory_space<hbm>>
    %dma_start3A_202 = arith.constant 0 : i32
    %dma_start3A_203 = tpu.memref_slice %arg7[%dma_start3A_197, %dma_start3A_202] : memref<2x32768xf32, #tpu.memory_space<vmem>> -> memref<1x32768xf32, #tpu.memory_space<vmem>>
    %dma_start3A_204 = tpu.memref_squeeze %dma_start3A_203 : memref<1x32768xf32, #tpu.memory_space<vmem>> -> memref<32768xf32, #tpu.memory_space<vmem>>
    %dma_start3A_205 = tpu.memref_slice %arg2[%add3A_196] : memref<4194304xf32, #tpu.memory_space<hbm>> -> memref<32768xf32, #tpu.memory_space<hbm>>
    tpu.enqueue_dma source(%dma_start3A_205 : memref<32768xf32, #tpu.memory_space<hbm>>) target(%dma_start3A_204 : memref<32768xf32, #tpu.memory_space<vmem>>) target_semaphore(%arg15 : memref<!tpu.dma_semaphore, #tpu.memory_space<semaphore_mem>>)
    %dma_wait3A_206 = arith.constant 0 : i32
    %dma_wait3A_207 = arith.constant 0 : i32
    %dma_wait3A_208 = tpu.memref_slice %arg7[%dma_wait3A_206, %dma_wait3A_207] : memref<2x32768xf32, #tpu.memory_space<vmem>> -> memref<1x32768xf32, #tpu.memory_space<vmem>>
    %dma_wait3A_209 = tpu.memref_squeeze %dma_wait3A_208 : memref<1x32768xf32, #tpu.memory_space<vmem>> -> memref<32768xf32, #tpu.memory_space<vmem>>
    %dma_wait3A_210 = tpu.memref_slice %arg2[%add3A_122] : memref<4194304xf32, #tpu.memory_space<hbm>> -> memref<32768xf32, #tpu.memory_space<hbm>>
    %dma_wait3A_211 = arith.constant 0 : i32
    %dma_wait3A_212 = tpu.memref_slice %arg7[%dma_wait3A_206, %dma_wait3A_211] : memref<2x32768xf32, #tpu.memory_space<vmem>> -> memref<1x32768xf32, #tpu.memory_space<vmem>>
    %dma_wait3A_213 = tpu.memref_squeeze %dma_wait3A_212 : memref<1x32768xf32, #tpu.memory_space<vmem>> -> memref<32768xf32, #tpu.memory_space<vmem>>
    %dma_wait3A_214 = tpu.memref_slice %arg2[%add3A_122] : memref<4194304xf32, #tpu.memory_space<hbm>> -> memref<32768xf32, #tpu.memory_space<hbm>>
    tpu.wait_dma2 semaphore(%arg15 : memref<!tpu.dma_semaphore, #tpu.memory_space<semaphore_mem>>) src(%dma_wait3A_214 : memref<32768xf32, #tpu.memory_space<hbm>>) dst(%dma_wait3A_213 : memref<32768xf32, #tpu.memory_space<vmem>>)
    %mul3A_215 = arith.constant 2 : i32
    %mul3A_216 = arith.muli %arg0, %mul3A_215 : i32
    %add3A_217 = arith.constant 0 : i32
    %add3A_218 = arith.addi %mul3A_216, %add3A_217 : i32
    %mul3A_219 = arith.constant 4194304 : i32
    %mul3A_220 = arith.muli %add3A_218, %mul3A_219 : i32
    %add3A_221 = arith.addi %mul3A_220, %mul3A_36 : i32
    %add3A_222 = arith.constant 65536 : i32
    %add3A_223 = arith.addi %add3A_221, %add3A_222 : i32
    %dma_start3A_224 = arith.constant 0 : i32
    %dma_start3A_225 = arith.constant 0 : i32
    %dma_start3A_226 = tpu.memref_slice %arg7[%dma_start3A_224, %dma_start3A_225] : memref<2x32768xf32, #tpu.memory_space<vmem>> -> memref<1x32768xf32, #tpu.memory_space<vmem>>
    %dma_start3A_227 = tpu.memref_squeeze %dma_start3A_226 : memref<1x32768xf32, #tpu.memory_space<vmem>> -> memref<32768xf32, #tpu.memory_space<vmem>>
    %dma_start3A_228 = tpu.memref_slice %arg6[%add3A_223] : memref<16777216xf32, #tpu.memory_space<hbm>> -> memref<32768xf32, #tpu.memory_space<hbm>>
    %dma_start3A_229 = tpu.memref_slice %arg6[%add3A_223] : memref<16777216xf32, #tpu.memory_space<hbm>> -> memref<32768xf32, #tpu.memory_space<hbm>>
    %dma_start3A_230 = arith.constant 0 : i32
    %dma_start3A_231 = tpu.memref_slice %arg7[%dma_start3A_224, %dma_start3A_230] : memref<2x32768xf32, #tpu.memory_space<vmem>> -> memref<1x32768xf32, #tpu.memory_space<vmem>>
    %dma_start3A_232 = tpu.memref_squeeze %dma_start3A_231 : memref<1x32768xf32, #tpu.memory_space<vmem>> -> memref<32768xf32, #tpu.memory_space<vmem>>
    tpu.enqueue_dma source(%dma_start3A_232 : memref<32768xf32, #tpu.memory_space<vmem>>) target(%dma_start3A_229 : memref<32768xf32, #tpu.memory_space<hbm>>) target_semaphore(%arg16 : memref<!tpu.dma_semaphore, #tpu.memory_space<semaphore_mem>>)
    %mul3A_233 = arith.constant 2 : i32
    %mul3A_234 = arith.muli %arg0, %mul3A_233 : i32
    %add3A_235 = arith.constant 1 : i32
    %add3A_236 = arith.addi %mul3A_234, %add3A_235 : i32
    %mul3A_237 = arith.constant 4194304 : i32
    %mul3A_238 = arith.muli %add3A_236, %mul3A_237 : i32
    %add3A_239 = arith.addi %mul3A_238, %mul3A_36 : i32
    %add3A_240 = arith.constant 65536 : i32
    %add3A_241 = arith.addi %add3A_239, %add3A_240 : i32
    %dma_start3A_242 = arith.constant 0 : i32
    %dma_start3A_243 = arith.constant 0 : i32
    %dma_start3A_244 = tpu.memref_slice %arg7[%dma_start3A_242, %dma_start3A_243] : memref<2x32768xf32, #tpu.memory_space<vmem>> -> memref<1x32768xf32, #tpu.memory_space<vmem>>
    %dma_start3A_245 = tpu.memref_squeeze %dma_start3A_244 : memref<1x32768xf32, #tpu.memory_space<vmem>> -> memref<32768xf32, #tpu.memory_space<vmem>>
    %dma_start3A_246 = tpu.memref_slice %arg6[%add3A_241] : memref<16777216xf32, #tpu.memory_space<hbm>> -> memref<32768xf32, #tpu.memory_space<hbm>>
    %dma_start3A_247 = tpu.memref_slice %arg6[%add3A_241] : memref<16777216xf32, #tpu.memory_space<hbm>> -> memref<32768xf32, #tpu.memory_space<hbm>>
    %dma_start3A_248 = arith.constant 0 : i32
    %dma_start3A_249 = tpu.memref_slice %arg7[%dma_start3A_242, %dma_start3A_248] : memref<2x32768xf32, #tpu.memory_space<vmem>> -> memref<1x32768xf32, #tpu.memory_space<vmem>>
    %dma_start3A_250 = tpu.memref_squeeze %dma_start3A_249 : memref<1x32768xf32, #tpu.memory_space<vmem>> -> memref<32768xf32, #tpu.memory_space<vmem>>
    tpu.enqueue_dma source(%dma_start3A_250 : memref<32768xf32, #tpu.memory_space<vmem>>) target(%dma_start3A_247 : memref<32768xf32, #tpu.memory_space<hbm>>) target_semaphore(%arg16 : memref<!tpu.dma_semaphore, #tpu.memory_space<semaphore_mem>>)
    %dma_wait3A_251 = arith.constant 0 : i32
    %dma_wait3A_252 = arith.constant 0 : i32
    %dma_wait3A_253 = tpu.memref_slice %arg7[%dma_wait3A_251, %dma_wait3A_252] : memref<2x32768xf32, #tpu.memory_space<vmem>> -> memref<1x32768xf32, #tpu.memory_space<vmem>>
    %dma_wait3A_254 = tpu.memref_squeeze %dma_wait3A_253 : memref<1x32768xf32, #tpu.memory_space<vmem>> -> memref<32768xf32, #tpu.memory_space<vmem>>
    %dma_wait3A_255 = tpu.memref_slice %arg6[%add3A_223] : memref<16777216xf32, #tpu.memory_space<hbm>> -> memref<32768xf32, #tpu.memory_space<hbm>>
    %dma_wait3A_256 = tpu.memref_slice %arg6[%add3A_223] : memref<16777216xf32, #tpu.memory_space<hbm>> -> memref<32768xf32, #tpu.memory_space<hbm>>
    %dma_wait3A_257 = arith.constant 0 : i32
    %dma_wait3A_258 = tpu.memref_slice %arg7[%dma_wait3A_251, %dma_wait3A_257] : memref<2x32768xf32, #tpu.memory_space<vmem>> -> memref<1x32768xf32, #tpu.memory_space<vmem>>
    %dma_wait3A_259 = tpu.memref_squeeze %dma_wait3A_258 : memref<1x32768xf32, #tpu.memory_space<vmem>> -> memref<32768xf32, #tpu.memory_space<vmem>>
    tpu.wait_dma2 semaphore(%arg16 : memref<!tpu.dma_semaphore, #tpu.memory_space<semaphore_mem>>) src(%dma_wait3A_259 : memref<32768xf32, #tpu.memory_space<vmem>>) dst(%dma_wait3A_256 : memref<32768xf32, #tpu.memory_space<hbm>>)
    %dma_wait3A_260 = arith.constant 0 : i32
    %dma_wait3A_261 = arith.constant 0 : i32
    %dma_wait3A_262 = tpu.memref_slice %arg7[%dma_wait3A_260, %dma_wait3A_261] : memref<2x32768xf32, #tpu.memory_space<vmem>> -> memref<1x32768xf32, #tpu.memory_space<vmem>>
    %dma_wait3A_263 = tpu.memref_squeeze %dma_wait3A_262 : memref<1x32768xf32, #tpu.memory_space<vmem>> -> memref<32768xf32, #tpu.memory_space<vmem>>
    %dma_wait3A_264 = tpu.memref_slice %arg6[%add3A_241] : memref<16777216xf32, #tpu.memory_space<hbm>> -> memref<32768xf32, #tpu.memory_space<hbm>>
    %dma_wait3A_265 = tpu.memref_slice %arg6[%add3A_241] : memref<16777216xf32, #tpu.memory_space<hbm>> -> memref<32768xf32, #tpu.memory_space<hbm>>
    %dma_wait3A_266 = arith.constant 0 : i32
    %dma_wait3A_267 = tpu.memref_slice %arg7[%dma_wait3A_260, %dma_wait3A_266] : memref<2x32768xf32, #tpu.memory_space<vmem>> -> memref<1x32768xf32, #tpu.memory_space<vmem>>
    %dma_wait3A_268 = tpu.memref_squeeze %dma_wait3A_267 : memref<1x32768xf32, #tpu.memory_space<vmem>> -> memref<32768xf32, #tpu.memory_space<vmem>>
    tpu.wait_dma2 semaphore(%arg16 : memref<!tpu.dma_semaphore, #tpu.memory_space<semaphore_mem>>) src(%dma_wait3A_268 : memref<32768xf32, #tpu.memory_space<vmem>>) dst(%dma_wait3A_265 : memref<32768xf32, #tpu.memory_space<hbm>>)
    %add3A_269 = arith.constant 131072 : i32
    %add3A_270 = arith.addi %mul3A_36, %add3A_269 : i32
    %dma_start3A_271 = arith.constant 0 : i32
    %dma_start3A_272 = arith.constant 0 : i32
    %dma_start3A_273 = tpu.memref_slice %arg7[%dma_start3A_271, %dma_start3A_272] : memref<2x32768xf32, #tpu.memory_space<vmem>> -> memref<1x32768xf32, #tpu.memory_space<vmem>>
    %dma_start3A_274 = tpu.memref_squeeze %dma_start3A_273 : memref<1x32768xf32, #tpu.memory_space<vmem>> -> memref<32768xf32, #tpu.memory_space<vmem>>
    %dma_start3A_275 = tpu.memref_slice %arg2[%add3A_270] : memref<4194304xf32, #tpu.memory_space<hbm>> -> memref<32768xf32, #tpu.memory_space<hbm>>
    %dma_start3A_276 = arith.constant 0 : i32
    %dma_start3A_277 = tpu.memref_slice %arg7[%dma_start3A_271, %dma_start3A_276] : memref<2x32768xf32, #tpu.memory_space<vmem>> -> memref<1x32768xf32, #tpu.memory_space<vmem>>
    %dma_start3A_278 = tpu.memref_squeeze %dma_start3A_277 : memref<1x32768xf32, #tpu.memory_space<vmem>> -> memref<32768xf32, #tpu.memory_space<vmem>>
    %dma_start3A_279 = tpu.memref_slice %arg2[%add3A_270] : memref<4194304xf32, #tpu.memory_space<hbm>> -> memref<32768xf32, #tpu.memory_space<hbm>>
    tpu.enqueue_dma source(%dma_start3A_279 : memref<32768xf32, #tpu.memory_space<hbm>>) target(%dma_start3A_278 : memref<32768xf32, #tpu.memory_space<vmem>>) target_semaphore(%arg15 : memref<!tpu.dma_semaphore, #tpu.memory_space<semaphore_mem>>)
    %dma_wait3A_280 = arith.constant 1 : i32
    %dma_wait3A_281 = arith.constant 0 : i32
    %dma_wait3A_282 = tpu.memref_slice %arg7[%dma_wait3A_280, %dma_wait3A_281] : memref<2x32768xf32, #tpu.memory_space<vmem>> -> memref<1x32768xf32, #tpu.memory_space<vmem>>
    %dma_wait3A_283 = tpu.memref_squeeze %dma_wait3A_282 : memref<1x32768xf32, #tpu.memory_space<vmem>> -> memref<32768xf32, #tpu.memory_space<vmem>>
    %dma_wait3A_284 = tpu.memref_slice %arg2[%add3A_196] : memref<4194304xf32, #tpu.memory_space<hbm>> -> memref<32768xf32, #tpu.memory_space<hbm>>
    %dma_wait3A_285 = arith.constant 0 : i32
    %dma_wait3A_286 = tpu.memref_slice %arg7[%dma_wait3A_280, %dma_wait3A_285] : memref<2x32768xf32, #tpu.memory_space<vmem>> -> memref<1x32768xf32, #tpu.memory_space<vmem>>
    %dma_wait3A_287 = tpu.memref_squeeze %dma_wait3A_286 : memref<1x32768xf32, #tpu.memory_space<vmem>> -> memref<32768xf32, #tpu.memory_space<vmem>>
    %dma_wait3A_288 = tpu.memref_slice %arg2[%add3A_196] : memref<4194304xf32, #tpu.memory_space<hbm>> -> memref<32768xf32, #tpu.memory_space<hbm>>
    tpu.wait_dma2 semaphore(%arg15 : memref<!tpu.dma_semaphore, #tpu.memory_space<semaphore_mem>>) src(%dma_wait3A_288 : memref<32768xf32, #tpu.memory_space<hbm>>) dst(%dma_wait3A_287 : memref<32768xf32, #tpu.memory_space<vmem>>)
    %mul3A_289 = arith.constant 2 : i32
    %mul3A_290 = arith.muli %arg0, %mul3A_289 : i32
    %add3A_291 = arith.constant 0 : i32
    %add3A_292 = arith.addi %mul3A_290, %add3A_291 : i32
    %mul3A_293 = arith.constant 4194304 : i32
    %mul3A_294 = arith.muli %add3A_292, %mul3A_293 : i32
    %add3A_295 = arith.addi %mul3A_294, %mul3A_36 : i32
    %add3A_296 = arith.constant 98304 : i32
    %add3A_297 = arith.addi %add3A_295, %add3A_296 : i32
    %dma_start3A_298 = arith.constant 1 : i32
    %dma_start3A_299 = arith.constant 0 : i32
    %dma_start3A_300 = tpu.memref_slice %arg7[%dma_start3A_298, %dma_start3A_299] : memref<2x32768xf32, #tpu.memory_space<vmem>> -> memref<1x32768xf32, #tpu.memory_space<vmem>>
    %dma_start3A_301 = tpu.memref_squeeze %dma_start3A_300 : memref<1x32768xf32, #tpu.memory_space<vmem>> -> memref<32768xf32, #tpu.memory_space<vmem>>
    %dma_start3A_302 = tpu.memref_slice %arg6[%add3A_297] : memref<16777216xf32, #tpu.memory_space<hbm>> -> memref<32768xf32, #tpu.memory_space<hbm>>
    %dma_start3A_303 = tpu.memref_slice %arg6[%add3A_297] : memref<16777216xf32, #tpu.memory_space<hbm>> -> memref<32768xf32, #tpu.memory_space<hbm>>
    %dma_start3A_304 = arith.constant 0 : i32
    %dma_start3A_305 = tpu.memref_slice %arg7[%dma_start3A_298, %dma_start3A_304] : memref<2x32768xf32, #tpu.memory_space<vmem>> -> memref<1x32768xf32, #tpu.memory_space<vmem>>
    %dma_start3A_306 = tpu.memref_squeeze %dma_start3A_305 : memref<1x32768xf32, #tpu.memory_space<vmem>> -> memref<32768xf32, #tpu.memory_space<vmem>>
    tpu.enqueue_dma source(%dma_start3A_306 : memref<32768xf32, #tpu.memory_space<vmem>>) target(%dma_start3A_303 : memref<32768xf32, #tpu.memory_space<hbm>>) target_semaphore(%arg16 : memref<!tpu.dma_semaphore, #tpu.memory_space<semaphore_mem>>)
    %mul3A_307 = arith.constant 2 : i32
    %mul3A_308 = arith.muli %arg0, %mul3A_307 : i32
    %add3A_309 = arith.constant 1 : i32
    %add3A_310 = arith.addi %mul3A_308, %add3A_309 : i32
    %mul3A_311 = arith.constant 4194304 : i32
    %mul3A_312 = arith.muli %add3A_310, %mul3A_311 : i32
    %add3A_313 = arith.addi %mul3A_312, %mul3A_36 : i32
    %add3A_314 = arith.constant 98304 : i32
    %add3A_315 = arith.addi %add3A_313, %add3A_314 : i32
    %dma_start3A_316 = arith.constant 1 : i32
    %dma_start3A_317 = arith.constant 0 : i32
    %dma_start3A_318 = tpu.memref_slice %arg7[%dma_start3A_316, %dma_start3A_317] : memref<2x32768xf32, #tpu.memory_space<vmem>> -> memref<1x32768xf32, #tpu.memory_space<vmem>>
    %dma_start3A_319 = tpu.memref_squeeze %dma_start3A_318 : memref<1x32768xf32, #tpu.memory_space<vmem>> -> memref<32768xf32, #tpu.memory_space<vmem>>
    %dma_start3A_320 = tpu.memref_slice %arg6[%add3A_315] : memref<16777216xf32, #tpu.memory_space<hbm>> -> memref<32768xf32, #tpu.memory_space<hbm>>
    %dma_start3A_321 = tpu.memref_slice %arg6[%add3A_315] : memref<16777216xf32, #tpu.memory_space<hbm>> -> memref<32768xf32, #tpu.memory_space<hbm>>
    %dma_start3A_322 = arith.constant 0 : i32
    %dma_start3A_323 = tpu.memref_slice %arg7[%dma_start3A_316, %dma_start3A_322] : memref<2x32768xf32, #tpu.memory_space<vmem>> -> memref<1x32768xf32, #tpu.memory_space<vmem>>
    %dma_start3A_324 = tpu.memref_squeeze %dma_start3A_323 : memref<1x32768xf32, #tpu.memory_space<vmem>> -> memref<32768xf32, #tpu.memory_space<vmem>>
    tpu.enqueue_dma source(%dma_start3A_324 : memref<32768xf32, #tpu.memory_space<vmem>>) target(%dma_start3A_321 : memref<32768xf32, #tpu.memory_space<hbm>>) target_semaphore(%arg16 : memref<!tpu.dma_semaphore, #tpu.memory_space<semaphore_mem>>)
    %dma_wait3A_325 = arith.constant 1 : i32
    %dma_wait3A_326 = arith.constant 0 : i32
    %dma_wait3A_327 = tpu.memref_slice %arg7[%dma_wait3A_325, %dma_wait3A_326] : memref<2x32768xf32, #tpu.memory_space<vmem>> -> memref<1x32768xf32, #tpu.memory_space<vmem>>
    %dma_wait3A_328 = tpu.memref_squeeze %dma_wait3A_327 : memref<1x32768xf32, #tpu.memory_space<vmem>> -> memref<32768xf32, #tpu.memory_space<vmem>>
    %dma_wait3A_329 = tpu.memref_slice %arg6[%add3A_297] : memref<16777216xf32, #tpu.memory_space<hbm>> -> memref<32768xf32, #tpu.memory_space<hbm>>
    %dma_wait3A_330 = tpu.memref_slice %arg6[%add3A_297] : memref<16777216xf32, #tpu.memory_space<hbm>> -> memref<32768xf32, #tpu.memory_space<hbm>>
    %dma_wait3A_331 = arith.constant 0 : i32
    %dma_wait3A_332 = tpu.memref_slice %arg7[%dma_wait3A_325, %dma_wait3A_331] : memref<2x32768xf32, #tpu.memory_space<vmem>> -> memref<1x32768xf32, #tpu.memory_space<vmem>>
    %dma_wait3A_333 = tpu.memref_squeeze %dma_wait3A_332 : memref<1x32768xf32, #tpu.memory_space<vmem>> -> memref<32768xf32, #tpu.memory_space<vmem>>
    tpu.wait_dma2 semaphore(%arg16 : memref<!tpu.dma_semaphore, #tpu.memory_space<semaphore_mem>>) src(%dma_wait3A_333 : memref<32768xf32, #tpu.memory_space<vmem>>) dst(%dma_wait3A_330 : memref<32768xf32, #tpu.memory_space<hbm>>)
    %dma_wait3A_334 = arith.constant 1 : i32
    %dma_wait3A_335 = arith.constant 0 : i32
    %dma_wait3A_336 = tpu.memref_slice %arg7[%dma_wait3A_334, %dma_wait3A_335] : memref<2x32768xf32, #tpu.memory_space<vmem>> -> memref<1x32768xf32, #tpu.memory_space<vmem>>
    %dma_wait3A_337 = tpu.memref_squeeze %dma_wait3A_336 : memref<1x32768xf32, #tpu.memory_space<vmem>> -> memref<32768xf32, #tpu.memory_space<vmem>>
    %dma_wait3A_338 = tpu.memref_slice %arg6[%add3A_315] : memref<16777216xf32, #tpu.memory_space<hbm>> -> memref<32768xf32, #tpu.memory_space<hbm>>
    %dma_wait3A_339 = tpu.memref_slice %arg6[%add3A_315] : memref<16777216xf32, #tpu.memory_space<hbm>> -> memref<32768xf32, #tpu.memory_space<hbm>>
    %dma_wait3A_340 = arith.constant 0 : i32
    %dma_wait3A_341 = tpu.memref_slice %arg7[%dma_wait3A_334, %dma_wait3A_340] : memref<2x32768xf32, #tpu.memory_space<vmem>> -> memref<1x32768xf32, #tpu.memory_space<vmem>>
    %dma_wait3A_342 = tpu.memref_squeeze %dma_wait3A_341 : memref<1x32768xf32, #tpu.memory_space<vmem>> -> memref<32768xf32, #tpu.memory_space<vmem>>
    tpu.wait_dma2 semaphore(%arg16 : memref<!tpu.dma_semaphore, #tpu.memory_space<semaphore_mem>>) src(%dma_wait3A_342 : memref<32768xf32, #tpu.memory_space<vmem>>) dst(%dma_wait3A_339 : memref<32768xf32, #tpu.memory_space<hbm>>)
    %add3A_343 = arith.constant 163840 : i32
    %add3A_344 = arith.addi %mul3A_36, %add3A_343 : i32
    %dma_start3A_345 = arith.constant 1 : i32
    %dma_start3A_346 = arith.constant 0 : i32
    %dma_start3A_347 = tpu.memref_slice %arg7[%dma_start3A_345, %dma_start3A_346] : memref<2x32768xf32, #tpu.memory_space<vmem>> -> memref<1x32768xf32, #tpu.memory_space<vmem>>
    %dma_start3A_348 = tpu.memref_squeeze %dma_start3A_347 : memref<1x32768xf32, #tpu.memory_space<vmem>> -> memref<32768xf32, #tpu.memory_space<vmem>>
    %dma_start3A_349 = tpu.memref_slice %arg2[%add3A_344] : memref<4194304xf32, #tpu.memory_space<hbm>> -> memref<32768xf32, #tpu.memory_space<hbm>>
    %dma_start3A_350 = arith.constant 0 : i32
    %dma_start3A_351 = tpu.memref_slice %arg7[%dma_start3A_345, %dma_start3A_350] : memref<2x32768xf32, #tpu.memory_space<vmem>> -> memref<1x32768xf32, #tpu.memory_space<vmem>>
    %dma_start3A_352 = tpu.memref_squeeze %dma_start3A_351 : memref<1x32768xf32, #tpu.memory_space<vmem>> -> memref<32768xf32, #tpu.memory_space<vmem>>
    %dma_start3A_353 = tpu.memref_slice %arg2[%add3A_344] : memref<4194304xf32, #tpu.memory_space<hbm>> -> memref<32768xf32, #tpu.memory_space<hbm>>
    tpu.enqueue_dma source(%dma_start3A_353 : memref<32768xf32, #tpu.memory_space<hbm>>) target(%dma_start3A_352 : memref<32768xf32, #tpu.memory_space<vmem>>) target_semaphore(%arg15 : memref<!tpu.dma_semaphore, #tpu.memory_space<semaphore_mem>>)
    %dma_wait3A_354 = arith.constant 0 : i32
    %dma_wait3A_355 = arith.constant 0 : i32
    %dma_wait3A_356 = tpu.memref_slice %arg7[%dma_wait3A_354, %dma_wait3A_355] : memref<2x32768xf32, #tpu.memory_space<vmem>> -> memref<1x32768xf32, #tpu.memory_space<vmem>>
    %dma_wait3A_357 = tpu.memref_squeeze %dma_wait3A_356 : memref<1x32768xf32, #tpu.memory_space<vmem>> -> memref<32768xf32, #tpu.memory_space<vmem>>
    %dma_wait3A_358 = tpu.memref_slice %arg2[%add3A_270] : memref<4194304xf32, #tpu.memory_space<hbm>> -> memref<32768xf32, #tpu.memory_space<hbm>>
    %dma_wait3A_359 = arith.constant 0 : i32
    %dma_wait3A_360 = tpu.memref_slice %arg7[%dma_wait3A_354, %dma_wait3A_359] : memref<2x32768xf32, #tpu.memory_space<vmem>> -> memref<1x32768xf32, #tpu.memory_space<vmem>>
    %dma_wait3A_361 = tpu.memref_squeeze %dma_wait3A_360 : memref<1x32768xf32, #tpu.memory_space<vmem>> -> memref<32768xf32, #tpu.memory_space<vmem>>
    %dma_wait3A_362 = tpu.memref_slice %arg2[%add3A_270] : memref<4194304xf32, #tpu.memory_space<hbm>> -> memref<32768xf32, #tpu.memory_space<hbm>>
    tpu.wait_dma2 semaphore(%arg15 : memref<!tpu.dma_semaphore, #tpu.memory_space<semaphore_mem>>) src(%dma_wait3A_362 : memref<32768xf32, #tpu.memory_space<hbm>>) dst(%dma_wait3A_361 : memref<32768xf32, #tpu.memory_space<vmem>>)
    %mul3A_363 = arith.constant 2 : i32
    %mul3A_364 = arith.muli %arg0, %mul3A_363 : i32
    %add3A_365 = arith.constant 0 : i32
    %add3A_366 = arith.addi %mul3A_364, %add3A_365 : i32
    %mul3A_367 = arith.constant 4194304 : i32
    %mul3A_368 = arith.muli %add3A_366, %mul3A_367 : i32
    %add3A_369 = arith.addi %mul3A_368, %mul3A_36 : i32
    %add3A_370 = arith.constant 131072 : i32
    %add3A_371 = arith.addi %add3A_369, %add3A_370 : i32
    %dma_start3A_372 = arith.constant 0 : i32
    %dma_start3A_373 = arith.constant 0 : i32
    %dma_start3A_374 = tpu.memref_slice %arg7[%dma_start3A_372, %dma_start3A_373] : memref<2x32768xf32, #tpu.memory_space<vmem>> -> memref<1x32768xf32, #tpu.memory_space<vmem>>
    %dma_start3A_375 = tpu.memref_squeeze %dma_start3A_374 : memref<1x32768xf32, #tpu.memory_space<vmem>> -> memref<32768xf32, #tpu.memory_space<vmem>>
    %dma_start3A_376 = tpu.memref_slice %arg6[%add3A_371] : memref<16777216xf32, #tpu.memory_space<hbm>> -> memref<32768xf32, #tpu.memory_space<hbm>>
    %dma_start3A_377 = tpu.memref_slice %arg6[%add3A_371] : memref<16777216xf32, #tpu.memory_space<hbm>> -> memref<32768xf32, #tpu.memory_space<hbm>>
    %dma_start3A_378 = arith.constant 0 : i32
    %dma_start3A_379 = tpu.memref_slice %arg7[%dma_start3A_372, %dma_start3A_378] : memref<2x32768xf32, #tpu.memory_space<vmem>> -> memref<1x32768xf32, #tpu.memory_space<vmem>>
    %dma_start3A_380 = tpu.memref_squeeze %dma_start3A_379 : memref<1x32768xf32, #tpu.memory_space<vmem>> -> memref<32768xf32, #tpu.memory_space<vmem>>
    tpu.enqueue_dma source(%dma_start3A_380 : memref<32768xf32, #tpu.memory_space<vmem>>) target(%dma_start3A_377 : memref<32768xf32, #tpu.memory_space<hbm>>) target_semaphore(%arg16 : memref<!tpu.dma_semaphore, #tpu.memory_space<semaphore_mem>>)
    %mul3A_381 = arith.constant 2 : i32
    %mul3A_382 = arith.muli %arg0, %mul3A_381 : i32
    %add3A_383 = arith.constant 1 : i32
    %add3A_384 = arith.addi %mul3A_382, %add3A_383 : i32
    %mul3A_385 = arith.constant 4194304 : i32
    %mul3A_386 = arith.muli %add3A_384, %mul3A_385 : i32
    %add3A_387 = arith.addi %mul3A_386, %mul3A_36 : i32
    %add3A_388 = arith.constant 131072 : i32
    %add3A_389 = arith.addi %add3A_387, %add3A_388 : i32
    %dma_start3A_390 = arith.constant 0 : i32
    %dma_start3A_391 = arith.constant 0 : i32
    %dma_start3A_392 = tpu.memref_slice %arg7[%dma_start3A_390, %dma_start3A_391] : memref<2x32768xf32, #tpu.memory_space<vmem>> -> memref<1x32768xf32, #tpu.memory_space<vmem>>
    %dma_start3A_393 = tpu.memref_squeeze %dma_start3A_392 : memref<1x32768xf32, #tpu.memory_space<vmem>> -> memref<32768xf32, #tpu.memory_space<vmem>>
    %dma_start3A_394 = tpu.memref_slice %arg6[%add3A_389] : memref<16777216xf32, #tpu.memory_space<hbm>> -> memref<32768xf32, #tpu.memory_space<hbm>>
    %dma_start3A_395 = tpu.memref_slice %arg6[%add3A_389] : memref<16777216xf32, #tpu.memory_space<hbm>> -> memref<32768xf32, #tpu.memory_space<hbm>>
    %dma_start3A_396 = arith.constant 0 : i32
    %dma_start3A_397 = tpu.memref_slice %arg7[%dma_start3A_390, %dma_start3A_396] : memref<2x32768xf32, #tpu.memory_space<vmem>> -> memref<1x32768xf32, #tpu.memory_space<vmem>>
    %dma_start3A_398 = tpu.memref_squeeze %dma_start3A_397 : memref<1x32768xf32, #tpu.memory_space<vmem>> -> memref<32768xf32, #tpu.memory_space<vmem>>
    tpu.enqueue_dma source(%dma_start3A_398 : memref<32768xf32, #tpu.memory_space<vmem>>) target(%dma_start3A_395 : memref<32768xf32, #tpu.memory_space<hbm>>) target_semaphore(%arg16 : memref<!tpu.dma_semaphore, #tpu.memory_space<semaphore_mem>>)
    %dma_wait3A_399 = arith.constant 0 : i32
    %dma_wait3A_400 = arith.constant 0 : i32
    %dma_wait3A_401 = tpu.memref_slice %arg7[%dma_wait3A_399, %dma_wait3A_400] : memref<2x32768xf32, #tpu.memory_space<vmem>> -> memref<1x32768xf32, #tpu.memory_space<vmem>>
    %dma_wait3A_402 = tpu.memref_squeeze %dma_wait3A_401 : memref<1x32768xf32, #tpu.memory_space<vmem>> -> memref<32768xf32, #tpu.memory_space<vmem>>
    %dma_wait3A_403 = tpu.memref_slice %arg6[%add3A_371] : memref<16777216xf32, #tpu.memory_space<hbm>> -> memref<32768xf32, #tpu.memory_space<hbm>>
    %dma_wait3A_404 = tpu.memref_slice %arg6[%add3A_371] : memref<16777216xf32, #tpu.memory_space<hbm>> -> memref<32768xf32, #tpu.memory_space<hbm>>
    %dma_wait3A_405 = arith.constant 0 : i32
    %dma_wait3A_406 = tpu.memref_slice %arg7[%dma_wait3A_399, %dma_wait3A_405] : memref<2x32768xf32, #tpu.memory_space<vmem>> -> memref<1x32768xf32, #tpu.memory_space<vmem>>
    %dma_wait3A_407 = tpu.memref_squeeze %dma_wait3A_406 : memref<1x32768xf32, #tpu.memory_space<vmem>> -> memref<32768xf32, #tpu.memory_space<vmem>>
    tpu.wait_dma2 semaphore(%arg16 : memref<!tpu.dma_semaphore, #tpu.memory_space<semaphore_mem>>) src(%dma_wait3A_407 : memref<32768xf32, #tpu.memory_space<vmem>>) dst(%dma_wait3A_404 : memref<32768xf32, #tpu.memory_space<hbm>>)
    %dma_wait3A_408 = arith.constant 0 : i32
    %dma_wait3A_409 = arith.constant 0 : i32
    %dma_wait3A_410 = tpu.memref_slice %arg7[%dma_wait3A_408, %dma_wait3A_409] : memref<2x32768xf32, #tpu.memory_space<vmem>> -> memref<1x32768xf32, #tpu.memory_space<vmem>>
    %dma_wait3A_411 = tpu.memref_squeeze %dma_wait3A_410 : memref<1x32768xf32, #tpu.memory_space<vmem>> -> memref<32768xf32, #tpu.memory_space<vmem>>
    %dma_wait3A_412 = tpu.memref_slice %arg6[%add3A_389] : memref<16777216xf32, #tpu.memory_space<hbm>> -> memref<32768xf32, #tpu.memory_space<hbm>>
    %dma_wait3A_413 = tpu.memref_slice %arg6[%add3A_389] : memref<16777216xf32, #tpu.memory_space<hbm>> -> memref<32768xf32, #tpu.memory_space<hbm>>
    %dma_wait3A_414 = arith.constant 0 : i32
    %dma_wait3A_415 = tpu.memref_slice %arg7[%dma_wait3A_408, %dma_wait3A_414] : memref<2x32768xf32, #tpu.memory_space<vmem>> -> memref<1x32768xf32, #tpu.memory_space<vmem>>
    %dma_wait3A_416 = tpu.memref_squeeze %dma_wait3A_415 : memref<1x32768xf32, #tpu.memory_space<vmem>> -> memref<32768xf32, #tpu.memory_space<vmem>>
    tpu.wait_dma2 semaphore(%arg16 : memref<!tpu.dma_semaphore, #tpu.memory_space<semaphore_mem>>) src(%dma_wait3A_416 : memref<32768xf32, #tpu.memory_space<vmem>>) dst(%dma_wait3A_413 : memref<32768xf32, #tpu.memory_space<hbm>>)
    %add3A_417 = arith.constant 196608 : i32
    %add3A_418 = arith.addi %mul3A_36, %add3A_417 : i32
    %dma_start3A_419 = arith.constant 0 : i32
    %dma_start3A_420 = arith.constant 0 : i32
    %dma_start3A_421 = tpu.memref_slice %arg7[%dma_start3A_419, %dma_start3A_420] : memref<2x32768xf32, #tpu.memory_space<vmem>> -> memref<1x32768xf32, #tpu.memory_space<vmem>>
    %dma_start3A_422 = tpu.memref_squeeze %dma_start3A_421 : memref<1x32768xf32, #tpu.memory_space<vmem>> -> memref<32768xf32, #tpu.memory_space<vmem>>
    %dma_start3A_423 = tpu.memref_slice %arg2[%add3A_418] : memref<4194304xf32, #tpu.memory_space<hbm>> -> memref<32768xf32, #tpu.memory_space<hbm>>
    %dma_start3A_424 = arith.constant 0 : i32
    %dma_start3A_425 = tpu.memref_slice %arg7[%dma_start3A_419, %dma_start3A_424] : memref<2x32768xf32, #tpu.memory_space<vmem>> -> memref<1x32768xf32, #tpu.memory_space<vmem>>
    %dma_start3A_426 = tpu.memref_squeeze %dma_start3A_425 : memref<1x32768xf32, #tpu.memory_space<vmem>> -> memref<32768xf32, #tpu.memory_space<vmem>>
    %dma_start3A_427 = tpu.memref_slice %arg2[%add3A_418] : memref<4194304xf32, #tpu.memory_space<hbm>> -> memref<32768xf32, #tpu.memory_space<hbm>>
    tpu.enqueue_dma source(%dma_start3A_427 : memref<32768xf32, #tpu.memory_space<hbm>>) target(%dma_start3A_426 : memref<32768xf32, #tpu.memory_space<vmem>>) target_semaphore(%arg15 : memref<!tpu.dma_semaphore, #tpu.memory_space<semaphore_mem>>)
    %dma_wait3A_428 = arith.constant 1 : i32
    %dma_wait3A_429 = arith.constant 0 : i32
    %dma_wait3A_430 = tpu.memref_slice %arg7[%dma_wait3A_428, %dma_wait3A_429] : memref<2x32768xf32, #tpu.memory_space<vmem>> -> memref<1x32768xf32, #tpu.memory_space<vmem>>
    %dma_wait3A_431 = tpu.memref_squeeze %dma_wait3A_430 : memref<1x32768xf32, #tpu.memory_space<vmem>> -> memref<32768xf32, #tpu.memory_space<vmem>>
    %dma_wait3A_432 = tpu.memref_slice %arg2[%add3A_344] : memref<4194304xf32, #tpu.memory_space<hbm>> -> memref<32768xf32, #tpu.memory_space<hbm>>
    %dma_wait3A_433 = arith.constant 0 : i32
    %dma_wait3A_434 = tpu.memref_slice %arg7[%dma_wait3A_428, %dma_wait3A_433] : memref<2x32768xf32, #tpu.memory_space<vmem>> -> memref<1x32768xf32, #tpu.memory_space<vmem>>
    %dma_wait3A_435 = tpu.memref_squeeze %dma_wait3A_434 : memref<1x32768xf32, #tpu.memory_space<vmem>> -> memref<32768xf32, #tpu.memory_space<vmem>>
    %dma_wait3A_436 = tpu.memref_slice %arg2[%add3A_344] : memref<4194304xf32, #tpu.memory_space<hbm>> -> memref<32768xf32, #tpu.memory_space<hbm>>
    tpu.wait_dma2 semaphore(%arg15 : memref<!tpu.dma_semaphore, #tpu.memory_space<semaphore_mem>>) src(%dma_wait3A_436 : memref<32768xf32, #tpu.memory_space<hbm>>) dst(%dma_wait3A_435 : memref<32768xf32, #tpu.memory_space<vmem>>)
    %mul3A_437 = arith.constant 2 : i32
    %mul3A_438 = arith.muli %arg0, %mul3A_437 : i32
    %add3A_439 = arith.constant 0 : i32
    %add3A_440 = arith.addi %mul3A_438, %add3A_439 : i32
    %mul3A_441 = arith.constant 4194304 : i32
    %mul3A_442 = arith.muli %add3A_440, %mul3A_441 : i32
    %add3A_443 = arith.addi %mul3A_442, %mul3A_36 : i32
    %add3A_444 = arith.constant 163840 : i32
    %add3A_445 = arith.addi %add3A_443, %add3A_444 : i32
    %dma_start3A_446 = arith.constant 1 : i32
    %dma_start3A_447 = arith.constant 0 : i32
    %dma_start3A_448 = tpu.memref_slice %arg7[%dma_start3A_446, %dma_start3A_447] : memref<2x32768xf32, #tpu.memory_space<vmem>> -> memref<1x32768xf32, #tpu.memory_space<vmem>>
    %dma_start3A_449 = tpu.memref_squeeze %dma_start3A_448 : memref<1x32768xf32, #tpu.memory_space<vmem>> -> memref<32768xf32, #tpu.memory_space<vmem>>
    %dma_start3A_450 = tpu.memref_slice %arg6[%add3A_445] : memref<16777216xf32, #tpu.memory_space<hbm>> -> memref<32768xf32, #tpu.memory_space<hbm>>
    %dma_start3A_451 = tpu.memref_slice %arg6[%add3A_445] : memref<16777216xf32, #tpu.memory_space<hbm>> -> memref<32768xf32, #tpu.memory_space<hbm>>
    %dma_start3A_452 = arith.constant 0 : i32
    %dma_start3A_453 = tpu.memref_slice %arg7[%dma_start3A_446, %dma_start3A_452] : memref<2x32768xf32, #tpu.memory_space<vmem>> -> memref<1x32768xf32, #tpu.memory_space<vmem>>
    %dma_start3A_454 = tpu.memref_squeeze %dma_start3A_453 : memref<1x32768xf32, #tpu.memory_space<vmem>> -> memref<32768xf32, #tpu.memory_space<vmem>>
    tpu.enqueue_dma source(%dma_start3A_454 : memref<32768xf32, #tpu.memory_space<vmem>>) target(%dma_start3A_451 : memref<32768xf32, #tpu.memory_space<hbm>>) target_semaphore(%arg16 : memref<!tpu.dma_semaphore, #tpu.memory_space<semaphore_mem>>)
    %mul3A_455 = arith.constant 2 : i32
    %mul3A_456 = arith.muli %arg0, %mul3A_455 : i32
    %add3A_457 = arith.constant 1 : i32
    %add3A_458 = arith.addi %mul3A_456, %add3A_457 : i32
    %mul3A_459 = arith.constant 4194304 : i32
    %mul3A_460 = arith.muli %add3A_458, %mul3A_459 : i32
    %add3A_461 = arith.addi %mul3A_460, %mul3A_36 : i32
    %add3A_462 = arith.constant 163840 : i32
    %add3A_463 = arith.addi %add3A_461, %add3A_462 : i32
    %dma_start3A_464 = arith.constant 1 : i32
    %dma_start3A_465 = arith.constant 0 : i32
    %dma_start3A_466 = tpu.memref_slice %arg7[%dma_start3A_464, %dma_start3A_465] : memref<2x32768xf32, #tpu.memory_space<vmem>> -> memref<1x32768xf32, #tpu.memory_space<vmem>>
    %dma_start3A_467 = tpu.memref_squeeze %dma_start3A_466 : memref<1x32768xf32, #tpu.memory_space<vmem>> -> memref<32768xf32, #tpu.memory_space<vmem>>
    %dma_start3A_468 = tpu.memref_slice %arg6[%add3A_463] : memref<16777216xf32, #tpu.memory_space<hbm>> -> memref<32768xf32, #tpu.memory_space<hbm>>
    %dma_start3A_469 = tpu.memref_slice %arg6[%add3A_463] : memref<16777216xf32, #tpu.memory_space<hbm>> -> memref<32768xf32, #tpu.memory_space<hbm>>
    %dma_start3A_470 = arith.constant 0 : i32
    %dma_start3A_471 = tpu.memref_slice %arg7[%dma_start3A_464, %dma_start3A_470] : memref<2x32768xf32, #tpu.memory_space<vmem>> -> memref<1x32768xf32, #tpu.memory_space<vmem>>
    %dma_start3A_472 = tpu.memref_squeeze %dma_start3A_471 : memref<1x32768xf32, #tpu.memory_space<vmem>> -> memref<32768xf32, #tpu.memory_space<vmem>>
    tpu.enqueue_dma source(%dma_start3A_472 : memref<32768xf32, #tpu.memory_space<vmem>>) target(%dma_start3A_469 : memref<32768xf32, #tpu.memory_space<hbm>>) target_semaphore(%arg16 : memref<!tpu.dma_semaphore, #tpu.memory_space<semaphore_mem>>)
    %dma_wait3A_473 = arith.constant 1 : i32
    %dma_wait3A_474 = arith.constant 0 : i32
    %dma_wait3A_475 = tpu.memref_slice %arg7[%dma_wait3A_473, %dma_wait3A_474] : memref<2x32768xf32, #tpu.memory_space<vmem>> -> memref<1x32768xf32, #tpu.memory_space<vmem>>
    %dma_wait3A_476 = tpu.memref_squeeze %dma_wait3A_475 : memref<1x32768xf32, #tpu.memory_space<vmem>> -> memref<32768xf32, #tpu.memory_space<vmem>>
    %dma_wait3A_477 = tpu.memref_slice %arg6[%add3A_445] : memref<16777216xf32, #tpu.memory_space<hbm>> -> memref<32768xf32, #tpu.memory_space<hbm>>
    %dma_wait3A_478 = tpu.memref_slice %arg6[%add3A_445] : memref<16777216xf32, #tpu.memory_space<hbm>> -> memref<32768xf32, #tpu.memory_space<hbm>>
    %dma_wait3A_479 = arith.constant 0 : i32
    %dma_wait3A_480 = tpu.memref_slice %arg7[%dma_wait3A_473, %dma_wait3A_479] : memref<2x32768xf32, #tpu.memory_space<vmem>> -> memref<1x32768xf32, #tpu.memory_space<vmem>>
    %dma_wait3A_481 = tpu.memref_squeeze %dma_wait3A_480 : memref<1x32768xf32, #tpu.memory_space<vmem>> -> memref<32768xf32, #tpu.memory_space<vmem>>
    tpu.wait_dma2 semaphore(%arg16 : memref<!tpu.dma_semaphore, #tpu.memory_space<semaphore_mem>>) src(%dma_wait3A_481 : memref<32768xf32, #tpu.memory_space<vmem>>) dst(%dma_wait3A_478 : memref<32768xf32, #tpu.memory_space<hbm>>)
    %dma_wait3A_482 = arith.constant 1 : i32
    %dma_wait3A_483 = arith.constant 0 : i32
    %dma_wait3A_484 = tpu.memref_slice %arg7[%dma_wait3A_482, %dma_wait3A_483] : memref<2x32768xf32, #tpu.memory_space<vmem>> -> memref<1x32768xf32, #tpu.memory_space<vmem>>
    %dma_wait3A_485 = tpu.memref_squeeze %dma_wait3A_484 : memref<1x32768xf32, #tpu.memory_space<vmem>> -> memref<32768xf32, #tpu.memory_space<vmem>>
    %dma_wait3A_486 = tpu.memref_slice %arg6[%add3A_463] : memref<16777216xf32, #tpu.memory_space<hbm>> -> memref<32768xf32, #tpu.memory_space<hbm>>
    %dma_wait3A_487 = tpu.memref_slice %arg6[%add3A_463] : memref<16777216xf32, #tpu.memory_space<hbm>> -> memref<32768xf32, #tpu.memory_space<hbm>>
    %dma_wait3A_488 = arith.constant 0 : i32
    %dma_wait3A_489 = tpu.memref_slice %arg7[%dma_wait3A_482, %dma_wait3A_488] : memref<2x32768xf32, #tpu.memory_space<vmem>> -> memref<1x32768xf32, #tpu.memory_space<vmem>>
    %dma_wait3A_490 = tpu.memref_squeeze %dma_wait3A_489 : memref<1x32768xf32, #tpu.memory_space<vmem>> -> memref<32768xf32, #tpu.memory_space<vmem>>
    tpu.wait_dma2 semaphore(%arg16 : memref<!tpu.dma_semaphore, #tpu.memory_space<semaphore_mem>>) src(%dma_wait3A_490 : memref<32768xf32, #tpu.memory_space<vmem>>) dst(%dma_wait3A_487 : memref<32768xf32, #tpu.memory_space<hbm>>)
    %add3A_491 = arith.constant 229376 : i32
    %add3A_492 = arith.addi %mul3A_36, %add3A_491 : i32
    %dma_start3A_493 = arith.constant 1 : i32
    %dma_start3A_494 = arith.constant 0 : i32
    %dma_start3A_495 = tpu.memref_slice %arg7[%dma_start3A_493, %dma_start3A_494] : memref<2x32768xf32, #tpu.memory_space<vmem>> -> memref<1x32768xf32, #tpu.memory_space<vmem>>
    %dma_start3A_496 = tpu.memref_squeeze %dma_start3A_495 : memref<1x32768xf32, #tpu.memory_space<vmem>> -> memref<32768xf32, #tpu.memory_space<vmem>>
    %dma_start3A_497 = tpu.memref_slice %arg2[%add3A_492] : memref<4194304xf32, #tpu.memory_space<hbm>> -> memref<32768xf32, #tpu.memory_space<hbm>>
    %dma_start3A_498 = arith.constant 0 : i32
    %dma_start3A_499 = tpu.memref_slice %arg7[%dma_start3A_493, %dma_start3A_498] : memref<2x32768xf32, #tpu.memory_space<vmem>> -> memref<1x32768xf32, #tpu.memory_space<vmem>>
    %dma_start3A_500 = tpu.memref_squeeze %dma_start3A_499 : memref<1x32768xf32, #tpu.memory_space<vmem>> -> memref<32768xf32, #tpu.memory_space<vmem>>
    %dma_start3A_501 = tpu.memref_slice %arg2[%add3A_492] : memref<4194304xf32, #tpu.memory_space<hbm>> -> memref<32768xf32, #tpu.memory_space<hbm>>
    tpu.enqueue_dma source(%dma_start3A_501 : memref<32768xf32, #tpu.memory_space<hbm>>) target(%dma_start3A_500 : memref<32768xf32, #tpu.memory_space<vmem>>) target_semaphore(%arg15 : memref<!tpu.dma_semaphore, #tpu.memory_space<semaphore_mem>>)
    %dma_wait3A_502 = arith.constant 0 : i32
    %dma_wait3A_503 = arith.constant 0 : i32
    %dma_wait3A_504 = tpu.memref_slice %arg7[%dma_wait3A_502, %dma_wait3A_503] : memref<2x32768xf32, #tpu.memory_space<vmem>> -> memref<1x32768xf32, #tpu.memory_space<vmem>>
    %dma_wait3A_505 = tpu.memref_squeeze %dma_wait3A_504 : memref<1x32768xf32, #tpu.memory_space<vmem>> -> memref<32768xf32, #tpu.memory_space<vmem>>
    %dma_wait3A_506 = tpu.memref_slice %arg2[%add3A_418] : memref<4194304xf32, #tpu.memory_space<hbm>> -> memref<32768xf32, #tpu.memory_space<hbm>>
    %dma_wait3A_507 = arith.constant 0 : i32
    %dma_wait3A_508 = tpu.memref_slice %arg7[%dma_wait3A_502, %dma_wait3A_507] : memref<2x32768xf32, #tpu.memory_space<vmem>> -> memref<1x32768xf32, #tpu.memory_space<vmem>>
    %dma_wait3A_509 = tpu.memref_squeeze %dma_wait3A_508 : memref<1x32768xf32, #tpu.memory_space<vmem>> -> memref<32768xf32, #tpu.memory_space<vmem>>
    %dma_wait3A_510 = tpu.memref_slice %arg2[%add3A_418] : memref<4194304xf32, #tpu.memory_space<hbm>> -> memref<32768xf32, #tpu.memory_space<hbm>>
    tpu.wait_dma2 semaphore(%arg15 : memref<!tpu.dma_semaphore, #tpu.memory_space<semaphore_mem>>) src(%dma_wait3A_510 : memref<32768xf32, #tpu.memory_space<hbm>>) dst(%dma_wait3A_509 : memref<32768xf32, #tpu.memory_space<vmem>>)
    %mul3A_511 = arith.constant 2 : i32
    %mul3A_512 = arith.muli %arg0, %mul3A_511 : i32
    %add3A_513 = arith.constant 0 : i32
    %add3A_514 = arith.addi %mul3A_512, %add3A_513 : i32
    %mul3A_515 = arith.constant 4194304 : i32
    %mul3A_516 = arith.muli %add3A_514, %mul3A_515 : i32
    %add3A_517 = arith.addi %mul3A_516, %mul3A_36 : i32
    %add3A_518 = arith.constant 196608 : i32
    %add3A_519 = arith.addi %add3A_517, %add3A_518 : i32
    %dma_start3A_520 = arith.constant 0 : i32
    %dma_start3A_521 = arith.constant 0 : i32
    %dma_start3A_522 = tpu.memref_slice %arg7[%dma_start3A_520, %dma_start3A_521] : memref<2x32768xf32, #tpu.memory_space<vmem>> -> memref<1x32768xf32, #tpu.memory_space<vmem>>
    %dma_start3A_523 = tpu.memref_squeeze %dma_start3A_522 : memref<1x32768xf32, #tpu.memory_space<vmem>> -> memref<32768xf32, #tpu.memory_space<vmem>>
    %dma_start3A_524 = tpu.memref_slice %arg6[%add3A_519] : memref<16777216xf32, #tpu.memory_space<hbm>> -> memref<32768xf32, #tpu.memory_space<hbm>>
    %dma_start3A_525 = tpu.memref_slice %arg6[%add3A_519] : memref<16777216xf32, #tpu.memory_space<hbm>> -> memref<32768xf32, #tpu.memory_space<hbm>>
    %dma_start3A_526 = arith.constant 0 : i32
    %dma_start3A_527 = tpu.memref_slice %arg7[%dma_start3A_520, %dma_start3A_526] : memref<2x32768xf32, #tpu.memory_space<vmem>> -> memref<1x32768xf32, #tpu.memory_space<vmem>>
    %dma_start3A_528 = tpu.memref_squeeze %dma_start3A_527 : memref<1x32768xf32, #tpu.memory_space<vmem>> -> memref<32768xf32, #tpu.memory_space<vmem>>
    tpu.enqueue_dma source(%dma_start3A_528 : memref<32768xf32, #tpu.memory_space<vmem>>) target(%dma_start3A_525 : memref<32768xf32, #tpu.memory_space<hbm>>) target_semaphore(%arg16 : memref<!tpu.dma_semaphore, #tpu.memory_space<semaphore_mem>>)
    %mul3A_529 = arith.constant 2 : i32
    %mul3A_530 = arith.muli %arg0, %mul3A_529 : i32
    %add3A_531 = arith.constant 1 : i32
    %add3A_532 = arith.addi %mul3A_530, %add3A_531 : i32
    %mul3A_533 = arith.constant 4194304 : i32
    %mul3A_534 = arith.muli %add3A_532, %mul3A_533 : i32
    %add3A_535 = arith.addi %mul3A_534, %mul3A_36 : i32
    %add3A_536 = arith.constant 196608 : i32
    %add3A_537 = arith.addi %add3A_535, %add3A_536 : i32
    %dma_start3A_538 = arith.constant 0 : i32
    %dma_start3A_539 = arith.constant 0 : i32
    %dma_start3A_540 = tpu.memref_slice %arg7[%dma_start3A_538, %dma_start3A_539] : memref<2x32768xf32, #tpu.memory_space<vmem>> -> memref<1x32768xf32, #tpu.memory_space<vmem>>
    %dma_start3A_541 = tpu.memref_squeeze %dma_start3A_540 : memref<1x32768xf32, #tpu.memory_space<vmem>> -> memref<32768xf32, #tpu.memory_space<vmem>>
    %dma_start3A_542 = tpu.memref_slice %arg6[%add3A_537] : memref<16777216xf32, #tpu.memory_space<hbm>> -> memref<32768xf32, #tpu.memory_space<hbm>>
    %dma_start3A_543 = tpu.memref_slice %arg6[%add3A_537] : memref<16777216xf32, #tpu.memory_space<hbm>> -> memref<32768xf32, #tpu.memory_space<hbm>>
    %dma_start3A_544 = arith.constant 0 : i32
    %dma_start3A_545 = tpu.memref_slice %arg7[%dma_start3A_538, %dma_start3A_544] : memref<2x32768xf32, #tpu.memory_space<vmem>> -> memref<1x32768xf32, #tpu.memory_space<vmem>>
    %dma_start3A_546 = tpu.memref_squeeze %dma_start3A_545 : memref<1x32768xf32, #tpu.memory_space<vmem>> -> memref<32768xf32, #tpu.memory_space<vmem>>
    tpu.enqueue_dma source(%dma_start3A_546 : memref<32768xf32, #tpu.memory_space<vmem>>) target(%dma_start3A_543 : memref<32768xf32, #tpu.memory_space<hbm>>) target_semaphore(%arg16 : memref<!tpu.dma_semaphore, #tpu.memory_space<semaphore_mem>>)
    %dma_wait3A_547 = arith.constant 1 : i32
    %dma_wait3A_548 = arith.constant 0 : i32
    %dma_wait3A_549 = tpu.memref_slice %arg7[%dma_wait3A_547, %dma_wait3A_548] : memref<2x32768xf32, #tpu.memory_space<vmem>> -> memref<1x32768xf32, #tpu.memory_space<vmem>>
    %dma_wait3A_550 = tpu.memref_squeeze %dma_wait3A_549 : memref<1x32768xf32, #tpu.memory_space<vmem>> -> memref<32768xf32, #tpu.memory_space<vmem>>
    %dma_wait3A_551 = tpu.memref_slice %arg2[%add3A_492] : memref<4194304xf32, #tpu.memory_space<hbm>> -> memref<32768xf32, #tpu.memory_space<hbm>>
    %dma_wait3A_552 = arith.constant 0 : i32
    %dma_wait3A_553 = tpu.memref_slice %arg7[%dma_wait3A_547, %dma_wait3A_552] : memref<2x32768xf32, #tpu.memory_space<vmem>> -> memref<1x32768xf32, #tpu.memory_space<vmem>>
    %dma_wait3A_554 = tpu.memref_squeeze %dma_wait3A_553 : memref<1x32768xf32, #tpu.memory_space<vmem>> -> memref<32768xf32, #tpu.memory_space<vmem>>
    %dma_wait3A_555 = tpu.memref_slice %arg2[%add3A_492] : memref<4194304xf32, #tpu.memory_space<hbm>> -> memref<32768xf32, #tpu.memory_space<hbm>>
    tpu.wait_dma2 semaphore(%arg15 : memref<!tpu.dma_semaphore, #tpu.memory_space<semaphore_mem>>) src(%dma_wait3A_555 : memref<32768xf32, #tpu.memory_space<hbm>>) dst(%dma_wait3A_554 : memref<32768xf32, #tpu.memory_space<vmem>>)
    %mul3A_556 = arith.constant 2 : i32
    %mul3A_557 = arith.muli %arg0, %mul3A_556 : i32
    %add3A_558 = arith.constant 0 : i32
    %add3A_559 = arith.addi %mul3A_557, %add3A_558 : i32
    %mul3A_560 = arith.constant 4194304 : i32
    %mul3A_561 = arith.muli %add3A_559, %mul3A_560 : i32
    %add3A_562 = arith.addi %mul3A_561, %mul3A_36 : i32
    %add3A_563 = arith.constant 229376 : i32
    %add3A_564 = arith.addi %add3A_562, %add3A_563 : i32
    %dma_start3A_565 = arith.constant 1 : i32
    %dma_start3A_566 = arith.constant 0 : i32
    %dma_start3A_567 = tpu.memref_slice %arg7[%dma_start3A_565, %dma_start3A_566] : memref<2x32768xf32, #tpu.memory_space<vmem>> -> memref<1x32768xf32, #tpu.memory_space<vmem>>
    %dma_start3A_568 = tpu.memref_squeeze %dma_start3A_567 : memref<1x32768xf32, #tpu.memory_space<vmem>> -> memref<32768xf32, #tpu.memory_space<vmem>>
    %dma_start3A_569 = tpu.memref_slice %arg6[%add3A_564] : memref<16777216xf32, #tpu.memory_space<hbm>> -> memref<32768xf32, #tpu.memory_space<hbm>>
    %dma_start3A_570 = tpu.memref_slice %arg6[%add3A_564] : memref<16777216xf32, #tpu.memory_space<hbm>> -> memref<32768xf32, #tpu.memory_space<hbm>>
    %dma_start3A_571 = arith.constant 0 : i32
    %dma_start3A_572 = tpu.memref_slice %arg7[%dma_start3A_565, %dma_start3A_571] : memref<2x32768xf32, #tpu.memory_space<vmem>> -> memref<1x32768xf32, #tpu.memory_space<vmem>>
    %dma_start3A_573 = tpu.memref_squeeze %dma_start3A_572 : memref<1x32768xf32, #tpu.memory_space<vmem>> -> memref<32768xf32, #tpu.memory_space<vmem>>
    tpu.enqueue_dma source(%dma_start3A_573 : memref<32768xf32, #tpu.memory_space<vmem>>) target(%dma_start3A_570 : memref<32768xf32, #tpu.memory_space<hbm>>) target_semaphore(%arg16 : memref<!tpu.dma_semaphore, #tpu.memory_space<semaphore_mem>>)
    %mul3A_574 = arith.constant 2 : i32
    %mul3A_575 = arith.muli %arg0, %mul3A_574 : i32
    %add3A_576 = arith.constant 1 : i32
    %add3A_577 = arith.addi %mul3A_575, %add3A_576 : i32
    %mul3A_578 = arith.constant 4194304 : i32
    %mul3A_579 = arith.muli %add3A_577, %mul3A_578 : i32
    %add3A_580 = arith.addi %mul3A_579, %mul3A_36 : i32
    %add3A_581 = arith.constant 229376 : i32
    %add3A_582 = arith.addi %add3A_580, %add3A_581 : i32
    %dma_start3A_583 = arith.constant 1 : i32
    %dma_start3A_584 = arith.constant 0 : i32
    %dma_start3A_585 = tpu.memref_slice %arg7[%dma_start3A_583, %dma_start3A_584] : memref<2x32768xf32, #tpu.memory_space<vmem>> -> memref<1x32768xf32, #tpu.memory_space<vmem>>
    %dma_start3A_586 = tpu.memref_squeeze %dma_start3A_585 : memref<1x32768xf32, #tpu.memory_space<vmem>> -> memref<32768xf32, #tpu.memory_space<vmem>>
    %dma_start3A_587 = tpu.memref_slice %arg6[%add3A_582] : memref<16777216xf32, #tpu.memory_space<hbm>> -> memref<32768xf32, #tpu.memory_space<hbm>>
    %dma_start3A_588 = tpu.memref_slice %arg6[%add3A_582] : memref<16777216xf32, #tpu.memory_space<hbm>> -> memref<32768xf32, #tpu.memory_space<hbm>>
    %dma_start3A_589 = arith.constant 0 : i32
    %dma_start3A_590 = tpu.memref_slice %arg7[%dma_start3A_583, %dma_start3A_589] : memref<2x32768xf32, #tpu.memory_space<vmem>> -> memref<1x32768xf32, #tpu.memory_space<vmem>>
    %dma_start3A_591 = tpu.memref_squeeze %dma_start3A_590 : memref<1x32768xf32, #tpu.memory_space<vmem>> -> memref<32768xf32, #tpu.memory_space<vmem>>
    tpu.enqueue_dma source(%dma_start3A_591 : memref<32768xf32, #tpu.memory_space<vmem>>) target(%dma_start3A_588 : memref<32768xf32, #tpu.memory_space<hbm>>) target_semaphore(%arg16 : memref<!tpu.dma_semaphore, #tpu.memory_space<semaphore_mem>>)
    %dma_wait3A_592 = tpu.memref_slice %arg3[%mul3A_0] : memref<65536xi32, #tpu.memory_space<hbm>> -> memref<4096xi32, #tpu.memory_space<hbm>>
    %dma_wait3A_593 = tpu.memref_slice %arg3[%mul3A_0] : memref<65536xi32, #tpu.memory_space<hbm>> -> memref<4096xi32, #tpu.memory_space<hbm>>
    tpu.wait_dma2 semaphore(%arg17 : memref<!tpu.dma_semaphore, #tpu.memory_space<semaphore_mem>>) src(%dma_wait3A_593 : memref<4096xi32, #tpu.memory_space<hbm>>) dst(%arg8 : memref<4096xi32, #tpu.memory_space<vmem>>)
    %dma_wait3A_594 = tpu.memref_slice %arg4[%mul3A_0] : memref<65536xi32, #tpu.memory_space<hbm>> -> memref<4096xi32, #tpu.memory_space<hbm>>
    %dma_wait3A_595 = tpu.memref_slice %arg4[%mul3A_0] : memref<65536xi32, #tpu.memory_space<hbm>> -> memref<4096xi32, #tpu.memory_space<hbm>>
    tpu.wait_dma2 semaphore(%arg17 : memref<!tpu.dma_semaphore, #tpu.memory_space<semaphore_mem>>) src(%dma_wait3A_595 : memref<4096xi32, #tpu.memory_space<hbm>>) dst(%arg9 : memref<4096xi32, #tpu.memory_space<vmem>>)
    %scan3A = arith.constant 0 : i32
    %scan3A_596 = arith.constant 0 : i32
    %scan3A_597 = arith.constant 32 : i32
    %scan3A_598 = arith.addi %scan3A_596, %scan3A_597 : i32
    %scan3A_599 = arith.constant 1 : i32
    scf.for %scan3A_711 = %scan3A_596 to %scan3A_598 step %scan3A_599  : i32 {
      %scan3A_712 = arith.constant 0 : i32
      %scan3A_713 = arith.constant 8 : i32
      %scan3A_714 = arith.addi %scan3A_712, %scan3A_713 : i32
      %scan3A_715 = arith.constant 1 : i32
      scf.for %scan3A_717 = %scan3A_712 to %scan3A_714 step %scan3A_715  : i32 {
        %mul3A_718 = arith.constant 128 : i32
        %mul3A_719 = arith.muli %scan3A_711, %mul3A_718 : i32
        %mul3A_720 = arith.constant 16 : i32
        %mul3A_721 = arith.muli %scan3A_717, %mul3A_720 : i32
        %add3A_722 = arith.addi %mul3A_719, %mul3A_721 : i32
        %get3A = arith.index_cast %add3A_722 : i32 to index
        %get3A_723 = tpu.vector_load %arg8[%get3A] {strides = array<i32>} : memref<4096xi32, #tpu.memory_space<vmem>>, vector<16xi32>,
        %get3A_724 = vector.shape_cast %get3A_723 : vector<16xi32> to vector<16xi32>
        %mul3A_725 = arith.constant 2048 : i32
        %mul3A_726 = vector.broadcast %mul3A_725 : i32 to vector<16xi32>
        %mul3A_727 = arith.muli %get3A_724, %mul3A_726 : vector<16xi32>
        %get3A_728 = arith.index_cast %add3A_722 : i32 to index
        %get3A_729 = tpu.vector_load %arg9[%get3A_728] {strides = array<i32>} : memref<4096xi32, #tpu.memory_space<vmem>>, vector<16xi32>,
        %get3A_730 = vector.shape_cast %get3A_729 : vector<16xi32> to vector<16xi32>
        %add3A_731 = arith.addi %mul3A_727, %get3A_730 : vector<16xi32>
        %mul3A_732 = arith.constant 16 : i32
        %mul3A_733 = arith.muli %scan3A_717, %mul3A_732 : i32
        %swap3A = arith.index_cast %scan3A_711 : i32 to index
        %swap3A_734 = arith.index_cast %mul3A_733 : i32 to index
        %swap3A_735 = tpu.vector_load %arg11[%swap3A, %swap3A_734] {strides = array<i32>} : memref<32x128xi32, #tpu.memory_space<vmem>>, vector<1x16xi32>,
        %swap3A_736 = vector.shape_cast %swap3A_735 : vector<1x16xi32> to vector<16xi32>
        %swap3A_737 = vector.shape_cast %add3A_731 : vector<16xi32> to vector<1x16xi32>
        tpu.vector_store %arg11[%swap3A, %swap3A_734], %swap3A_737 {strides = array<i32>} : memref<32x128xi32, #tpu.memory_space<vmem>>, vector<1x16xi32>,
      }
      %scan3A_716 = arith.constant 8 : i32
    }
    %scan3A_600 = arith.constant 32 : i32
    %scan3A_601 = arith.constant 0 : i32
    %scan3A_602 = arith.constant 0 : i32
    %scan3A_603 = arith.constant 32 : i32
    %scan3A_604 = arith.addi %scan3A_602, %scan3A_603 : i32
    %scan3A_605 = arith.constant 1 : i32
    scf.for %scan3A_711 = %scan3A_602 to %scan3A_604 step %scan3A_605  : i32 {
      %mul3A_712 = arith.constant 128 : i32
      %mul3A_713 = arith.muli %scan3A_711, %mul3A_712 : i32
      %dma_start3A_714 = tpu.memref_slice %arg13[%mul3A_713] : memref<4096xf32, #tpu.memory_space<vmem>> -> memref<128xf32, #tpu.memory_space<vmem>>
      %dma_start3A_715 = arith.constant 0 : i32
      %dma_start3A_716 = tpu.memref_slice %arg11[%scan3A_711, %dma_start3A_715] : memref<32x128xi32, #tpu.memory_space<vmem>> -> memref<1x128xi32, #tpu.memory_space<vmem>>
      %dma_start3A_717 = tpu.memref_squeeze %dma_start3A_716 : memref<1x128xi32, #tpu.memory_space<vmem>> -> memref<128xi32, #tpu.memory_space<vmem>>
      %dma_start3A_718 = arith.constant 0 : i32
      %dma_start3A_719 = tpu.memref_slice %arg2[%dma_start3A_718] : memref<4194304xf32, #tpu.memory_space<hbm>> -> memref<4194304xf32, #tpu.memory_space<hbm>>
      tpu.enqueue_indirect_dma source(%dma_start3A_719 : memref<4194304xf32, #tpu.memory_space<hbm>>) target(%dma_start3A_714 : memref<128xf32, #tpu.memory_space<vmem>>) offsets(%dma_start3A_717 : memref<128xi32, #tpu.memory_space<vmem>>) semaphore(%arg18 : memref<!tpu.dma_semaphore, #tpu.memory_space<semaphore_mem>>)
    }
    %scan3A_606 = arith.constant 32 : i32
    %scan3A_607 = arith.constant 0 : i32
    %scan3A_608 = arith.constant 0 : i32
    %scan3A_609 = arith.constant 32 : i32
    %scan3A_610 = arith.addi %scan3A_608, %scan3A_609 : i32
    %scan3A_611 = arith.constant 1 : i32
    scf.for %scan3A_711 = %scan3A_608 to %scan3A_610 step %scan3A_611  : i32 {
      %mul3A_712 = arith.constant 128 : i32
      %mul3A_713 = arith.muli %scan3A_711, %mul3A_712 : i32
      %dma_wait3A_714 = tpu.memref_slice %arg13[%mul3A_713] : memref<4096xf32, #tpu.memory_space<vmem>> -> memref<128xf32, #tpu.memory_space<vmem>>
      %dma_wait3A_715 = arith.constant 0 : i32
      %dma_wait3A_716 = tpu.memref_slice %arg11[%scan3A_711, %dma_wait3A_715] : memref<32x128xi32, #tpu.memory_space<vmem>> -> memref<1x128xi32, #tpu.memory_space<vmem>>
      %dma_wait3A_717 = tpu.memref_squeeze %dma_wait3A_716 : memref<1x128xi32, #tpu.memory_space<vmem>> -> memref<128xi32, #tpu.memory_space<vmem>>
      %dma_wait3A_718 = arith.constant 0 : i32
      %dma_wait3A_719 = tpu.memref_slice %arg2[%dma_wait3A_718] : memref<4194304xf32, #tpu.memory_space<hbm>> -> memref<4194304xf32, #tpu.memory_space<hbm>>
      tpu.wait_indirect_dma semaphore(%arg18 : memref<!tpu.dma_semaphore, #tpu.memory_space<semaphore_mem>>) src(%dma_wait3A_719 : memref<4194304xf32, #tpu.memory_space<hbm>>) dst(%dma_wait3A_714 : memref<128xf32, #tpu.memory_space<vmem>>)
    }
    %scan3A_612 = arith.constant 32 : i32
    %mul3A_613 = arith.constant 2 : i32
    %mul3A_614 = arith.muli %arg0, %mul3A_613 : i32
    %add3A_615 = arith.constant 0 : i32
    %add3A_616 = arith.addi %mul3A_614, %add3A_615 : i32
    %dma_wait3A_617 = arith.constant 0 : i32
    %dma_wait3A_618 = arith.constant 0 : i32
    %dma_wait3A_619 = tpu.memref_slice %arg10[%dma_wait3A_617, %dma_wait3A_618] : memref<2x4096xf32, #tpu.memory_space<vmem>> -> memref<1x4096xf32, #tpu.memory_space<vmem>>
    %dma_wait3A_620 = tpu.memref_squeeze %dma_wait3A_619 : memref<1x4096xf32, #tpu.memory_space<vmem>> -> memref<4096xf32, #tpu.memory_space<vmem>>
    %dma_wait3A_621 = tpu.memref_slice %arg5[%add3A_9] : memref<262144xf32, #tpu.memory_space<hbm>> -> memref<4096xf32, #tpu.memory_space<hbm>>
    %dma_wait3A_622 = arith.constant 0 : i32
    %dma_wait3A_623 = tpu.memref_slice %arg10[%dma_wait3A_617, %dma_wait3A_622] : memref<2x4096xf32, #tpu.memory_space<vmem>> -> memref<1x4096xf32, #tpu.memory_space<vmem>>
    %dma_wait3A_624 = tpu.memref_squeeze %dma_wait3A_623 : memref<1x4096xf32, #tpu.memory_space<vmem>> -> memref<4096xf32, #tpu.memory_space<vmem>>
    %dma_wait3A_625 = tpu.memref_slice %arg5[%add3A_9] : memref<262144xf32, #tpu.memory_space<hbm>> -> memref<4096xf32, #tpu.memory_space<hbm>>
    tpu.wait_dma2 semaphore(%arg17 : memref<!tpu.dma_semaphore, #tpu.memory_space<semaphore_mem>>) src(%dma_wait3A_625 : memref<4096xf32, #tpu.memory_space<hbm>>) dst(%dma_wait3A_624 : memref<4096xf32, #tpu.memory_space<vmem>>)
    %scan3A_626 = arith.constant 0 : i32
    %scan3A_627 = arith.constant 0 : i32
    %scan3A_628 = arith.constant 32 : i32
    %scan3A_629 = arith.addi %scan3A_627, %scan3A_628 : i32
    %scan3A_630 = arith.constant 1 : i32
    scf.for %scan3A_711 = %scan3A_627 to %scan3A_629 step %scan3A_630  : i32 {
      %scan3A_712 = arith.constant 0 : i32
      %scan3A_713 = arith.constant 8 : i32
      %scan3A_714 = arith.addi %scan3A_712, %scan3A_713 : i32
      %scan3A_715 = arith.constant 1 : i32
      scf.for %scan3A_717 = %scan3A_712 to %scan3A_714 step %scan3A_715  : i32 {
        %mul3A_718 = arith.constant 16 : i32
        %mul3A_719 = arith.muli %scan3A_717, %mul3A_718 : i32
        %mul3A_720 = arith.constant 128 : i32
        %mul3A_721 = arith.muli %scan3A_711, %mul3A_720 : i32
        %mul3A_722 = arith.constant 16 : i32
        %mul3A_723 = arith.muli %scan3A_717, %mul3A_722 : i32
        %add3A_724 = arith.addi %mul3A_721, %mul3A_723 : i32
        %get3A = arith.constant 0 : i32
        %get3A_725 = arith.index_cast %get3A : i32 to index
        %get3A_726 = arith.index_cast %add3A_724 : i32 to index
        %get3A_727 = tpu.vector_load %arg10[%get3A_725, %get3A_726] {strides = array<i32>} : memref<2x4096xf32, #tpu.memory_space<vmem>>, vector<1x16xf32>,
        %get3A_728 = vector.shape_cast %get3A_727 : vector<1x16xf32> to vector<16xf32>
        %neg3A = arith.constant 0.000000e+00 : f32
        %neg3A_729 = vector.broadcast %neg3A : f32 to vector<16xf32>
        %neg3A_730 = arith.subf %neg3A_729, %get3A_728 : vector<16xf32>
        %exp3A = math.exp %neg3A_730 : vector<16xf32>
        %add3A_731 = arith.constant 1.000000e+00 : f32
        %add3A_732 = vector.broadcast %add3A_731 : f32 to vector<16xf32>
        %add3A_733 = arith.addf %add3A_732, %exp3A : vector<16xf32>
        %div3A = arith.constant 5.000000e-03 : f32
        %div3A_734 = vector.broadcast %div3A : f32 to vector<16xf32>
        %div3A_735 = arith.divf %div3A_734, %add3A_733 : vector<16xf32>
        %get3A_736 = arith.index_cast %add3A_724 : i32 to index
        %get3A_737 = tpu.vector_load %arg13[%get3A_736] {strides = array<i32>} : memref<4096xf32, #tpu.memory_space<vmem>>, vector<16xf32>,
        %get3A_738 = vector.shape_cast %get3A_737 : vector<16xf32> to vector<16xf32>
        %add3A_739 = arith.addf %get3A_738, %div3A_735 : vector<16xf32>
        %swap3A = arith.constant 0 : i32
        %swap3A_740 = arith.index_cast %swap3A : i32 to index
        %swap3A_741 = arith.index_cast %scan3A_711 : i32 to index
        %swap3A_742 = arith.index_cast %mul3A_719 : i32 to index
        %swap3A_743 = tpu.vector_load %arg14[%swap3A_740, %swap3A_741, %swap3A_742] {strides = array<i32>} : memref<2x32x128xf32, #tpu.memory_space<vmem>>, vector<1x1x16xf32>,
        %swap3A_744 = vector.shape_cast %swap3A_743 : vector<1x1x16xf32> to vector<16xf32>
        %swap3A_745 = vector.shape_cast %add3A_739 : vector<16xf32> to vector<1x1x16xf32>
        tpu.vector_store %arg14[%swap3A_740, %swap3A_741, %swap3A_742], %swap3A_745 {strides = array<i32>} : memref<2x32x128xf32, #tpu.memory_space<vmem>>, vector<1x1x16xf32>,
        %get3A_746 = arith.index_cast %scan3A_711 : i32 to index
        %get3A_747 = arith.index_cast %mul3A_719 : i32 to index
        %get3A_748 = tpu.vector_load %arg11[%get3A_746, %get3A_747] {strides = array<i32>} : memref<32x128xi32, #tpu.memory_space<vmem>>, vector<1x16xi32>,
        %get3A_749 = vector.shape_cast %get3A_748 : vector<1x16xi32> to vector<16xi32>
        %mul3A_750 = arith.constant 4194304 : i32
        %mul3A_751 = arith.muli %add3A_616, %mul3A_750 : i32
        %add3A_752 = vector.broadcast %mul3A_751 : i32 to vector<16xi32>
        %add3A_753 = arith.addi %get3A_749, %add3A_752 : vector<16xi32>
        %swap3A_754 = arith.constant 0 : i32
        %swap3A_755 = arith.index_cast %swap3A_754 : i32 to index
        %swap3A_756 = arith.index_cast %scan3A_711 : i32 to index
        %swap3A_757 = arith.index_cast %mul3A_719 : i32 to index
        %swap3A_758 = tpu.vector_load %arg12[%swap3A_755, %swap3A_756, %swap3A_757] {strides = array<i32>} : memref<2x32x128xi32, #tpu.memory_space<vmem>>, vector<1x1x16xi32>,
        %swap3A_759 = vector.shape_cast %swap3A_758 : vector<1x1x16xi32> to vector<16xi32>
        %swap3A_760 = vector.shape_cast %add3A_753 : vector<16xi32> to vector<1x1x16xi32>
        tpu.vector_store %arg12[%swap3A_755, %swap3A_756, %swap3A_757], %swap3A_760 {strides = array<i32>} : memref<2x32x128xi32, #tpu.memory_space<vmem>>, vector<1x1x16xi32>,
      }
      %scan3A_716 = arith.constant 8 : i32
    }
    %scan3A_631 = arith.constant 32 : i32
    %mul3A_632 = arith.constant 2 : i32
    %mul3A_633 = arith.muli %arg0, %mul3A_632 : i32
    %add3A_634 = arith.constant 1 : i32
    %add3A_635 = arith.addi %mul3A_633, %add3A_634 : i32
    %dma_wait3A_636 = arith.constant 1 : i32
    %dma_wait3A_637 = arith.constant 0 : i32
    %dma_wait3A_638 = tpu.memref_slice %arg10[%dma_wait3A_636, %dma_wait3A_637] : memref<2x4096xf32, #tpu.memory_space<vmem>> -> memref<1x4096xf32, #tpu.memory_space<vmem>>
    %dma_wait3A_639 = tpu.memref_squeeze %dma_wait3A_638 : memref<1x4096xf32, #tpu.memory_space<vmem>> -> memref<4096xf32, #tpu.memory_space<vmem>>
    %dma_wait3A_640 = tpu.memref_slice %arg5[%add3A_25] : memref<262144xf32, #tpu.memory_space<hbm>> -> memref<4096xf32, #tpu.memory_space<hbm>>
    %dma_wait3A_641 = arith.constant 0 : i32
    %dma_wait3A_642 = tpu.memref_slice %arg10[%dma_wait3A_636, %dma_wait3A_641] : memref<2x4096xf32, #tpu.memory_space<vmem>> -> memref<1x4096xf32, #tpu.memory_space<vmem>>
    %dma_wait3A_643 = tpu.memref_squeeze %dma_wait3A_642 : memref<1x4096xf32, #tpu.memory_space<vmem>> -> memref<4096xf32, #tpu.memory_space<vmem>>
    %dma_wait3A_644 = tpu.memref_slice %arg5[%add3A_25] : memref<262144xf32, #tpu.memory_space<hbm>> -> memref<4096xf32, #tpu.memory_space<hbm>>
    tpu.wait_dma2 semaphore(%arg17 : memref<!tpu.dma_semaphore, #tpu.memory_space<semaphore_mem>>) src(%dma_wait3A_644 : memref<4096xf32, #tpu.memory_space<hbm>>) dst(%dma_wait3A_643 : memref<4096xf32, #tpu.memory_space<vmem>>)
    %scan3A_645 = arith.constant 0 : i32
    %scan3A_646 = arith.constant 0 : i32
    %scan3A_647 = arith.constant 32 : i32
    %scan3A_648 = arith.addi %scan3A_646, %scan3A_647 : i32
    %scan3A_649 = arith.constant 1 : i32
    scf.for %scan3A_711 = %scan3A_646 to %scan3A_648 step %scan3A_649  : i32 {
      %scan3A_712 = arith.constant 0 : i32
      %scan3A_713 = arith.constant 8 : i32
      %scan3A_714 = arith.addi %scan3A_712, %scan3A_713 : i32
      %scan3A_715 = arith.constant 1 : i32
      scf.for %scan3A_717 = %scan3A_712 to %scan3A_714 step %scan3A_715  : i32 {
        %mul3A_718 = arith.constant 16 : i32
        %mul3A_719 = arith.muli %scan3A_717, %mul3A_718 : i32
        %mul3A_720 = arith.constant 128 : i32
        %mul3A_721 = arith.muli %scan3A_711, %mul3A_720 : i32
        %mul3A_722 = arith.constant 16 : i32
        %mul3A_723 = arith.muli %scan3A_717, %mul3A_722 : i32
        %add3A_724 = arith.addi %mul3A_721, %mul3A_723 : i32
        %get3A = arith.constant 1 : i32
        %get3A_725 = arith.index_cast %get3A : i32 to index
        %get3A_726 = arith.index_cast %add3A_724 : i32 to index
        %get3A_727 = tpu.vector_load %arg10[%get3A_725, %get3A_726] {strides = array<i32>} : memref<2x4096xf32, #tpu.memory_space<vmem>>, vector<1x16xf32>,
        %get3A_728 = vector.shape_cast %get3A_727 : vector<1x16xf32> to vector<16xf32>
        %neg3A = arith.constant 0.000000e+00 : f32
        %neg3A_729 = vector.broadcast %neg3A : f32 to vector<16xf32>
        %neg3A_730 = arith.subf %neg3A_729, %get3A_728 : vector<16xf32>
        %exp3A = math.exp %neg3A_730 : vector<16xf32>
        %add3A_731 = arith.constant 1.000000e+00 : f32
        %add3A_732 = vector.broadcast %add3A_731 : f32 to vector<16xf32>
        %add3A_733 = arith.addf %add3A_732, %exp3A : vector<16xf32>
        %div3A = arith.constant 5.000000e-03 : f32
        %div3A_734 = vector.broadcast %div3A : f32 to vector<16xf32>
        %div3A_735 = arith.divf %div3A_734, %add3A_733 : vector<16xf32>
        %get3A_736 = arith.index_cast %add3A_724 : i32 to index
        %get3A_737 = tpu.vector_load %arg13[%get3A_736] {strides = array<i32>} : memref<4096xf32, #tpu.memory_space<vmem>>, vector<16xf32>,
        %get3A_738 = vector.shape_cast %get3A_737 : vector<16xf32> to vector<16xf32>
        %add3A_739 = arith.addf %get3A_738, %div3A_735 : vector<16xf32>
        %swap3A = arith.constant 1 : i32
        %swap3A_740 = arith.index_cast %swap3A : i32 to index
        %swap3A_741 = arith.index_cast %scan3A_711 : i32 to index
        %swap3A_742 = arith.index_cast %mul3A_719 : i32 to index
        %swap3A_743 = tpu.vector_load %arg14[%swap3A_740, %swap3A_741, %swap3A_742] {strides = array<i32>} : memref<2x32x128xf32, #tpu.memory_space<vmem>>, vector<1x1x16xf32>,
        %swap3A_744 = vector.shape_cast %swap3A_743 : vector<1x1x16xf32> to vector<16xf32>
        %swap3A_745 = vector.shape_cast %add3A_739 : vector<16xf32> to vector<1x1x16xf32>
        tpu.vector_store %arg14[%swap3A_740, %swap3A_741, %swap3A_742], %swap3A_745 {strides = array<i32>} : memref<2x32x128xf32, #tpu.memory_space<vmem>>, vector<1x1x16xf32>,
        %get3A_746 = arith.index_cast %scan3A_711 : i32 to index
        %get3A_747 = arith.index_cast %mul3A_719 : i32 to index
        %get3A_748 = tpu.vector_load %arg11[%get3A_746, %get3A_747] {strides = array<i32>} : memref<32x128xi32, #tpu.memory_space<vmem>>, vector<1x16xi32>,
        %get3A_749 = vector.shape_cast %get3A_748 : vector<1x16xi32> to vector<16xi32>
        %mul3A_750 = arith.constant 4194304 : i32
        %mul3A_751 = arith.muli %add3A_635, %mul3A_750 : i32
        %add3A_752 = vector.broadcast %mul3A_751 : i32 to vector<16xi32>
        %add3A_753 = arith.addi %get3A_749, %add3A_752 : vector<16xi32>
        %swap3A_754 = arith.constant 1 : i32
        %swap3A_755 = arith.index_cast %swap3A_754 : i32 to index
        %swap3A_756 = arith.index_cast %scan3A_711 : i32 to index
        %swap3A_757 = arith.index_cast %mul3A_719 : i32 to index
        %swap3A_758 = tpu.vector_load %arg12[%swap3A_755, %swap3A_756, %swap3A_757] {strides = array<i32>} : memref<2x32x128xi32, #tpu.memory_space<vmem>>, vector<1x1x16xi32>,
        %swap3A_759 = vector.shape_cast %swap3A_758 : vector<1x1x16xi32> to vector<16xi32>
        %swap3A_760 = vector.shape_cast %add3A_753 : vector<16xi32> to vector<1x1x16xi32>
        tpu.vector_store %arg12[%swap3A_755, %swap3A_756, %swap3A_757], %swap3A_760 {strides = array<i32>} : memref<2x32x128xi32, #tpu.memory_space<vmem>>, vector<1x1x16xi32>,
      }
      %scan3A_716 = arith.constant 8 : i32
    }
    %scan3A_650 = arith.constant 32 : i32
    %dma_wait3A_651 = arith.constant 0 : i32
    %dma_wait3A_652 = arith.constant 0 : i32
    %dma_wait3A_653 = tpu.memref_slice %arg7[%dma_wait3A_651, %dma_wait3A_652] : memref<2x32768xf32, #tpu.memory_space<vmem>> -> memref<1x32768xf32, #tpu.memory_space<vmem>>
    %dma_wait3A_654 = tpu.memref_squeeze %dma_wait3A_653 : memref<1x32768xf32, #tpu.memory_space<vmem>> -> memref<32768xf32, #tpu.memory_space<vmem>>
    %dma_wait3A_655 = tpu.memref_slice %arg6[%add3A_519] : memref<16777216xf32, #tpu.memory_space<hbm>> -> memref<32768xf32, #tpu.memory_space<hbm>>
    %dma_wait3A_656 = tpu.memref_slice %arg6[%add3A_519] : memref<16777216xf32, #tpu.memory_space<hbm>> -> memref<32768xf32, #tpu.memory_space<hbm>>
    %dma_wait3A_657 = arith.constant 0 : i32
    %dma_wait3A_658 = tpu.memref_slice %arg7[%dma_wait3A_651, %dma_wait3A_657] : memref<2x32768xf32, #tpu.memory_space<vmem>> -> memref<1x32768xf32, #tpu.memory_space<vmem>>
    %dma_wait3A_659 = tpu.memref_squeeze %dma_wait3A_658 : memref<1x32768xf32, #tpu.memory_space<vmem>> -> memref<32768xf32, #tpu.memory_space<vmem>>
    tpu.wait_dma2 semaphore(%arg16 : memref<!tpu.dma_semaphore, #tpu.memory_space<semaphore_mem>>) src(%dma_wait3A_659 : memref<32768xf32, #tpu.memory_space<vmem>>) dst(%dma_wait3A_656 : memref<32768xf32, #tpu.memory_space<hbm>>)
    %dma_wait3A_660 = arith.constant 0 : i32
    %dma_wait3A_661 = arith.constant 0 : i32
    %dma_wait3A_662 = tpu.memref_slice %arg7[%dma_wait3A_660, %dma_wait3A_661] : memref<2x32768xf32, #tpu.memory_space<vmem>> -> memref<1x32768xf32, #tpu.memory_space<vmem>>
    %dma_wait3A_663 = tpu.memref_squeeze %dma_wait3A_662 : memref<1x32768xf32, #tpu.memory_space<vmem>> -> memref<32768xf32, #tpu.memory_space<vmem>>
    %dma_wait3A_664 = tpu.memref_slice %arg6[%add3A_537] : memref<16777216xf32, #tpu.memory_space<hbm>> -> memref<32768xf32, #tpu.memory_space<hbm>>
    %dma_wait3A_665 = tpu.memref_slice %arg6[%add3A_537] : memref<16777216xf32, #tpu.memory_space<hbm>> -> memref<32768xf32, #tpu.memory_space<hbm>>
    %dma_wait3A_666 = arith.constant 0 : i32
    %dma_wait3A_667 = tpu.memref_slice %arg7[%dma_wait3A_660, %dma_wait3A_666] : memref<2x32768xf32, #tpu.memory_space<vmem>> -> memref<1x32768xf32, #tpu.memory_space<vmem>>
    %dma_wait3A_668 = tpu.memref_squeeze %dma_wait3A_667 : memref<1x32768xf32, #tpu.memory_space<vmem>> -> memref<32768xf32, #tpu.memory_space<vmem>>
    tpu.wait_dma2 semaphore(%arg16 : memref<!tpu.dma_semaphore, #tpu.memory_space<semaphore_mem>>) src(%dma_wait3A_668 : memref<32768xf32, #tpu.memory_space<vmem>>) dst(%dma_wait3A_665 : memref<32768xf32, #tpu.memory_space<hbm>>)
    %dma_wait3A_669 = arith.constant 1 : i32
    %dma_wait3A_670 = arith.constant 0 : i32
    %dma_wait3A_671 = tpu.memref_slice %arg7[%dma_wait3A_669, %dma_wait3A_670] : memref<2x32768xf32, #tpu.memory_space<vmem>> -> memref<1x32768xf32, #tpu.memory_space<vmem>>
    %dma_wait3A_672 = tpu.memref_squeeze %dma_wait3A_671 : memref<1x32768xf32, #tpu.memory_space<vmem>> -> memref<32768xf32, #tpu.memory_space<vmem>>
    %dma_wait3A_673 = tpu.memref_slice %arg6[%add3A_564] : memref<16777216xf32, #tpu.memory_space<hbm>> -> memref<32768xf32, #tpu.memory_space<hbm>>
    %dma_wait3A_674 = tpu.memref_slice %arg6[%add3A_564] : memref<16777216xf32, #tpu.memory_space<hbm>> -> memref<32768xf32, #tpu.memory_space<hbm>>
    %dma_wait3A_675 = arith.constant 0 : i32
    %dma_wait3A_676 = tpu.memref_slice %arg7[%dma_wait3A_669, %dma_wait3A_675] : memref<2x32768xf32, #tpu.memory_space<vmem>> -> memref<1x32768xf32, #tpu.memory_space<vmem>>
    %dma_wait3A_677 = tpu.memref_squeeze %dma_wait3A_676 : memref<1x32768xf32, #tpu.memory_space<vmem>> -> memref<32768xf32, #tpu.memory_space<vmem>>
    tpu.wait_dma2 semaphore(%arg16 : memref<!tpu.dma_semaphore, #tpu.memory_space<semaphore_mem>>) src(%dma_wait3A_677 : memref<32768xf32, #tpu.memory_space<vmem>>) dst(%dma_wait3A_674 : memref<32768xf32, #tpu.memory_space<hbm>>)
    %dma_wait3A_678 = arith.constant 1 : i32
    %dma_wait3A_679 = arith.constant 0 : i32
    %dma_wait3A_680 = tpu.memref_slice %arg7[%dma_wait3A_678, %dma_wait3A_679] : memref<2x32768xf32, #tpu.memory_space<vmem>> -> memref<1x32768xf32, #tpu.memory_space<vmem>>
    %dma_wait3A_681 = tpu.memref_squeeze %dma_wait3A_680 : memref<1x32768xf32, #tpu.memory_space<vmem>> -> memref<32768xf32, #tpu.memory_space<vmem>>
    %dma_wait3A_682 = tpu.memref_slice %arg6[%add3A_582] : memref<16777216xf32, #tpu.memory_space<hbm>> -> memref<32768xf32, #tpu.memory_space<hbm>>
    %dma_wait3A_683 = tpu.memref_slice %arg6[%add3A_582] : memref<16777216xf32, #tpu.memory_space<hbm>> -> memref<32768xf32, #tpu.memory_space<hbm>>
    %dma_wait3A_684 = arith.constant 0 : i32
    %dma_wait3A_685 = tpu.memref_slice %arg7[%dma_wait3A_678, %dma_wait3A_684] : memref<2x32768xf32, #tpu.memory_space<vmem>> -> memref<1x32768xf32, #tpu.memory_space<vmem>>
    %dma_wait3A_686 = tpu.memref_squeeze %dma_wait3A_685 : memref<1x32768xf32, #tpu.memory_space<vmem>> -> memref<32768xf32, #tpu.memory_space<vmem>>
    tpu.wait_dma2 semaphore(%arg16 : memref<!tpu.dma_semaphore, #tpu.memory_space<semaphore_mem>>) src(%dma_wait3A_686 : memref<32768xf32, #tpu.memory_space<vmem>>) dst(%dma_wait3A_683 : memref<32768xf32, #tpu.memory_space<hbm>>)
    %barrier3A = arith.constant 0 : index
    tpu.barrier barrier_id(%barrier3A)
    %scan3A_687 = arith.constant 0 : i32
    %scan3A_688 = arith.constant 0 : i32
    %scan3A_689 = arith.constant 32 : i32
    %scan3A_690 = arith.addi %scan3A_688, %scan3A_689 : i32
    %scan3A_691 = arith.constant 1 : i32
    scf.for %scan3A_711 = %scan3A_688 to %scan3A_690 step %scan3A_691  : i32 {
      %dma_start3A_712 = arith.constant 0 : i32
      %dma_start3A_713 = arith.constant 0 : i32
      %dma_start3A_714 = arith.constant 0 : i32
      %dma_start3A_715 = tpu.memref_slice %arg14[%dma_start3A_712, %scan3A_711, %dma_start3A_714] : memref<2x32x128xf32, #tpu.memory_space<vmem>> -> memref<1x1x128xf32, #tpu.memory_space<vmem>>
      %dma_start3A_716 = tpu.memref_squeeze %dma_start3A_715 : memref<1x1x128xf32, #tpu.memory_space<vmem>> -> memref<128xf32, #tpu.memory_space<vmem>>
      %dma_start3A_717 = arith.constant 0 : i32
      %dma_start3A_718 = tpu.memref_slice %arg12[%dma_start3A_713, %scan3A_711, %dma_start3A_717] : memref<2x32x128xi32, #tpu.memory_space<vmem>> -> memref<1x1x128xi32, #tpu.memory_space<vmem>>
      %dma_start3A_719 = tpu.memref_squeeze %dma_start3A_718 : memref<1x1x128xi32, #tpu.memory_space<vmem>> -> memref<128xi32, #tpu.memory_space<vmem>>
      %dma_start3A_720 = arith.constant 0 : i32
      %dma_start3A_721 = tpu.memref_slice %arg6[%dma_start3A_720] : memref<16777216xf32, #tpu.memory_space<hbm>> -> memref<16777216xf32, #tpu.memory_space<hbm>>
      tpu.enqueue_indirect_dma source(%dma_start3A_716 : memref<128xf32, #tpu.memory_space<vmem>>) target(%dma_start3A_721 : memref<16777216xf32, #tpu.memory_space<hbm>>) offsets(%dma_start3A_719 : memref<128xi32, #tpu.memory_space<vmem>>) semaphore(%arg19 : memref<!tpu.dma_semaphore, #tpu.memory_space<semaphore_mem>>)
    }
    %scan3A_692 = arith.constant 32 : i32
    %scan3A_693 = arith.constant 0 : i32
    %scan3A_694 = arith.constant 0 : i32
    %scan3A_695 = arith.constant 32 : i32
    %scan3A_696 = arith.addi %scan3A_694, %scan3A_695 : i32
    %scan3A_697 = arith.constant 1 : i32
    scf.for %scan3A_711 = %scan3A_694 to %scan3A_696 step %scan3A_697  : i32 {
      %dma_start3A_712 = arith.constant 1 : i32
      %dma_start3A_713 = arith.constant 1 : i32
      %dma_start3A_714 = arith.constant 0 : i32
      %dma_start3A_715 = tpu.memref_slice %arg14[%dma_start3A_712, %scan3A_711, %dma_start3A_714] : memref<2x32x128xf32, #tpu.memory_space<vmem>> -> memref<1x1x128xf32, #tpu.memory_space<vmem>>
      %dma_start3A_716 = tpu.memref_squeeze %dma_start3A_715 : memref<1x1x128xf32, #tpu.memory_space<vmem>> -> memref<128xf32, #tpu.memory_space<vmem>>
      %dma_start3A_717 = arith.constant 0 : i32
      %dma_start3A_718 = tpu.memref_slice %arg12[%dma_start3A_713, %scan3A_711, %dma_start3A_717] : memref<2x32x128xi32, #tpu.memory_space<vmem>> -> memref<1x1x128xi32, #tpu.memory_space<vmem>>
      %dma_start3A_719 = tpu.memref_squeeze %dma_start3A_718 : memref<1x1x128xi32, #tpu.memory_space<vmem>> -> memref<128xi32, #tpu.memory_space<vmem>>
      %dma_start3A_720 = arith.constant 0 : i32
      %dma_start3A_721 = tpu.memref_slice %arg6[%dma_start3A_720] : memref<16777216xf32, #tpu.memory_space<hbm>> -> memref<16777216xf32, #tpu.memory_space<hbm>>
      tpu.enqueue_indirect_dma source(%dma_start3A_716 : memref<128xf32, #tpu.memory_space<vmem>>) target(%dma_start3A_721 : memref<16777216xf32, #tpu.memory_space<hbm>>) offsets(%dma_start3A_719 : memref<128xi32, #tpu.memory_space<vmem>>) semaphore(%arg19 : memref<!tpu.dma_semaphore, #tpu.memory_space<semaphore_mem>>)
    }
    %scan3A_698 = arith.constant 32 : i32
    %scan3A_699 = arith.constant 0 : i32
    %scan3A_700 = arith.constant 0 : i32
    %scan3A_701 = arith.constant 32 : i32
    %scan3A_702 = arith.addi %scan3A_700, %scan3A_701 : i32
    %scan3A_703 = arith.constant 1 : i32
    scf.for %scan3A_711 = %scan3A_700 to %scan3A_702 step %scan3A_703  : i32 {
      %dma_wait3A_712 = arith.constant 0 : i32
      %dma_wait3A_713 = arith.constant 0 : i32
      %dma_wait3A_714 = arith.constant 0 : i32
      %dma_wait3A_715 = tpu.memref_slice %arg14[%dma_wait3A_712, %scan3A_711, %dma_wait3A_714] : memref<2x32x128xf32, #tpu.memory_space<vmem>> -> memref<1x1x128xf32, #tpu.memory_space<vmem>>
      %dma_wait3A_716 = tpu.memref_squeeze %dma_wait3A_715 : memref<1x1x128xf32, #tpu.memory_space<vmem>> -> memref<128xf32, #tpu.memory_space<vmem>>
      %dma_wait3A_717 = arith.constant 0 : i32
      %dma_wait3A_718 = tpu.memref_slice %arg12[%dma_wait3A_713, %scan3A_711, %dma_wait3A_717] : memref<2x32x128xi32, #tpu.memory_space<vmem>> -> memref<1x1x128xi32, #tpu.memory_space<vmem>>
      %dma_wait3A_719 = tpu.memref_squeeze %dma_wait3A_718 : memref<1x1x128xi32, #tpu.memory_space<vmem>> -> memref<128xi32, #tpu.memory_space<vmem>>
      %dma_wait3A_720 = arith.constant 0 : i32
      %dma_wait3A_721 = tpu.memref_slice %arg6[%dma_wait3A_720] : memref<16777216xf32, #tpu.memory_space<hbm>> -> memref<16777216xf32, #tpu.memory_space<hbm>>
      tpu.wait_indirect_dma semaphore(%arg19 : memref<!tpu.dma_semaphore, #tpu.memory_space<semaphore_mem>>) src(%dma_wait3A_716 : memref<128xf32, #tpu.memory_space<vmem>>) dst(%dma_wait3A_721 : memref<16777216xf32, #tpu.memory_space<hbm>>)
    }
    %scan3A_704 = arith.constant 32 : i32
    %scan3A_705 = arith.constant 0 : i32
    %scan3A_706 = arith.constant 0 : i32
    %scan3A_707 = arith.constant 32 : i32
    %scan3A_708 = arith.addi %scan3A_706, %scan3A_707 : i32
    %scan3A_709 = arith.constant 1 : i32
    scf.for %scan3A_711 = %scan3A_706 to %scan3A_708 step %scan3A_709  : i32 {
      %dma_wait3A_712 = arith.constant 1 : i32
      %dma_wait3A_713 = arith.constant 1 : i32
      %dma_wait3A_714 = arith.constant 0 : i32
      %dma_wait3A_715 = tpu.memref_slice %arg14[%dma_wait3A_712, %scan3A_711, %dma_wait3A_714] : memref<2x32x128xf32, #tpu.memory_space<vmem>> -> memref<1x1x128xf32, #tpu.memory_space<vmem>>
      %dma_wait3A_716 = tpu.memref_squeeze %dma_wait3A_715 : memref<1x1x128xf32, #tpu.memory_space<vmem>> -> memref<128xf32, #tpu.memory_space<vmem>>
      %dma_wait3A_717 = arith.constant 0 : i32
      %dma_wait3A_718 = tpu.memref_slice %arg12[%dma_wait3A_713, %scan3A_711, %dma_wait3A_717] : memref<2x32x128xi32, #tpu.memory_space<vmem>> -> memref<1x1x128xi32, #tpu.memory_space<vmem>>
      %dma_wait3A_719 = tpu.memref_squeeze %dma_wait3A_718 : memref<1x1x128xi32, #tpu.memory_space<vmem>> -> memref<128xi32, #tpu.memory_space<vmem>>
      %dma_wait3A_720 = arith.constant 0 : i32
      %dma_wait3A_721 = tpu.memref_slice %arg6[%dma_wait3A_720] : memref<16777216xf32, #tpu.memory_space<hbm>> -> memref<16777216xf32, #tpu.memory_space<hbm>>
      tpu.wait_indirect_dma semaphore(%arg19 : memref<!tpu.dma_semaphore, #tpu.memory_space<semaphore_mem>>) src(%dma_wait3A_716 : memref<128xf32, #tpu.memory_space<vmem>>) dst(%dma_wait3A_721 : memref<16777216xf32, #tpu.memory_space<hbm>>)
    }
    %scan3A_710 = arith.constant 32 : i32
    return
  }
}

</mosaic_0001>

<sc_bundles>
// kernel: kernel.3.cloned.1.call-start
scs
__scs_entry_jumppad:
0x0: {  	(pc) =	sbr.rel $0x88, $3  }
0x1: {  	(tag) =	ssettag $0x0;
	lr =	simm.s32 $0x1  }
0x2: {  	[smem:$0x3F9E] =	sst lr;
	_ =	strace $0xD0000000  }
0x3: {  	_ = 	snop  }
0x4: {  	_ = 	snop  }
0x5: {  	_ = 	snop  }
0x6: {  	_ = 	snop  }
0x7: {  	_ = 	snop  }
__scs_overlays_trampoline_lowered:
0x8: {  	[smem:$0x3FAD] =	sst s0  }
0x9: {  	[smem:$0x3FAE] =	sst s1  }
0xa: {  	[smem:$0x3FAF] =	sst s2  }
0xb: {  	[smem:$0x3FB0] =	sst s3  }
0xc: {  	[smem:$0x3FB1] =	sst s4  }
0xd: {  	[smem:$0x3FB2] =	sst s5  }
0xe: {  	[smem:$0x3FB3] =	sst s6  }
0xf: {  	[smem:$0x3FB4] =	sst s7  }
0x10: {  	[smem:$0x3FB5] =	sst s8  }
0x11: {  	[smem:$0x3FB6] =	sst s9;
	s0 =	simm.s32 @!p0 $0x0  }
0x12: {  	s1 =	sld [smem:$0x3F9C];
	s0 =	simm.s32 @p0 $0x1  }
0x13: {  	[smem:$0x3FB7] =	sst s0;
	s0 =	simm.s32 @!p1 $0x0  }
0x14: {  	s2 =	sld [smem:$0x3F9B];
	s0 =	simm.s32 @p1 $0x1  }
0x15: {  	[smem:$0x3FB8] =	sst s0;
	s0 =	simm.s32 @!p2 $0x0  }
0x16: {  	s3 =	sld [smem:$0x3FDB];
	s0 =	simm.s32 @p2 $0x1  }
0x17: {  	s4 =	simm.s32 $0x1BF5;
	[smem:$0x3FBA] =	sst s0  }
0x18: {  	s0 =	sld [smem:$0x3F9D];
	_ =	swait.ge [sflag:s4], $0x0  }
0x19: {  	s7 =	sld [smem:$0x3F9E]  }
0x1a: {  	s8 =	sadd.s32 $0xFFFFE003, lr  }
0x1b: {  	s9 =	sadd.s32 $0xFFFFFEF7, lr;
	s5 =	simm.s32 $0xFFFFFFFF;
	p2 =	slt.u32 s8, $0xFFFFF086  }
0x1c: {  	p1 =	slt.u32 s9, $0xF7A;
	s5 =	simm.s32 @!p2 $0x0  }
0x1d: {  	s5 =	simm.s32 @p1 $0x1;
	p0 =	seq.s32 s7, s2  }
0x1e: {  	s7 =	smul.u32 @!p0 $0xF7A, s2;
	p2 =	seq.s32 @!p0 s5, $0x0  }
0x1f: {  	s9 =	smul.u32 $0xF7A, s1;
	s8 =	simm.s32 @!p0 $0x1BF5;
	p2 =	por !p2, p0  }
0x20: {  	[sflag:s8] =	ssyncset.s32 @!p0 $0xFFFFF086;
	s6 =	sadd.s32 @!p0 s3, s7;
	s7 =	simm.s32 @!p0 $0x108  }
0x21: {  	s3 =	sadd.s32 s3, s9;
	s6 =	sadd.s32 @!p0 $0x88, s6;
	s7 =	simm.s32 @p2 $0x1082  }
0x22: {  	[simem:s7], [sflag:s8] =	dma.local @!p0 [hbm:s6], $0xF7A  }
0x23: {  	s9 =	sor.u32 $0xD0000000, s2;
	s6 =	simm.s32 $0x108;
	_ =	swait.ge @!p0 [sflag:s8], $0x0  }
0x24: {  	s3 =	sadd.s32 $0x88, s3;
	s6 =	simm.s32 @!p1 $0x1082;
	[sflag:s4] =	ssyncset.s32 $0xFFFFF086  }
0x25: {  	[simem:s6], [sflag:s4] =	dma.local [hbm:s3], $0xF7A  }
0x26: {  	[smem:$0x3F9E] =	sst s1;
	(tag) =	ssettag s2;
	_ =	strace s9  }
0x27: {  	s1 =	sld [smem:$0x3FAE]  }
0x28: {  	s2 =	sld [smem:$0x3FAF]  }
0x29: {  	s4 =	sld [smem:$0x3FB1]  }
0x2a: {  	p0 =	seq.s32 s5, $0x0;
	s5 =	sld [smem:$0x3FB2]  }
0x2b: {  	s6 =	sld [smem:$0x3FB3]  }
0x2c: {  	s7 =	sld [smem:$0x3FB4]  }
0x2d: {  	s3 =	simm.s32 $0x108;
	s8 =	sld [smem:$0x3FB5]  }
0x2e: {  	s3 =	simm.s32 @!p0 $0x1082;
	s9 =	sld [smem:$0x3FB6]  }
0x2f: {  	lr =	sadd.s32 s0, s3;
	s0 =	sld [smem:$0x3FAD]  }
0x30: {  	s3 =	sld [smem:$0x3FB0]  }
0x31: {  	[smem:$0x3FB9] =	sst s10  }
0x32: {  	s10 =	sld [smem:$0x3FB7];
	_ =	sdelay $0x3  }
0x33: {  	p0 =	seq.s32 s10, $0x1;
	s10 =	sld [smem:$0x3FB9];
	_ =	sdelay $0x3  }
0x34: {  	[smem:$0x3FB9] =	sst s10  }
0x35: {  	s10 =	sld [smem:$0x3FB8];
	_ =	sdelay $0x3  }
0x36: {  	p1 =	seq.s32 s10, $0x1;
	s10 =	sld [smem:$0x3FB9];
	_ =	sdelay $0x3  }
0x37: {  	[smem:$0x3FB9] =	sst s10  }
0x38: {  	s10 =	sld [smem:$0x3FBA]  }
0x39: {  	_ = 	snop;
	(pc) =	sbr.ind lr, $3  }
0x3a: {  	_ = 	snop  }
0x3b: {  	_ = 	snop  }
0x3c: {  	p2 =	seq.s32 s10, $0x1;
	s10 =	sld [smem:$0x3FB9]  }
0x3d: {  	_ =	shalt  }
0x3e: {  	_ =	shalt  }
0x3f: {  	_ =	shalt  }
0x40: {  	_ =	shalt  }
0x41: {  	_ =	shalt  }
0x42: {  	_ =	shalt  }
0x43: {  	_ =	shalt  }
0x44: {  	_ =	shalt  }
0x45: {  	_ =	shalt  }
0x46: {  	_ =	shalt  }
0x47: {  	_ =	shalt  }
0x48: {  	_ =	shalt  }
0x49: {  	_ =	shalt  }
0x4a: {  	_ =	shalt  }
0x4b: {  	_ =	shalt  }
0x4c: {  	_ =	shalt  }
0x4d: {  	_ =	shalt  }
0x4e: {  	_ =	shalt  }
0x4f: {  	_ =	shalt  }
0x50: {  	_ =	shalt  }
0x51: {  	_ =	shalt  }
0x52: {  	_ =	shalt  }
0x53: {  	_ =	shalt  }
0x54: {  	_ =	shalt  }
0x55: {  	_ =	shalt  }
0x56: {  	_ =	shalt  }
0x57: {  	_ =	shalt  }
0x58: {  	_ =	shalt  }
0x59: {  	_ =	shalt  }
0x5a: {  	_ =	shalt  }
0x5b: {  	_ =	shalt  }
0x5c: {  	_ =	shalt  }
0x5d: {  	_ =	shalt  }
0x5e: {  	_ =	shalt  }
0x5f: {  	_ =	shalt  }
0x60: {  	_ =	shalt  }
0x61: {  	_ =	shalt  }
0x62: {  	_ =	shalt  }
0x63: {  	_ =	shalt  }
0x64: {  	_ =	shalt  }
0x65: {  	_ =	shalt  }
0x66: {  	_ =	shalt  }
0x67: {  	_ =	shalt  }
0x68: {  	_ =	shalt  }
0x69: {  	_ =	shalt  }
0x6a: {  	_ =	shalt  }
0x6b: {  	_ =	shalt  }
0x6c: {  	_ =	shalt  }
0x6d: {  	_ =	shalt  }
0x6e: {  	_ =	shalt  }
0x6f: {  	_ =	shalt  }
0x70: {  	_ =	shalt  }
0x71: {  	_ =	shalt  }
0x72: {  	_ =	shalt  }
0x73: {  	_ =	shalt  }
0x74: {  	_ =	shalt  }
0x75: {  	_ =	shalt  }
0x76: {  	_ =	shalt  }
0x77: {  	_ =	shalt  }
0x78: {  	_ =	shalt  }
0x79: {  	_ =	shalt  }
0x7a: {  	_ =	shalt  }
0x7b: {  	_ =	shalt  }
0x7c: {  	_ =	shalt  }
0x7d: {  	_ =	shalt  }
0x7e: {  	_ =	shalt  }
0x7f: {  	_ =	shalt  }
0x80: {  	_ =	shalt  }
0x81: {  	_ =	shalt  }
0x82: {  	_ =	shalt  }
0x83: {  	_ =	shalt  }
0x84: {  	_ =	shalt  }
0x85: {  	_ =	shalt  }
0x86: {  	_ =	shalt  }
0x87: {  	_ =	shalt  }
.Lfunc_end0:
.L_simem_size_0:
called_computation_lowered:
.L_overlay_start_0:
0x88: {  	s2 =	sld [smem:$0x3FD9]  }
0x89: {  	s3 =	sld [smem:$0x3FFE];
	_ =	sdelay $0x1  }
0x8a: {  	s1 =	srdreg.scid  }
0x8b: {  	s0 =	sand.u32 $0x1, s1  }
0x8c: {  	s17 =	sshll.u32 s0, $0xA;
	s2 =	sadd.s32 s3, s2  }
0x8d: {  	s2 =	sadd.s32 s2, s17  }
0x8e: {  	[smem:$0x3FC5] =	sst s2  }
0x8f: {  	_ = 	snop  }
0x90: {  	s2 =	sld [smem:$0x3FD0];
	(tm) =	ssettm $0x1  }
0x91: {  	s18 =	sld [smem:$0x3FFB];
	_ =	sdelay $0x3  }
0x92: {  	_ =	strace s18  }
0x93: {  	s3 =	sld [smem:$0x3FFC];
	_ =	sdelay $0x3  }
0x94: {  	_ =	strace s3  }
0x95: {  	s3 =	sld [smem:$0x3FFD];
	_ =	sdelay $0x3  }
0x96: {  	_ =	strace s3  }
0x97: {  	_ =	strace $0x8FFFFFFF  }
0x98: {  	s19 =	sld [smem:$0x3FDB];
	_ =	sdelay $0x1  }
0x99: {  	s4 =	simm.s32 $_scs_section_size  }
0x9a: {  	s5 =	simm.s32 $_size__tile_overlayer_lowered;
	s6 =	simm.s32 $_tile_overlayer_lowered  }
0x9b: {  	s22 =	simm.s32 $0x1BFF;
	s21 =	sshll.u32 s6, $0x1;
	s3 =	sadd.s32 s4, s19  }
0x9c: {  	s7 =	simm.s32 $0x0;
	s20 =	sshll.u32 s5, $0x1;
	s5 =	sadd.s32 s21, s3  }
0x9d: {  	[timem:s7], [sflag:s22] =	dma.local [hbm:s5], s20  }
0x9e: {  	_ =	swait.ge [sflag:s22], s20  }
0x9f: {  	s4 =	ssub.s32 $0x0, s20;
	[sflag:s22] =	ssyncset.done $0x0  }
0xa0: {  	[sflag:s22] =	ssyncadd.s32 s4;
	_ =	sdelay $0x1  }
0xa1: {  	s23 =	simm.s32 $0x1B8B  }
0xa2: {  	_ =	swait.ge [sflag:s23], $0x1  }
0xa3: {  	[sflag:s23] =	ssyncset.done $0x0  }
0xa4: {  	s25 =	simm.s32 $0x1B8E;
	s24 =	sld [smem:$0x3FFE];
	[sflag:s23] =	ssyncadd.s32 $0xFFFFFFFF  }
0xa5: {  	s26 =	simm.s32 $execute0_lowered;
	[smem:$0x3FD2] =	sst s25  }
0xa6: {  	s5 =	sshll.u32 s26, $0x1;
	_ =	strace $0x80000046;
	[dreg:$0x1] =	wrdreg $0xFFFFFFFF  }
0xa7: {  	s28 =	simm.s32 $_size_execute0_lowered;
	s3 =	sadd.s32 s3, s5;
	[dreg:$0x0] =	wrdreg $0x0  }
0xa8: {  	s5 =	sshll.u32 s28, $0x1;
	[dreg:$0x2] =	wrdreg s3  }
0xa9: {  	[dreg:$0x3] =	wrdreg s5  }
0xaa: {  	[dreg:$0x4] =	wrdreg $0xC0  }
0xab: {  	_ =	task [dreg:s7], $0x5FFFF  }
0xac: {  	[dreg:$0x1] =	wrdreg $0xFFFFFFFF  }
0xad: {  	[dreg:$0x0] =	wrdreg $0x60  }
0xae: {  	[dreg:$0x2] =	wrdreg s2  }
0xaf: {  	[dreg:$0x3] =	wrdreg s24  }
0xb0: {  	[dreg:$0x4] =	wrdreg $0x9  }
0xb1: {  	_ =	task.clear_ibuf [dreg:s7], $0x5FFFF;
	_ =	strace $0x90000046  }
0xb2: {  	s29 =	simm.s32 $0x9;
	_ =	strace $0x80000048  }
0xb3: {  	_ =	swait.ge [sflag:s29], $0x1  }
0xb4: {  	[sflag:s29] =	ssyncadd.s32 $0xFFFFFFFF  }
0xb5: {  	_ =	strace $0x90000048  }
0xb6: {  	_ =	sfence  }
0xb7: {  	s30 =	sld [smem:$0x0];
	_ =	sdelay $0x2  }
0xb8: {  	s31 =	sshll.u32 s1, $0xD;
	s1 =	sshrl.u32 s1, $0x2  }
0xb9: {  	s3 =	sand.u32 $0x4000, s31;
	s1 =	sadd.s32 s1, s30  }
0xba: {  	s0 =	sor.u32 s3, s0;
	s1 =	sshll.u32 s1, $0x11  }
0xbb: {  	s0 =	sor.u32 s1, s0  }
0xbc: {  	s0 =	sadd.s32 $0x8F2B, s0  }
0xbd: {  	[sflag:s0] =	ssyncadd.remote.s32 $0x1  }
0xbe: {  	_ =	sfence.sel $0xFFFF  }
0xbf: {  	[dreg:$0x0] =	wrdreg $0xFFFFFFFF;
	(pc) =	sbr.abs _section_cstart, $3  }
0xc0: {  	[dreg:$0x1] =	wrdreg $0xFFFFFFFF  }
0xc1: {  	_ =	task.clear_ibuf [dreg:s7], $0x2FFFF;
	_ =	strace $0x9FFFFFFF  }
0xc2: {  	(tm) =	ssettm $0x7FFFFFFF  }
0xc3: {  	_ =	shalt  }
tec
execute0_lowered:
.L_overlay_start_1:
0x0: {  	(tag) =	ssettag $0x1  }
0x1: {  	s12 =	rddreg [dreg:$0x0]  }
0x2: {  	s0 =	rddreg [dreg:$0x1];
	s3 =	simm.s32 $0x0;
	s11 =	stileid.u32  }
0x3: {  	s1 =	srdreg.scid;
	[smem:$0x7FF] =	sst s3;
	s2 =	sshll.u32 s11, $0x9  }
0x4: {  	s1 =	sand.u32 $0x1, s1;
	s5 =	sadd.s32 $0x4600, s0;
	s8 =	sshll.u32 s11, $0xC  }
0x5: {  	s16 =	sshll.u32 s11, $0x12;
	s17 =	sshll.u32 s11, $0xF;
	s18 =	sadd.s32 $0xD600, s0  }
0x6: {  	s20 =	sadd.s32 $0xE600, s0;
	s22 =	sadd.s32 $0xF600, s0;
	s23 =	sadd.s32 $0x10600, s0  }
0x7: {  	s24 =	sadd.s32 $0x11600, s0;
	s25 =	sadd.s32 $0x12600, s0;
	_ =	strace $0x80000047  }
0x8: {  	s2 =	sadd.s32 s2, s0;
	s4 =	ssub.s32 $0x2, s1;
	s7 =	sshllo.u32 s1, $0x1  }
0x9: {  	s9 =	sshll.u32 s1, $0x11;
	s26 =	sadd.s32 s12, s17;
	s6 =	sshrl.u32 s4, $0x1  }
0xa: {  	s10 =	sshll.u32 s7, $0x10;
	s14 =	sor.u32 s8, s9;
	s15 =	sadd.s32 $0x2600, s2  }
0xb: {  	s2 =	sadd.s32 $0x600, s2;
	s28 =	sadd.s32 $0x1000, s26;
	s29 =	sadd.s32 $0x2000, s26  }
0xc: {  	s30 =	sadd.s32 $0x3000, s26;
	s31 =	sadd.s32 $0x4000, s26;
	[dreg:$0x7] =	wrdreg s26  }
0xd: {  	s4 =	ssub.s32 s4, s6;
	s8 =	sor.u32 s8, s10;
	[dreg:$0x3] =	wrdreg s15  }
0xe: {  	s6 =	sshrl.u32 s14, $0x3;
	[dreg:$0x4] =	wrdreg s2;
	s2 =	sshll.u32 s1, $0x17  }
0xf: {  	s8 =	sshrl.u32 s8, $0x3;
	s9 =	sadd.s32 s5, s6;
	s1 =	sor.u32 s16, s2  }
0x10: {  	s6 =	sshll.u32 s7, $0x16;
	s7 =	simm.s32 $0x0;
	s10 =	sadd.s32 s5, s8  }
0x11: {  	s1 =	sshrl.u32 s1, $0x3;
	s5 =	sor.u32 s16, s6;
	s8 =	smax.u32 s4, $0x1  }
0x12: {  	s4 =	sadd.s32 $0x7000, s26;
	[dreg:$0x5] =	wrdreg s9;
	s5 =	sshrl.u32 s5, $0x3  }
0x13: {  	s19 =	sadd.s32 s1, s18;
	s21 =	sadd.s32 s1, s20;
	[dreg:$0xc] =	wrdreg s8  }
0x14: {  	s13 =	sadd.s32 s1, s22;
	s15 =	sadd.s32 s1, s23;
	[dreg:$0x6] =	wrdreg s10  }
0x15: {  	s17 =	sadd.s32 s1, s24;
	[dreg:$0x8] =	wrdreg s19;
	s11 =	sadd.s32 s5, s18  }
0x16: {  	[dreg:$0xa] =	wrdreg s21;
	s12 =	sadd.s32 s5, s20;
	s14 =	sadd.s32 s5, s22  }
0x17: {  	s16 =	sadd.s32 s5, s23;
	s18 =	sadd.s32 s5, s24;
	s19 =	sadd.s32 $0xC600, s0  }
0x18: {  	s20 =	sadd.s32 s1, s25;
	s21 =	sadd.s32 s5, s25;
	s0 =	sadd.s32 $0x13600, s0  }
0x19: {  	s22 =	sadd.s32 s19, s1;
	s23 =	sadd.s32 s1, s0;
	s24 =	sadd.s32 s5, s0  }
0x1a: {  	s25 =	sadd.s32 s19, s5;
	s0 =	sadd.s32 $0x5000, s26;
	[dreg:$0x9] =	wrdreg s11  }
0x1b: {  	v0 =	vmov s2;
	v1 =	vmov s6;
	s1 =	sadd.s32 $0x6000, s26;
	s5 =	simm.s32 $0x80;
	[dreg:$0xb] =	wrdreg s12  }
.LBB2_1:
0x1c: {  	[dreg:$0xd] =	wrdreg s7  }
0x1d: {  	s2 =	rddreg [dreg:$0x3];
	s6 =	simm.s32 $0x10000  }
0x1e: {  	s11 =	rddreg [dreg:$0x4];
	s12 =	simm.s32 $0x11000;
	s8 =	sadd.s32 $0x0, s9  }
0x1f: {  	[tilespmem:s6], [sflag:$0x3] =	stream.linear.gather [hbm4b:s2+s3], $0x1000, $0x38;
	[tilespmem:$0x1A000] =	vst v63  }
0x20: {  	s7 =	simm.s32 $0x12100;
	s2 =	simm.s32 $0x12000;
	s6 =	simm.s32 $0x10  }
0x21: {  	[tilespmem:s12], [sflag:$0x3] =	stream.linear.gather [hbm4b:s11+s3], $0x1000, $0x38;
	[tilespmem:$0x1A000] =	vst v63  }
.LBB2_2:
0x22: {  	[tilespmem:s2], [sflag:$0x3] =	stream.linear.gather [hbm4b:s8+s3], $0x80, $0x38;
	[tilespmem:$0x1A000] =	vst v63  }
0x23: {  	s8 =	smov.u32 s6;
	s2 =	smov.u32 s7;
	p0 =	sne.s32 s6, $0x1F0  }
.Ltmp0:
0x24: {  	s6 =	sadd.s32 $0x10, s6;
	(pc) =	sbr.rel @p0 .LBB2_2-.Ltmp0, $2  }
0x25: {  	_ =	sdelay $0x2  }
0x26: {  	s7 =	sadd.s32 $0x100, s7;
	s8 =	sadd.s32 s8, s9  }
0x27: {  	[tilespmem:s2], [sflag:$0x3] =	stream.linear.gather [hbm4b:s8+s3], $0x80, $0x38;
	[tilespmem:$0x1A000] =	vst v63  }
0x28: {  	s2 =	simm.s32 $0x12080  }
0x29: {  	s6 =	simm.s32 $0x10;
	s8 =	sadd.s32 $0x0, s10;
	s7 =	simm.s32 $0x12180  }
.LBB2_4:
0x2a: {  	[tilespmem:s2], [sflag:$0x3] =	stream.linear.gather [hbm4b:s8+s3], $0x80, $0x38;
	[tilespmem:$0x1A000] =	vst v63  }
0x2b: {  	s8 =	smov.u32 s6;
	s2 =	smov.u32 s7;
	p0 =	sne.s32 s6, $0x1F0  }
.Ltmp1:
0x2c: {  	s6 =	sadd.s32 $0x10, s6;
	(pc) =	sbr.rel @p0 .LBB2_4-.Ltmp1, $2  }
0x2d: {  	_ =	sdelay $0x2  }
0x2e: {  	s7 =	sadd.s32 $0x100, s7;
	s8 =	sadd.s32 s8, s10  }
0x2f: {  	[tilespmem:s2], [sflag:$0x3] =	stream.linear.gather [hbm4b:s8+s3], $0x80, $0x38;
	[tilespmem:$0x1A000] =	vst v63  }
0x30: {  	s2 =	simm.s32 $0x0  }
0x31: {  	s6 =	simm.s32 $0x10;
	s8 =	sadd.s32 $0x0, s26;
	s7 =	simm.s32 $0x100  }
.LBB2_6:
0x32: {  	[tilespmem:s2], [sflag:$0x1] =	stream.linear.gather [hbm4b:s8+s3], $0x80, $0x38;
	[tilespmem:$0x1A000] =	vst v63  }
0x33: {  	s8 =	smov.u32 s6;
	s2 =	smov.u32 s7;
	p0 =	sne.s32 s6, $0xFF0  }
.Ltmp2:
0x34: {  	s6 =	sadd.s32 $0x10, s6;
	(pc) =	sbr.rel @p0 .LBB2_6-.Ltmp2, $2  }
0x35: {  	_ =	sdelay $0x2  }
0x36: {  	s7 =	sadd.s32 $0x100, s7;
	s8 =	sadd.s32 s8, s26  }
0x37: {  	[tilespmem:s2], [sflag:$0x1] =	stream.linear.gather [hbm4b:s8+s3], $0x80, $0x38;
	[tilespmem:$0x1A000] =	vst v63  }
0x38: {  	s2 =	simm.s32 $0x80  }
0x39: {  	s6 =	simm.s32 $0x10;
	s8 =	sadd.s32 $0x0, s28;
	s7 =	simm.s32 $0x180  }
.LBB2_8:
0x3a: {  	[tilespmem:s2], [sflag:$0x1] =	stream.linear.gather [hbm4b:s8+s3], $0x80, $0x38;
	[tilespmem:$0x1A000] =	vst v63  }
0x3b: {  	s8 =	smov.u32 s6;
	s2 =	smov.u32 s7;
	p0 =	sne.s32 s6, $0xFF0  }
.Ltmp3:
0x3c: {  	s6 =	sadd.s32 $0x10, s6;
	(pc) =	sbr.rel @p0 .LBB2_8-.Ltmp3, $2  }
0x3d: {  	_ =	sdelay $0x2  }
0x3e: {  	s7 =	sadd.s32 $0x100, s7;
	s8 =	sadd.s32 s8, s28  }
0x3f: {  	[tilespmem:s2], [sflag:$0x1] =	stream.linear.gather [hbm4b:s8+s3], $0x80, $0x38;
	[tilespmem:$0x1A000] =	vst v63  }
0x40: {  	s26 =	simm.s32 $0x1  }
0x41: {  	_ =	swait.ge [sflag:s26], $0x8000  }
0x42: {  	s2 =	simm.s32 $0x0;
	s6 =	simm.s32 $0x10;
	[sflag:s26] =	ssyncset.done $0x0  }
0x43: {  	s8 =	sadd.s32 $0x0, s22;
	s7 =	simm.s32 $0x100;
	[sflag:s26] =	ssyncadd.s32 $0xFFFF8000  }
.LBB2_10:
0x44: {  	[hbm4b:s8+s3] =	stream.linear.scatter [tilespmem:s2], [sflag:$0x2], $0x80, $0x38;
	[tilespmem:$0x1A000] =	vst v63  }
0x45: {  	s8 =	smov.u32 s6;
	s2 =	smov.u32 s7;
	p0 =	sne.s32 s6, $0xFF0  }
.Ltmp4:
0x46: {  	s6 =	sadd.s32 $0x10, s6;
	(pc) =	sbr.rel @p0 .LBB2_10-.Ltmp4, $2  }
0x47: {  	_ =	sdelay $0x2  }
0x48: {  	s7 =	sadd.s32 $0x100, s7;
	s8 =	sadd.s32 s8, s22  }
0x49: {  	[hbm4b:s8+s3] =	stream.linear.scatter [tilespmem:s2], [sflag:$0x2], $0x80, $0x38;
	[tilespmem:$0x1A000] =	vst v63  }
0x4a: {  	s2 =	simm.s32 $0x0  }
0x4b: {  	s6 =	simm.s32 $0x10;
	s8 =	sadd.s32 $0x0, s25;
	s7 =	simm.s32 $0x100  }
.LBB2_12:
0x4c: {  	[hbm4b:s8+s3] =	stream.linear.scatter [tilespmem:s2], [sflag:$0x2], $0x80, $0x38;
	[tilespmem:$0x1A000] =	vst v63  }
0x4d: {  	s8 =	smov.u32 s6;
	s2 =	smov.u32 s7;
	p0 =	sne.s32 s6, $0xFF0  }
.Ltmp5:
0x4e: {  	s6 =	sadd.s32 $0x10, s6;
	(pc) =	sbr.rel @p0 .LBB2_12-.Ltmp5, $2  }
0x4f: {  	_ =	sdelay $0x2  }
0x50: {  	s7 =	sadd.s32 $0x100, s7;
	s8 =	sadd.s32 s8, s25  }
0x51: {  	[hbm4b:s8+s3] =	stream.linear.scatter [tilespmem:s2], [sflag:$0x2], $0x80, $0x38;
	[tilespmem:$0x1A000] =	vst v63  }
0x52: {  	s26 =	simm.s32 $0x2  }
0x53: {  	_ =	swait.ge [sflag:s26], $0x8000  }
0x54: {  	[sflag:s26] =	ssyncset.done $0x0  }
0x55: {  	[sflag:s26] =	ssyncadd.s32 $0xFFFF8000  }
0x56: {  	_ =	swait.ge [sflag:s26], $0x8000  }
0x57: {  	s2 =	simm.s32 $0x0;
	s6 =	simm.s32 $0x10;
	[sflag:s26] =	ssyncset.done $0x0  }
0x58: {  	s8 =	sadd.s32 $0x0, s29;
	s7 =	simm.s32 $0x100;
	[sflag:s26] =	ssyncadd.s32 $0xFFFF8000  }
.LBB2_14:
0x59: {  	[tilespmem:s2], [sflag:$0x1] =	stream.linear.gather [hbm4b:s8+s3], $0x80, $0x38;
	[tilespmem:$0x1A000] =	vst v63  }
0x5a: {  	s8 =	smov.u32 s6;
	s2 =	smov.u32 s7;
	p0 =	sne.s32 s6, $0xFF0  }
.Ltmp6:
0x5b: {  	s6 =	sadd.s32 $0x10, s6;
	(pc) =	sbr.rel @p0 .LBB2_14-.Ltmp6, $2  }
0x5c: {  	_ =	sdelay $0x2  }
0x5d: {  	s7 =	sadd.s32 $0x100, s7;
	s8 =	sadd.s32 s8, s29  }
0x5e: {  	[tilespmem:s2], [sflag:$0x1] =	stream.linear.gather [hbm4b:s8+s3], $0x80, $0x38;
	[tilespmem:$0x1A000] =	vst v63  }
0x5f: {  	s26 =	simm.s32 $0x1  }
0x60: {  	s2 =	simm.s32 $0x80;
	_ =	swait.ge [sflag:s26], $0x8000  }
0x61: {  	s6 =	simm.s32 $0x10;
	[sflag:s26] =	ssyncset.done $0x0;
	s11 =	rddreg [dreg:$0x8]  }
0x62: {  	s7 =	simm.s32 $0x180;
	[sflag:s26] =	ssyncadd.s32 $0xFFFF8000;
	s8 =	sadd.s32 $0x0, s11  }
.LBB2_16:
0x63: {  	[hbm4b:s8+s3] =	stream.linear.scatter [tilespmem:s2], [sflag:$0x2], $0x80, $0x38;
	[tilespmem:$0x1A000] =	vst v63  }
0x64: {  	s8 =	smov.u32 s6;
	s2 =	smov.u32 s7;
	p0 =	sne.s32 s6, $0xFF0  }
.Ltmp7:
0x65: {  	s6 =	sadd.s32 $0x10, s6;
	(pc) =	sbr.rel @p0 .LBB2_16-.Ltmp7, $2  }
0x66: {  	_ =	sdelay $0x2  }
0x67: {  	s7 =	sadd.s32 $0x100, s7;
	s8 =	sadd.s32 s8, s11  }
0x68: {  	[hbm4b:s8+s3] =	stream.linear.scatter [tilespmem:s2], [sflag:$0x2], $0x80, $0x38;
	[tilespmem:$0x1A000] =	vst v63  }
0x69: {  	s2 =	simm.s32 $0x80;
	s11 =	rddreg [dreg:$0x9]  }
0x6a: {  	s6 =	simm.s32 $0x10;
	s7 =	simm.s32 $0x180;
	s8 =	sadd.s32 $0x0, s11  }
.LBB2_18:
0x6b: {  	[hbm4b:s8+s3] =	stream.linear.scatter [tilespmem:s2], [sflag:$0x2], $0x80, $0x38;
	[tilespmem:$0x1A000] =	vst v63  }
0x6c: {  	s8 =	smov.u32 s6;
	s2 =	smov.u32 s7;
	p0 =	sne.s32 s6, $0xFF0  }
.Ltmp8:
0x6d: {  	s6 =	sadd.s32 $0x10, s6;
	(pc) =	sbr.rel @p0 .LBB2_18-.Ltmp8, $2  }
0x6e: {  	_ =	sdelay $0x2  }
0x6f: {  	s7 =	sadd.s32 $0x100, s7;
	s8 =	sadd.s32 s8, s11  }
0x70: {  	[hbm4b:s8+s3] =	stream.linear.scatter [tilespmem:s2], [sflag:$0x2], $0x80, $0x38;
	[tilespmem:$0x1A000] =	vst v63  }
0x71: {  	s26 =	simm.s32 $0x2  }
0x72: {  	_ =	swait.ge [sflag:s26], $0x8000  }
0x73: {  	[sflag:s26] =	ssyncset.done $0x0  }
0x74: {  	[sflag:s26] =	ssyncadd.s32 $0xFFFF8000  }
0x75: {  	_ =	swait.ge [sflag:s26], $0x8000  }
0x76: {  	s2 =	simm.s32 $0x80;
	s6 =	simm.s32 $0x10;
	[sflag:s26] =	ssyncset.done $0x0  }
0x77: {  	s8 =	sadd.s32 $0x0, s30;
	s7 =	simm.s32 $0x180;
	[sflag:s26] =	ssyncadd.s32 $0xFFFF8000  }
.LBB2_20:
0x78: {  	[tilespmem:s2], [sflag:$0x1] =	stream.linear.gather [hbm4b:s8+s3], $0x80, $0x38;
	[tilespmem:$0x1A000] =	vst v63  }
0x79: {  	s8 =	smov.u32 s6;
	s2 =	smov.u32 s7;
	p0 =	sne.s32 s6, $0xFF0  }
.Ltmp9:
0x7a: {  	s6 =	sadd.s32 $0x10, s6;
	(pc) =	sbr.rel @p0 .LBB2_20-.Ltmp9, $2  }
0x7b: {  	_ =	sdelay $0x2  }
0x7c: {  	s7 =	sadd.s32 $0x100, s7;
	s8 =	sadd.s32 s8, s30  }
0x7d: {  	[tilespmem:s2], [sflag:$0x1] =	stream.linear.gather [hbm4b:s8+s3], $0x80, $0x38;
	[tilespmem:$0x1A000] =	vst v63  }
0x7e: {  	s26 =	simm.s32 $0x1  }
0x7f: {  	s2 =	simm.s32 $0x0;
	_ =	swait.ge [sflag:s26], $0x8000  }
0x80: {  	s6 =	simm.s32 $0x10;
	[sflag:s26] =	ssyncset.done $0x0;
	s12 =	rddreg [dreg:$0xa]  }
0x81: {  	s7 =	simm.s32 $0x100;
	[sflag:s26] =	ssyncadd.s32 $0xFFFF8000;
	s8 =	sadd.s32 $0x0, s12  }
.LBB2_22:
0x82: {  	[hbm4b:s8+s3] =	stream.linear.scatter [tilespmem:s2], [sflag:$0x2], $0x80, $0x38;
	[tilespmem:$0x1A000] =	vst v63  }
0x83: {  	s8 =	smov.u32 s6;
	s2 =	smov.u32 s7;
	p0 =	sne.s32 s6, $0xFF0  }
.Ltmp10:
0x84: {  	s6 =	sadd.s32 $0x10, s6;
	(pc) =	sbr.rel @p0 .LBB2_22-.Ltmp10, $2  }
0x85: {  	_ =	sdelay $0x2  }
0x86: {  	s7 =	sadd.s32 $0x100, s7;
	s8 =	sadd.s32 s8, s12  }
0x87: {  	[hbm4b:s8+s3] =	stream.linear.scatter [tilespmem:s2], [sflag:$0x2], $0x80, $0x38;
	[tilespmem:$0x1A000] =	vst v63  }
0x88: {  	s2 =	simm.s32 $0x0;
	s12 =	rddreg [dreg:$0xb]  }
0x89: {  	s6 =	simm.s32 $0x10;
	s7 =	simm.s32 $0x100;
	s8 =	sadd.s32 $0x0, s12  }
.LBB2_24:
0x8a: {  	[hbm4b:s8+s3] =	stream.linear.scatter [tilespmem:s2], [sflag:$0x2], $0x80, $0x38;
	[tilespmem:$0x1A000] =	vst v63  }
0x8b: {  	s8 =	smov.u32 s6;
	s2 =	smov.u32 s7;
	p0 =	sne.s32 s6, $0xFF0  }
.Ltmp11:
0x8c: {  	s6 =	sadd.s32 $0x10, s6;
	(pc) =	sbr.rel @p0 .LBB2_24-.Ltmp11, $2  }
0x8d: {  	_ =	sdelay $0x2  }
0x8e: {  	s7 =	sadd.s32 $0x100, s7;
	s8 =	sadd.s32 s8, s12  }
0x8f: {  	[hbm4b:s8+s3] =	stream.linear.scatter [tilespmem:s2], [sflag:$0x2], $0x80, $0x38;
	[tilespmem:$0x1A000] =	vst v63  }
0x90: {  	s26 =	simm.s32 $0x2  }
0x91: {  	_ =	swait.ge [sflag:s26], $0x8000  }
0x92: {  	[sflag:s26] =	ssyncset.done $0x0  }
0x93: {  	[sflag:s26] =	ssyncadd.s32 $0xFFFF8000  }
0x94: {  	_ =	swait.ge [sflag:s26], $0x8000  }
0x95: {  	s2 =	simm.s32 $0x0;
	s6 =	simm.s32 $0x10;
	[sflag:s26] =	ssyncset.done $0x0  }
0x96: {  	s8 =	sadd.s32 $0x0, s31;
	s7 =	simm.s32 $0x100;
	[sflag:s26] =	ssyncadd.s32 $0xFFFF8000  }
.LBB2_26:
0x97: {  	[tilespmem:s2], [sflag:$0x1] =	stream.linear.gather [hbm4b:s8+s3], $0x80, $0x38;
	[tilespmem:$0x1A000] =	vst v63  }
0x98: {  	s8 =	smov.u32 s6;
	s2 =	smov.u32 s7;
	p0 =	sne.s32 s6, $0xFF0  }
.Ltmp12:
0x99: {  	s6 =	sadd.s32 $0x10, s6;
	(pc) =	sbr.rel @p0 .LBB2_26-.Ltmp12, $2  }
0x9a: {  	_ =	sdelay $0x2  }
0x9b: {  	s7 =	sadd.s32 $0x100, s7;
	s8 =	sadd.s32 s8, s31  }
0x9c: {  	[tilespmem:s2], [sflag:$0x1] =	stream.linear.gather [hbm4b:s8+s3], $0x80, $0x38;
	[tilespmem:$0x1A000] =	vst v63  }
0x9d: {  	s26 =	simm.s32 $0x1  }
0x9e: {  	_ =	swait.ge [sflag:s26], $0x8000  }
0x9f: {  	s2 =	simm.s32 $0x80;
	s6 =	simm.s32 $0x10;
	[sflag:s26] =	ssyncset.done $0x0  }
0xa0: {  	s8 =	sadd.s32 $0x0, s13;
	s7 =	simm.s32 $0x180;
	[sflag:s26] =	ssyncadd.s32 $0xFFFF8000  }
.LBB2_28:
0xa1: {  	[hbm4b:s8+s3] =	stream.linear.scatter [tilespmem:s2], [sflag:$0x2], $0x80, $0x38;
	[tilespmem:$0x1A000] =	vst v63  }
0xa2: {  	s8 =	smov.u32 s6;
	s2 =	smov.u32 s7;
	p0 =	sne.s32 s6, $0xFF0  }
.Ltmp13:
0xa3: {  	s6 =	sadd.s32 $0x10, s6;
	(pc) =	sbr.rel @p0 .LBB2_28-.Ltmp13, $2  }
0xa4: {  	_ =	sdelay $0x2  }
0xa5: {  	s7 =	sadd.s32 $0x100, s7;
	s8 =	sadd.s32 s8, s13  }
0xa6: {  	[hbm4b:s8+s3] =	stream.linear.scatter [tilespmem:s2], [sflag:$0x2], $0x80, $0x38;
	[tilespmem:$0x1A000] =	vst v63  }
0xa7: {  	s2 =	simm.s32 $0x80  }
0xa8: {  	s6 =	simm.s32 $0x10;
	s8 =	sadd.s32 $0x0, s14;
	s7 =	simm.s32 $0x180  }
.LBB2_30:
0xa9: {  	[hbm4b:s8+s3] =	stream.linear.scatter [tilespmem:s2], [sflag:$0x2], $0x80, $0x38;
	[tilespmem:$0x1A000] =	vst v63  }
0xaa: {  	s8 =	smov.u32 s6;
	s2 =	smov.u32 s7;
	p0 =	sne.s32 s6, $0xFF0  }
.Ltmp14:
0xab: {  	s6 =	sadd.s32 $0x10, s6;
	(pc) =	sbr.rel @p0 .LBB2_30-.Ltmp14, $2  }
0xac: {  	_ =	sdelay $0x2  }
0xad: {  	s7 =	sadd.s32 $0x100, s7;
	s8 =	sadd.s32 s8, s14  }
0xae: {  	[hbm4b:s8+s3] =	stream.linear.scatter [tilespmem:s2], [sflag:$0x2], $0x80, $0x38;
	[tilespmem:$0x1A000] =	vst v63  }
0xaf: {  	s26 =	simm.s32 $0x2  }
0xb0: {  	_ =	swait.ge [sflag:s26], $0x8000  }
0xb1: {  	[sflag:s26] =	ssyncset.done $0x0  }
0xb2: {  	[sflag:s26] =	ssyncadd.s32 $0xFFFF8000  }
0xb3: {  	_ =	swait.ge [sflag:s26], $0x8000  }
0xb4: {  	s2 =	simm.s32 $0x80;
	s6 =	simm.s32 $0x10;
	[sflag:s26] =	ssyncset.done $0x0  }
0xb5: {  	s8 =	sadd.s32 $0x0, s0;
	s7 =	simm.s32 $0x180;
	[sflag:s26] =	ssyncadd.s32 $0xFFFF8000  }
.LBB2_32:
0xb6: {  	[tilespmem:s2], [sflag:$0x1] =	stream.linear.gather [hbm4b:s8+s3], $0x80, $0x38;
	[tilespmem:$0x1A000] =	vst v63  }
0xb7: {  	s8 =	smov.u32 s6;
	s2 =	smov.u32 s7;
	p0 =	sne.s32 s6, $0xFF0  }
.Ltmp15:
0xb8: {  	s6 =	sadd.s32 $0x10, s6;
	(pc) =	sbr.rel @p0 .LBB2_32-.Ltmp15, $2  }
0xb9: {  	_ =	sdelay $0x2  }
0xba: {  	s7 =	sadd.s32 $0x100, s7;
	s8 =	sadd.s32 s8, s0  }
0xbb: {  	[tilespmem:s2], [sflag:$0x1] =	stream.linear.gather [hbm4b:s8+s3], $0x80, $0x38;
	[tilespmem:$0x1A000] =	vst v63  }
0xbc: {  	s26 =	simm.s32 $0x1  }
0xbd: {  	_ =	swait.ge [sflag:s26], $0x8000  }
0xbe: {  	s2 =	simm.s32 $0x0;
	s6 =	simm.s32 $0x10;
	[sflag:s26] =	ssyncset.done $0x0  }
0xbf: {  	s8 =	sadd.s32 $0x0, s15;
	s7 =	simm.s32 $0x100;
	[sflag:s26] =	ssyncadd.s32 $0xFFFF8000  }
.LBB2_34:
0xc0: {  	[hbm4b:s8+s3] =	stream.linear.scatter [tilespmem:s2], [sflag:$0x2], $0x80, $0x38;
	[tilespmem:$0x1A000] =	vst v63  }
0xc1: {  	s8 =	smov.u32 s6;
	s2 =	smov.u32 s7;
	p0 =	sne.s32 s6, $0xFF0  }
.Ltmp16:
0xc2: {  	s6 =	sadd.s32 $0x10, s6;
	(pc) =	sbr.rel @p0 .LBB2_34-.Ltmp16, $2  }
0xc3: {  	_ =	sdelay $0x2  }
0xc4: {  	s7 =	sadd.s32 $0x100, s7;
	s8 =	sadd.s32 s8, s15  }
0xc5: {  	[hbm4b:s8+s3] =	stream.linear.scatter [tilespmem:s2], [sflag:$0x2], $0x80, $0x38;
	[tilespmem:$0x1A000] =	vst v63  }
0xc6: {  	s2 =	simm.s32 $0x0  }
0xc7: {  	s6 =	simm.s32 $0x10;
	s8 =	sadd.s32 $0x0, s16;
	s7 =	simm.s32 $0x100  }
.LBB2_36:
0xc8: {  	[hbm4b:s8+s3] =	stream.linear.scatter [tilespmem:s2], [sflag:$0x2], $0x80, $0x38;
	[tilespmem:$0x1A000] =	vst v63  }
0xc9: {  	s8 =	smov.u32 s6;
	s2 =	smov.u32 s7;
	p0 =	sne.s32 s6, $0xFF0  }
.Ltmp17:
0xca: {  	s6 =	sadd.s32 $0x10, s6;
	(pc) =	sbr.rel @p0 .LBB2_36-.Ltmp17, $2  }
0xcb: {  	_ =	sdelay $0x2  }
0xcc: {  	s7 =	sadd.s32 $0x100, s7;
	s8 =	sadd.s32 s8, s16  }
0xcd: {  	[hbm4b:s8+s3] =	stream.linear.scatter [tilespmem:s2], [sflag:$0x2], $0x80, $0x38;
	[tilespmem:$0x1A000] =	vst v63  }
0xce: {  	s26 =	simm.s32 $0x2  }
0xcf: {  	_ =	swait.ge [sflag:s26], $0x8000  }
0xd0: {  	[sflag:s26] =	ssyncset.done $0x0  }
0xd1: {  	[sflag:s26] =	ssyncadd.s32 $0xFFFF8000  }
0xd2: {  	_ =	swait.ge [sflag:s26], $0x8000  }
0xd3: {  	s2 =	simm.s32 $0x0;
	s6 =	simm.s32 $0x10;
	[sflag:s26] =	ssyncset.done $0x0  }
0xd4: {  	s8 =	sadd.s32 $0x0, s1;
	s7 =	simm.s32 $0x100;
	[sflag:s26] =	ssyncadd.s32 $0xFFFF8000  }
.LBB2_38:
0xd5: {  	[tilespmem:s2], [sflag:$0x1] =	stream.linear.gather [hbm4b:s8+s3], $0x80, $0x38;
	[tilespmem:$0x1A000] =	vst v63  }
0xd6: {  	s8 =	smov.u32 s6;
	s2 =	smov.u32 s7;
	p0 =	sne.s32 s6, $0xFF0  }
.Ltmp18:
0xd7: {  	s6 =	sadd.s32 $0x10, s6;
	(pc) =	sbr.rel @p0 .LBB2_38-.Ltmp18, $2  }
0xd8: {  	_ =	sdelay $0x2  }
0xd9: {  	s7 =	sadd.s32 $0x100, s7;
	s8 =	sadd.s32 s8, s1  }
0xda: {  	[tilespmem:s2], [sflag:$0x1] =	stream.linear.gather [hbm4b:s8+s3], $0x80, $0x38;
	[tilespmem:$0x1A000] =	vst v63  }
0xdb: {  	s26 =	simm.s32 $0x1  }
0xdc: {  	_ =	swait.ge [sflag:s26], $0x8000  }
0xdd: {  	s2 =	simm.s32 $0x80;
	s6 =	simm.s32 $0x10;
	[sflag:s26] =	ssyncset.done $0x0  }
0xde: {  	s8 =	sadd.s32 $0x0, s17;
	s7 =	simm.s32 $0x180;
	[sflag:s26] =	ssyncadd.s32 $0xFFFF8000  }
.LBB2_40:
0xdf: {  	[hbm4b:s8+s3] =	stream.linear.scatter [tilespmem:s2], [sflag:$0x2], $0x80, $0x38;
	[tilespmem:$0x1A000] =	vst v63  }
0xe0: {  	s8 =	smov.u32 s6;
	s2 =	smov.u32 s7;
	p0 =	sne.s32 s6, $0xFF0  }
.Ltmp19:
0xe1: {  	s6 =	sadd.s32 $0x10, s6;
	(pc) =	sbr.rel @p0 .LBB2_40-.Ltmp19, $2  }
0xe2: {  	_ =	sdelay $0x2  }
0xe3: {  	s7 =	sadd.s32 $0x100, s7;
	s8 =	sadd.s32 s8, s17  }
0xe4: {  	[hbm4b:s8+s3] =	stream.linear.scatter [tilespmem:s2], [sflag:$0x2], $0x80, $0x38;
	[tilespmem:$0x1A000] =	vst v63  }
0xe5: {  	s2 =	simm.s32 $0x80  }
0xe6: {  	s6 =	simm.s32 $0x10;
	s8 =	sadd.s32 $0x0, s18;
	s7 =	simm.s32 $0x180  }
.LBB2_42:
0xe7: {  	[hbm4b:s8+s3] =	stream.linear.scatter [tilespmem:s2], [sflag:$0x2], $0x80, $0x38;
	[tilespmem:$0x1A000] =	vst v63  }
0xe8: {  	s8 =	smov.u32 s6;
	s2 =	smov.u32 s7;
	p0 =	sne.s32 s6, $0xFF0  }
.Ltmp20:
0xe9: {  	s6 =	sadd.s32 $0x10, s6;
	(pc) =	sbr.rel @p0 .LBB2_42-.Ltmp20, $2  }
0xea: {  	_ =	sdelay $0x2  }
0xeb: {  	s7 =	sadd.s32 $0x100, s7;
	s8 =	sadd.s32 s8, s18  }
0xec: {  	[hbm4b:s8+s3] =	stream.linear.scatter [tilespmem:s2], [sflag:$0x2], $0x80, $0x38;
	[tilespmem:$0x1A000] =	vst v63  }
0xed: {  	s26 =	simm.s32 $0x2  }
0xee: {  	_ =	swait.ge [sflag:s26], $0x8000  }
0xef: {  	[sflag:s26] =	ssyncset.done $0x0  }
0xf0: {  	[sflag:s26] =	ssyncadd.s32 $0xFFFF8000  }
0xf1: {  	_ =	swait.ge [sflag:s26], $0x8000  }
0xf2: {  	s2 =	simm.s32 $0x80;
	s6 =	simm.s32 $0x10;
	[sflag:s26] =	ssyncset.done $0x0  }
0xf3: {  	s8 =	sadd.s32 $0x0, s4;
	s7 =	simm.s32 $0x180;
	[sflag:s26] =	ssyncadd.s32 $0xFFFF8000  }
.LBB2_44:
0xf4: {  	[tilespmem:s2], [sflag:$0x1] =	stream.linear.gather [hbm4b:s8+s3], $0x80, $0x38;
	[tilespmem:$0x1A000] =	vst v63  }
0xf5: {  	s8 =	smov.u32 s6;
	s2 =	smov.u32 s7;
	p0 =	sne.s32 s6, $0xFF0  }
.Ltmp21:
0xf6: {  	s6 =	sadd.s32 $0x10, s6;
	(pc) =	sbr.rel @p0 .LBB2_44-.Ltmp21, $2  }
0xf7: {  	_ =	sdelay $0x2  }
0xf8: {  	s7 =	sadd.s32 $0x100, s7;
	s8 =	sadd.s32 s8, s4  }
0xf9: {  	[tilespmem:s2], [sflag:$0x1] =	stream.linear.gather [hbm4b:s8+s3], $0x80, $0x38;
	[tilespmem:$0x1A000] =	vst v63  }
0xfa: {  	s26 =	simm.s32 $0x1  }
0xfb: {  	_ =	swait.ge [sflag:s26], $0x8000  }
0xfc: {  	s2 =	simm.s32 $0x0;
	s6 =	simm.s32 $0x10;
	[sflag:s26] =	ssyncset.done $0x0  }
0xfd: {  	s8 =	sadd.s32 $0x0, s20;
	s7 =	simm.s32 $0x100;
	[sflag:s26] =	ssyncadd.s32 $0xFFFF8000  }
.LBB2_46:
0xfe: {  	[hbm4b:s8+s3] =	stream.linear.scatter [tilespmem:s2], [sflag:$0x2], $0x80, $0x38;
	[tilespmem:$0x1A000] =	vst v63  }
0xff: {  	s8 =	smov.u32 s6;
	s2 =	smov.u32 s7;
	p0 =	sne.s32 s6, $0xFF0  }
.Ltmp22:
0x100: {  	s6 =	sadd.s32 $0x10, s6;
	(pc) =	sbr.rel @p0 .LBB2_46-.Ltmp22, $2  }
0x101: {  	_ =	sdelay $0x2  }
0x102: {  	s7 =	sadd.s32 $0x100, s7;
	s8 =	sadd.s32 s8, s20  }
0x103: {  	[hbm4b:s8+s3] =	stream.linear.scatter [tilespmem:s2], [sflag:$0x2], $0x80, $0x38;
	[tilespmem:$0x1A000] =	vst v63  }
0x104: {  	s2 =	simm.s32 $0x0  }
0x105: {  	s6 =	simm.s32 $0x10;
	s8 =	sadd.s32 $0x0, s21;
	s7 =	simm.s32 $0x100  }
.LBB2_48:
0x106: {  	[hbm4b:s8+s3] =	stream.linear.scatter [tilespmem:s2], [sflag:$0x2], $0x80, $0x38;
	[tilespmem:$0x1A000] =	vst v63  }
0x107: {  	s8 =	smov.u32 s6;
	s2 =	smov.u32 s7;
	p0 =	sne.s32 s6, $0xFF0  }
.Ltmp23:
0x108: {  	s6 =	sadd.s32 $0x10, s6;
	(pc) =	sbr.rel @p0 .LBB2_48-.Ltmp23, $2  }
0x109: {  	_ =	sdelay $0x2  }
0x10a: {  	s7 =	sadd.s32 $0x100, s7;
	s8 =	sadd.s32 s8, s21  }
0x10b: {  	[hbm4b:s8+s3] =	stream.linear.scatter [tilespmem:s2], [sflag:$0x2], $0x80, $0x38;
	[tilespmem:$0x1A000] =	vst v63  }
0x10c: {  	s26 =	simm.s32 $0x1  }
0x10d: {  	_ =	swait.ge [sflag:s26], $0x8000  }
0x10e: {  	s2 =	simm.s32 $0x80;
	s6 =	simm.s32 $0x10;
	[sflag:s26] =	ssyncset.done $0x0  }
0x10f: {  	s8 =	sadd.s32 $0x0, s23;
	s7 =	simm.s32 $0x180;
	[sflag:s26] =	ssyncadd.s32 $0xFFFF8000  }
.LBB2_50:
0x110: {  	[hbm4b:s8+s3] =	stream.linear.scatter [tilespmem:s2], [sflag:$0x2], $0x80, $0x38;
	[tilespmem:$0x1A000] =	vst v63  }
0x111: {  	s8 =	smov.u32 s6;
	s2 =	smov.u32 s7;
	p0 =	sne.s32 s6, $0xFF0  }
.Ltmp24:
0x112: {  	s6 =	sadd.s32 $0x10, s6;
	(pc) =	sbr.rel @p0 .LBB2_50-.Ltmp24, $2  }
0x113: {  	_ =	sdelay $0x2  }
0x114: {  	s7 =	sadd.s32 $0x100, s7;
	s8 =	sadd.s32 s8, s23  }
0x115: {  	[hbm4b:s8+s3] =	stream.linear.scatter [tilespmem:s2], [sflag:$0x2], $0x80, $0x38;
	[tilespmem:$0x1A000] =	vst v63  }
0x116: {  	s2 =	simm.s32 $0x80  }
0x117: {  	s6 =	simm.s32 $0x10;
	s8 =	sadd.s32 $0x0, s24;
	s7 =	simm.s32 $0x180  }
.LBB2_52:
0x118: {  	[hbm4b:s8+s3] =	stream.linear.scatter [tilespmem:s2], [sflag:$0x2], $0x80, $0x38;
	[tilespmem:$0x1A000] =	vst v63  }
0x119: {  	s8 =	smov.u32 s6;
	s2 =	smov.u32 s7;
	p0 =	sne.s32 s6, $0xFF0  }
.Ltmp25:
0x11a: {  	s6 =	sadd.s32 $0x10, s6;
	(pc) =	sbr.rel @p0 .LBB2_52-.Ltmp25, $2  }
0x11b: {  	_ =	sdelay $0x2  }
0x11c: {  	s7 =	sadd.s32 $0x100, s7;
	s8 =	sadd.s32 s8, s24  }
0x11d: {  	[hbm4b:s8+s3] =	stream.linear.scatter [tilespmem:s2], [sflag:$0x2], $0x80, $0x38;
	[tilespmem:$0x1A000] =	vst v63  }
0x11e: {  	s10 =	simm.s32 $0x3  }
0x11f: {  	_ =	swait.ge [sflag:s10], $0x1000  }
0x120: {  	[sflag:s10] =	ssyncset.done $0x0  }
0x121: {  	[sflag:s10] =	ssyncadd.s32 $0xFFFFF000  }
0x122: {  	_ =	swait.ge [sflag:s10], $0x1000  }
0x123: {  	[sflag:s10] =	ssyncset.done $0x0  }
0x124: {  	s2 =	simm.s32 $0x0;
	[sflag:s10] =	ssyncadd.s32 $0xFFFFF000  }
0x125: {  	v2 =	vld [tilespmem:s2+$0x10070]  }
0x126: {  	v3 =	vld [tilespmem:s2+$0x11070]  }
0x127: {  	v4 =	vld [tilespmem:s2+$0x10000]  }
0x128: {  	v5 =	vld [tilespmem:s2+$0x10010]  }
0x129: {  	v6 =	vld [tilespmem:s2+$0x10020]  }
0x12a: {  	v8 =	vld [tilespmem:s2+$0x10030]  }
0x12b: {  	v11 =	vld [tilespmem:s2+$0x10040]  }
0x12c: {  	v10 =	vld [tilespmem:s2+$0x11000]  }
0x12d: {  	v12 =	vld [tilespmem:s2+$0x11010];
	v2 =	vshll.u32 v2, $0xB  }
0x12e: {  	v2 =	vadd.s32 v3, v2;
	v3 =	vld [tilespmem:s2+$0x10050]  }
0x12f: {  	[tilespmem:s2+$0x14070] =	vst v2;
	v2 =	vld [tilespmem:s2+$0x10060]  }
0x130: {  	v9 =	vld [tilespmem:s2+$0x11020]  }
0x131: {  	v7 =	vld [tilespmem:s2+$0x11030]  }
0x132: {  	v13 =	vshll.u32 v4, $0xB;
	v4 =	vld [tilespmem:s2+$0x11040];
	v14 =	vshll.u32 v5, $0xB;
	v8 =	vshll.u32 v8, $0xB  }
0x133: {  	v5 =	vld [tilespmem:s2+$0x11050];
	v13 =	vadd.s32 v10, v13;
	v10 =	vshll.u32 v6, $0xB;
	v6 =	vshll.u32 v11, $0xB  }
0x134: {  	s6 =	simm.s32 $0x80;
	s7 =	simm.s32 $0x400;
	v12 =	vadd.s32 v12, v14;
	v11 =	vld [tilespmem:s2+$0x11060];
	[tilespmem:s2+$0x14000] =	vst v13;
	v3 =	vshll.u32 v3, $0xB;
	v2 =	vshll.u32 v2, $0xB  }
.LBB2_54:
0x135: {  	p0 =	sne.s32 s7, $0x3E00;
	v13 =	vld [tilespmem:s6+$0x10070];
	[tilespmem:s2+$0x14010] =	vst v12;
	v9 =	vadd.s32 v9, v10  }
0x136: {  	v10 =	vld [tilespmem:s6+$0x11070];
	[tilespmem:s2+$0x14020] =	vst v9;
	v7 =	vadd.s32 v7, v8  }
0x137: {  	v8 =	vld [tilespmem:s6+$0x10000];
	[tilespmem:s2+$0x14030] =	vst v7;
	v4 =	vadd.s32 v4, v6  }
0x138: {  	v6 =	vld [tilespmem:s6+$0x10010];
	[tilespmem:s2+$0x14040] =	vst v4;
	v3 =	vadd.s32 v5, v3  }
0x139: {  	v4 =	vld [tilespmem:s6+$0x10020];
	[tilespmem:s2+$0x14050] =	vst v3;
	v2 =	vadd.s32 v11, v2  }
0x13a: {  	v3 =	vld [tilespmem:s6+$0x10030];
	v5 =	vshll.u32 v13, $0xB;
	[tilespmem:s2+$0x14060] =	vst v2;
	s2 =	smov.u32 s6  }
0x13b: {  	v2 =	vld [tilespmem:s2+$0x10040];
	v5 =	vadd.s32 v10, v5  }
0x13c: {  	v11 =	vshll.u32 v8, $0xB;
	v12 =	vld [tilespmem:s2+$0x10050];
	[tilespmem:s2+$0x14070] =	vst v5  }
0x13d: {  	v13 =	vshll.u32 v6, $0xB;
	v5 =	vld [tilespmem:s2+$0x10060]  }
0x13e: {  	v14 =	vld [tilespmem:s2+$0x11000];
	v10 =	vshll.u32 v4, $0xB  }
0x13f: {  	v15 =	vld [tilespmem:s2+$0x11010];
	v8 =	vshll.u32 v3, $0xB  }
.Ltmp26:
0x140: {  	v9 =	vld [tilespmem:s2+$0x11020];
	v6 =	vshll.u32 v2, $0xB;
	(pc) =	sbr.rel @p0 .LBB2_54-.Ltmp26, $4  }
0x141: {  	v7 =	vld [tilespmem:s2+$0x11030];
	v3 =	vshll.u32 v12, $0xB  }
0x142: {  	v4 =	vld [tilespmem:s2+$0x11040];
	v2 =	vshll.u32 v5, $0xB  }
0x143: {  	v11 =	vadd.s32 v14, v11;
	v5 =	vld [tilespmem:s2+$0x11050]  }
0x144: {  	s6 =	sshra.s32 s7, $0x2;
	s7 =	sadd.s32 $0x200, s7;
	[tilespmem:s2+$0x14000] =	vst v11;
	v12 =	vadd.s32 v15, v13;
	v11 =	vld [tilespmem:s2+$0x11060]  }
0x145: {  	v13 =	vld [tilespmem:s6+$0x10070];
	[tilespmem:s2+$0x14010] =	vst v12;
	v9 =	vadd.s32 v9, v10  }
0x146: {  	v48 =	vld [tilespmem:s6+$0x11070];
	[tilespmem:s2+$0x14020] =	vst v9;
	v7 =	vadd.s32 v7, v8  }
0x147: {  	v49 =	vld [tilespmem:s6+$0x10000];
	[tilespmem:s2+$0x14030] =	vst v7;
	v4 =	vadd.s32 v4, v6  }
0x148: {  	v50 =	vld [tilespmem:s6+$0x10010];
	[tilespmem:s2+$0x14040] =	vst v4;
	v3 =	vadd.s32 v5, v3  }
0x149: {  	v4 =	vld [tilespmem:s6+$0x10020];
	[tilespmem:s2+$0x14050] =	vst v3;
	v2 =	vadd.s32 v11, v2  }
0x14a: {  	v3 =	vld [tilespmem:s6+$0x10030];
	[tilespmem:s2+$0x14060] =	vst v2  }
0x14b: {  	v51 =	vld [tilespmem:s6+$0x10040]  }
0x14c: {  	v7 =	vld [tilespmem:s6+$0x10050]  }
0x14d: {  	v9 =	vld [tilespmem:s6+$0x11000]  }
0x14e: {  	v52 =	vld [tilespmem:s6+$0x11010]  }
0x14f: {  	v53 =	vld [tilespmem:s6+$0x11020]  }
0x150: {  	v12 =	vld [tilespmem:s6+$0x11030]  }
0x151: {  	v2 =	vshll.u32 v13, $0xB;
	v54 =	vld [tilespmem:s6+$0x11040]  }
0x152: {  	v2 =	vadd.s32 v48, v2;
	v55 =	vld [tilespmem:s6+$0x11050];
	v8 =	vshll.u32 v49, $0xB  }
0x153: {  	[tilespmem:s6+$0x14070] =	vst v2;
	v2 =	vld [tilespmem:s6+$0x10060];
	v6 =	vshll.u32 v50, $0xB;
	v8 =	vadd.s32 v9, v8  }
0x154: {  	v56 =	vld [tilespmem:s6+$0x11060];
	v4 =	vshll.u32 v4, $0xB;
	v6 =	vadd.s32 v52, v6;
	[tilespmem:s6+$0x14000] =	vst v8  }
0x155: {  	v3 =	vshll.u32 v3, $0xB;
	v4 =	vadd.s32 v53, v4;
	[tilespmem:s6+$0x14010] =	vst v6  }
0x156: {  	v5 =	vshll.u32 v51, $0xB;
	v3 =	vadd.s32 v12, v3;
	[tilespmem:s6+$0x14020] =	vst v4  }
0x157: {  	v57 =	vshll.u32 v7, $0xB;
	[tilespmem:s6+$0x14030] =	vst v3;
	v3 =	vadd.s32 v54, v5  }
0x158: {  	v2 =	vshll.u32 v2, $0xB;
	[tilespmem:s6+$0x14040] =	vst v3;
	v3 =	vadd.s32 v55, v57  }
0x159: {  	v2 =	vadd.s32 v56, v2;
	[tilespmem:s6+$0x14050] =	vst v3  }
0x15a: {  	s8 =	simm.s32 $0x14000;
	s7 =	simm.s32 $0x17000;
	s2 =	rddreg [dreg:$0x0];
	[tilespmem:s6+$0x14060] =	vst v2  }
0x15b: {  	[tilespmem:s7], [sflag:$0x4] =	stream.indirect.gather [hbm4b:s2+s5], $0x1, s8, s5, $0xb8;
	[tilespmem:$0x1A000] =	vst v63  }
0x15c: {  	s9 =	simm.s32 $0x14080;
	s11 =	simm.s32 $0x17080  }
0x15d: {  	[tilespmem:s11], [sflag:$0x4] =	stream.indirect.gather [hbm4b:s2+s5], $0x1, s9, s5, $0xb8;
	[tilespmem:$0x1A000] =	vst v63  }
0x15e: {  	s12 =	simm.s32 $0x14100;
	s26 =	simm.s32 $0x17100  }
0x15f: {  	[tilespmem:s26], [sflag:$0x4] =	stream.indirect.gather [hbm4b:s2+s5], $0x1, s12, s5, $0xb8;
	[tilespmem:$0x1A000] =	vst v63  }
0x160: {  	s7 =	simm.s32 $0x14180;
	s8 =	simm.s32 $0x17180  }
0x161: {  	[tilespmem:s8], [sflag:$0x4] =	stream.indirect.gather [hbm4b:s2+s5], $0x1, s7, s5, $0xb8;
	[tilespmem:$0x1A000] =	vst v63  }
0x162: {  	s9 =	simm.s32 $0x14200;
	s11 =	simm.s32 $0x17200  }
0x163: {  	[tilespmem:s11], [sflag:$0x4] =	stream.indirect.gather [hbm4b:s2+s5], $0x1, s9, s5, $0xb8;
	[tilespmem:$0x1A000] =	vst v63  }
0x164: {  	s12 =	simm.s32 $0x14280;
	s26 =	simm.s32 $0x17280  }
0x165: {  	[tilespmem:s26], [sflag:$0x4] =	stream.indirect.gather [hbm4b:s2+s5], $0x1, s12, s5, $0xb8;
	[tilespmem:$0x1A000] =	vst v63  }
0x166: {  	s7 =	simm.s32 $0x14300;
	s8 =	simm.s32 $0x17300  }
0x167: {  	[tilespmem:s8], [sflag:$0x4] =	stream.indirect.gather [hbm4b:s2+s5], $0x1, s7, s5, $0xb8;
	[tilespmem:$0x1A000] =	vst v63  }
0x168: {  	s9 =	simm.s32 $0x14380;
	s11 =	simm.s32 $0x17380  }
0x169: {  	[tilespmem:s11], [sflag:$0x4] =	stream.indirect.gather [hbm4b:s2+s5], $0x1, s9, s5, $0xb8;
	[tilespmem:$0x1A000] =	vst v63  }
0x16a: {  	s12 =	simm.s32 $0x14400;
	s26 =	simm.s32 $0x17400  }
0x16b: {  	[tilespmem:s26], [sflag:$0x4] =	stream.indirect.gather [hbm4b:s2+s5], $0x1, s12, s5, $0xb8;
	[tilespmem:$0x1A000] =	vst v63  }
0x16c: {  	s7 =	simm.s32 $0x14480;
	s8 =	simm.s32 $0x17480  }
0x16d: {  	[tilespmem:s8], [sflag:$0x4] =	stream.indirect.gather [hbm4b:s2+s5], $0x1, s7, s5, $0xb8;
	[tilespmem:$0x1A000] =	vst v63  }
0x16e: {  	s9 =	simm.s32 $0x14500;
	s11 =	simm.s32 $0x17500  }
0x16f: {  	[tilespmem:s11], [sflag:$0x4] =	stream.indirect.gather [hbm4b:s2+s5], $0x1, s9, s5, $0xb8;
	[tilespmem:$0x1A000] =	vst v63  }
0x170: {  	s12 =	simm.s32 $0x14580;
	s26 =	simm.s32 $0x17580  }
0x171: {  	[tilespmem:s26], [sflag:$0x4] =	stream.indirect.gather [hbm4b:s2+s5], $0x1, s12, s5, $0xb8;
	[tilespmem:$0x1A000] =	vst v63  }
0x172: {  	s7 =	simm.s32 $0x14600;
	s8 =	simm.s32 $0x17600  }
0x173: {  	[tilespmem:s8], [sflag:$0x4] =	stream.indirect.gather [hbm4b:s2+s5], $0x1, s7, s5, $0xb8;
	[tilespmem:$0x1A000] =	vst v63  }
0x174: {  	s9 =	simm.s32 $0x14680;
	s11 =	simm.s32 $0x17680  }
0x175: {  	[tilespmem:s11], [sflag:$0x4] =	stream.indirect.gather [hbm4b:s2+s5], $0x1, s9, s5, $0xb8;
	[tilespmem:$0x1A000] =	vst v63  }
0x176: {  	s12 =	simm.s32 $0x14700;
	s26 =	simm.s32 $0x17700  }
0x177: {  	[tilespmem:s26], [sflag:$0x4] =	stream.indirect.gather [hbm4b:s2+s5], $0x1, s12, s5, $0xb8;
	[tilespmem:$0x1A000] =	vst v63  }
0x178: {  	s7 =	simm.s32 $0x14780;
	s8 =	simm.s32 $0x17780  }
0x179: {  	[tilespmem:s8], [sflag:$0x4] =	stream.indirect.gather [hbm4b:s2+s5], $0x1, s7, s5, $0xb8;
	[tilespmem:$0x1A000] =	vst v63  }
0x17a: {  	s9 =	simm.s32 $0x14800;
	s11 =	simm.s32 $0x17800  }
0x17b: {  	[tilespmem:s11], [sflag:$0x4] =	stream.indirect.gather [hbm4b:s2+s5], $0x1, s9, s5, $0xb8;
	[tilespmem:$0x1A000] =	vst v63  }
0x17c: {  	s12 =	simm.s32 $0x14880;
	s26 =	simm.s32 $0x17880  }
0x17d: {  	[tilespmem:s26], [sflag:$0x4] =	stream.indirect.gather [hbm4b:s2+s5], $0x1, s12, s5, $0xb8;
	[tilespmem:$0x1A000] =	vst v63  }
0x17e: {  	s7 =	simm.s32 $0x14900;
	s8 =	simm.s32 $0x17900  }
0x17f: {  	[tilespmem:s8], [sflag:$0x4] =	stream.indirect.gather [hbm4b:s2+s5], $0x1, s7, s5, $0xb8;
	[tilespmem:$0x1A000] =	vst v63  }
0x180: {  	s9 =	simm.s32 $0x14980;
	s11 =	simm.s32 $0x17980  }
0x181: {  	[tilespmem:s11], [sflag:$0x4] =	stream.indirect.gather [hbm4b:s2+s5], $0x1, s9, s5, $0xb8;
	[tilespmem:$0x1A000] =	vst v63  }
0x182: {  	s12 =	simm.s32 $0x14A00;
	s26 =	simm.s32 $0x17A00  }
0x183: {  	[tilespmem:s26], [sflag:$0x4] =	stream.indirect.gather [hbm4b:s2+s5], $0x1, s12, s5, $0xb8;
	[tilespmem:$0x1A000] =	vst v63  }
0x184: {  	s7 =	simm.s32 $0x14A80;
	s8 =	simm.s32 $0x17A80  }
0x185: {  	[tilespmem:s8], [sflag:$0x4] =	stream.indirect.gather [hbm4b:s2+s5], $0x1, s7, s5, $0xb8;
	[tilespmem:$0x1A000] =	vst v63  }
0x186: {  	s9 =	simm.s32 $0x14B00;
	s11 =	simm.s32 $0x17B00  }
0x187: {  	[tilespmem:s11], [sflag:$0x4] =	stream.indirect.gather [hbm4b:s2+s5], $0x1, s9, s5, $0xb8;
	[tilespmem:$0x1A000] =	vst v63  }
0x188: {  	s12 =	simm.s32 $0x14B80;
	s26 =	simm.s32 $0x17B80  }
0x189: {  	[tilespmem:s26], [sflag:$0x4] =	stream.indirect.gather [hbm4b:s2+s5], $0x1, s12, s5, $0xb8;
	[tilespmem:$0x1A000] =	vst v63  }
0x18a: {  	s7 =	simm.s32 $0x14C00;
	s8 =	simm.s32 $0x17C00  }
0x18b: {  	[tilespmem:s8], [sflag:$0x4] =	stream.indirect.gather [hbm4b:s2+s5], $0x1, s7, s5, $0xb8;
	[tilespmem:$0x1A000] =	vst v63  }
0x18c: {  	s9 =	simm.s32 $0x14C80;
	s11 =	simm.s32 $0x17C80  }
0x18d: {  	[tilespmem:s11], [sflag:$0x4] =	stream.indirect.gather [hbm4b:s2+s5], $0x1, s9, s5, $0xb8;
	[tilespmem:$0x1A000] =	vst v63  }
0x18e: {  	s12 =	simm.s32 $0x14D00;
	s26 =	simm.s32 $0x17D00  }
0x18f: {  	[tilespmem:s26], [sflag:$0x4] =	stream.indirect.gather [hbm4b:s2+s5], $0x1, s12, s5, $0xb8;
	[tilespmem:$0x1A000] =	vst v63  }
0x190: {  	s7 =	simm.s32 $0x14D80;
	s8 =	simm.s32 $0x17D80  }
0x191: {  	[tilespmem:s8], [sflag:$0x4] =	stream.indirect.gather [hbm4b:s2+s5], $0x1, s7, s5, $0xb8;
	[tilespmem:$0x1A000] =	vst v63  }
0x192: {  	s9 =	simm.s32 $0x14E00;
	s11 =	simm.s32 $0x17E00  }
0x193: {  	[tilespmem:s11], [sflag:$0x4] =	stream.indirect.gather [hbm4b:s2+s5], $0x1, s9, s5, $0xb8;
	[tilespmem:$0x1A000] =	vst v63  }
0x194: {  	s12 =	simm.s32 $0x14E80;
	s26 =	simm.s32 $0x17E80  }
0x195: {  	[tilespmem:s26], [sflag:$0x4] =	stream.indirect.gather [hbm4b:s2+s5], $0x1, s12, s5, $0xb8;
	[tilespmem:$0x1A000] =	vst v63  }
0x196: {  	s8 =	simm.s32 $0x14F00;
	s9 =	simm.s32 $0x17F00  }
0x197: {  	[tilespmem:s9], [sflag:$0x4] =	stream.indirect.gather [hbm4b:s2+s5], $0x1, s8, s5, $0xb8;
	[tilespmem:$0x1A000] =	vst v63  }
0x198: {  	s11 =	simm.s32 $0x14F80;
	s12 =	simm.s32 $0x17F80;
	s26 =	simm.s32 $0x4  }
0x199: {  	[tilespmem:s12], [sflag:$0x4] =	stream.indirect.gather [hbm4b:s2+s5], $0x1, s11, s5, $0xb8;
	[tilespmem:$0x1A000] =	vst v63  }
0x19a: {  	_ =	swait.ge [sflag:s26], $0x80  }
0x19b: {  	[sflag:s26] =	ssyncset.done $0x0  }
0x19c: {  	[sflag:s26] =	ssyncadd.s32 $0xFFFFFF80  }
0x19d: {  	_ =	swait.ge [sflag:s26], $0x80  }
0x19e: {  	[sflag:s26] =	ssyncset.done $0x0  }
0x19f: {  	[sflag:s26] =	ssyncadd.s32 $0xFFFFFF80  }
0x1a0: {  	_ =	swait.ge [sflag:s26], $0x80  }
0x1a1: {  	[sflag:s26] =	ssyncset.done $0x0  }
0x1a2: {  	[sflag:s26] =	ssyncadd.s32 $0xFFFFFF80  }
0x1a3: {  	_ =	swait.ge [sflag:s26], $0x80  }
0x1a4: {  	[sflag:s26] =	ssyncset.done $0x0  }
0x1a5: {  	[sflag:s26] =	ssyncadd.s32 $0xFFFFFF80  }
0x1a6: {  	_ =	swait.ge [sflag:s26], $0x80  }
0x1a7: {  	[sflag:s26] =	ssyncset.done $0x0  }
0x1a8: {  	[sflag:s26] =	ssyncadd.s32 $0xFFFFFF80  }
0x1a9: {  	_ =	swait.ge [sflag:s26], $0x80  }
0x1aa: {  	[sflag:s26] =	ssyncset.done $0x0  }
0x1ab: {  	[sflag:s26] =	ssyncadd.s32 $0xFFFFFF80  }
0x1ac: {  	_ =	swait.ge [sflag:s26], $0x80  }
0x1ad: {  	[sflag:s26] =	ssyncset.done $0x0  }
0x1ae: {  	[sflag:s26] =	ssyncadd.s32 $0xFFFFFF80  }
0x1af: {  	_ =	swait.ge [sflag:s26], $0x80  }
0x1b0: {  	[sflag:s26] =	ssyncset.done $0x0  }
0x1b1: {  	[sflag:s26] =	ssyncadd.s32 $0xFFFFFF80  }
0x1b2: {  	_ =	swait.ge [sflag:s26], $0x80  }
0x1b3: {  	[sflag:s26] =	ssyncset.done $0x0  }
0x1b4: {  	[sflag:s26] =	ssyncadd.s32 $0xFFFFFF80  }
0x1b5: {  	_ =	swait.ge [sflag:s26], $0x80  }
0x1b6: {  	[sflag:s26] =	ssyncset.done $0x0  }
0x1b7: {  	[sflag:s26] =	ssyncadd.s32 $0xFFFFFF80  }
0x1b8: {  	_ =	swait.ge [sflag:s26], $0x80  }
0x1b9: {  	[sflag:s26] =	ssyncset.done $0x0  }
0x1ba: {  	[sflag:s26] =	ssyncadd.s32 $0xFFFFFF80  }
0x1bb: {  	_ =	swait.ge [sflag:s26], $0x80  }
0x1bc: {  	[sflag:s26] =	ssyncset.done $0x0  }
0x1bd: {  	[sflag:s26] =	ssyncadd.s32 $0xFFFFFF80  }
0x1be: {  	_ =	swait.ge [sflag:s26], $0x80  }
0x1bf: {  	[sflag:s26] =	ssyncset.done $0x0  }
0x1c0: {  	[sflag:s26] =	ssyncadd.s32 $0xFFFFFF80  }
0x1c1: {  	_ =	swait.ge [sflag:s26], $0x80  }
0x1c2: {  	[sflag:s26] =	ssyncset.done $0x0  }
0x1c3: {  	[sflag:s26] =	ssyncadd.s32 $0xFFFFFF80  }
0x1c4: {  	_ =	swait.ge [sflag:s26], $0x80  }
0x1c5: {  	[sflag:s26] =	ssyncset.done $0x0  }
0x1c6: {  	[sflag:s26] =	ssyncadd.s32 $0xFFFFFF80  }
0x1c7: {  	_ =	swait.ge [sflag:s26], $0x80  }
0x1c8: {  	[sflag:s26] =	ssyncset.done $0x0  }
0x1c9: {  	[sflag:s26] =	ssyncadd.s32 $0xFFFFFF80  }
0x1ca: {  	_ =	swait.ge [sflag:s26], $0x80  }
0x1cb: {  	[sflag:s26] =	ssyncset.done $0x0  }
0x1cc: {  	[sflag:s26] =	ssyncadd.s32 $0xFFFFFF80  }
0x1cd: {  	_ =	swait.ge [sflag:s26], $0x80  }
0x1ce: {  	[sflag:s26] =	ssyncset.done $0x0  }
0x1cf: {  	[sflag:s26] =	ssyncadd.s32 $0xFFFFFF80  }
0x1d0: {  	_ =	swait.ge [sflag:s26], $0x80  }
0x1d1: {  	[sflag:s26] =	ssyncset.done $0x0  }
0x1d2: {  	[sflag:s26] =	ssyncadd.s32 $0xFFFFFF80  }
0x1d3: {  	_ =	swait.ge [sflag:s26], $0x80  }
0x1d4: {  	[sflag:s26] =	ssyncset.done $0x0  }
0x1d5: {  	[sflag:s26] =	ssyncadd.s32 $0xFFFFFF80  }
0x1d6: {  	_ =	swait.ge [sflag:s26], $0x80  }
0x1d7: {  	[sflag:s26] =	ssyncset.done $0x0  }
0x1d8: {  	[sflag:s26] =	ssyncadd.s32 $0xFFFFFF80  }
0x1d9: {  	_ =	swait.ge [sflag:s26], $0x80  }
0x1da: {  	[sflag:s26] =	ssyncset.done $0x0  }
0x1db: {  	[sflag:s26] =	ssyncadd.s32 $0xFFFFFF80  }
0x1dc: {  	_ =	swait.ge [sflag:s26], $0x80  }
0x1dd: {  	[sflag:s26] =	ssyncset.done $0x0  }
0x1de: {  	[sflag:s26] =	ssyncadd.s32 $0xFFFFFF80  }
0x1df: {  	_ =	swait.ge [sflag:s26], $0x80  }
0x1e0: {  	[sflag:s26] =	ssyncset.done $0x0  }
0x1e1: {  	[sflag:s26] =	ssyncadd.s32 $0xFFFFFF80  }
0x1e2: {  	_ =	swait.ge [sflag:s26], $0x80  }
0x1e3: {  	[sflag:s26] =	ssyncset.done $0x0  }
0x1e4: {  	[sflag:s26] =	ssyncadd.s32 $0xFFFFFF80  }
0x1e5: {  	_ =	swait.ge [sflag:s26], $0x80  }
0x1e6: {  	[sflag:s26] =	ssyncset.done $0x0  }
0x1e7: {  	[sflag:s26] =	ssyncadd.s32 $0xFFFFFF80  }
0x1e8: {  	_ =	swait.ge [sflag:s26], $0x80  }
0x1e9: {  	[sflag:s26] =	ssyncset.done $0x0  }
0x1ea: {  	[sflag:s26] =	ssyncadd.s32 $0xFFFFFF80  }
0x1eb: {  	_ =	swait.ge [sflag:s26], $0x80  }
0x1ec: {  	[sflag:s26] =	ssyncset.done $0x0  }
0x1ed: {  	[sflag:s26] =	ssyncadd.s32 $0xFFFFFF80  }
0x1ee: {  	_ =	swait.ge [sflag:s26], $0x80  }
0x1ef: {  	[sflag:s26] =	ssyncset.done $0x0  }
0x1f0: {  	[sflag:s26] =	ssyncadd.s32 $0xFFFFFF80  }
0x1f1: {  	_ =	swait.ge [sflag:s26], $0x80  }
0x1f2: {  	[sflag:s26] =	ssyncset.done $0x0  }
0x1f3: {  	[sflag:s26] =	ssyncadd.s32 $0xFFFFFF80  }
0x1f4: {  	_ =	swait.ge [sflag:s26], $0x80  }
0x1f5: {  	[sflag:s26] =	ssyncset.done $0x0  }
0x1f6: {  	[sflag:s26] =	ssyncadd.s32 $0xFFFFFF80  }
0x1f7: {  	_ =	swait.ge [sflag:s26], $0x80  }
0x1f8: {  	[sflag:s26] =	ssyncset.done $0x0  }
0x1f9: {  	[sflag:s26] =	ssyncadd.s32 $0xFFFFFF80  }
0x1fa: {  	_ =	swait.ge [sflag:s10], $0x1000  }
0x1fb: {  	[sflag:s10] =	ssyncset.done $0x0  }
0x1fc: {  	s2 =	simm.s32 $0x12040;
	[sflag:s10] =	ssyncadd.s32 $0xFFFFF000  }
0x1fd: {  	v2 =	vld [tilespmem:s2+$0xFFFFFFC0];
	_ =	sdelay $0x4  }
0x1fe: {  	v2 =	vsub.f32 $0.0e+00, v2;
	_ =	sdelay $0x1  }
0x1ff: {  	v2 =	vmul.f32 $1.442695020e+00, v2;
	_ =	sdelay $0x1  }
0x200: {  	(erf) = vpow2.f32 v2;
	_ =	sdelay $0x8  }
0x201: {  	v2 =	vpop (erf)  }
0x202: {  	v2 =	vadd.f32 $1.000000000e+00, v2;
	_ =	sdelay $0x1  }
0x203: {  	s26 =	simm.s32 $0x0;
	(erf) = vrcp.f32 v2  }
0x204: {  	v3 =	vld [tilespmem:s26+$0x14000];
	_ =	sdelay $0x4  }
0x205: {  	v2 =	vadd.s32 v0, v3  }
0x206: {  	[tilespmem:s26+$0x15000] =	vst v2;
	v2 =	vld [tilespmem:s26+$0x17000];
	_ =	sdelay $0x1  }
0x207: {  	v3 =	vpop (erf)  }
0x208: {  	v3 =	vmul.f32 $4.999999890e-03, v3;
	_ =	sdelay $0x1  }
0x209: {  	v2 =	vadd.f32 v3, v2;
	_ =	sdelay $0x1  }
0x20a: {  	[tilespmem:s26+$0x18000] =	vst v2  }
0x20b: {  	v2 =	vld [tilespmem:s2+$0xFFFFFFD0];
	_ =	sdelay $0x4  }
0x20c: {  	v2 =	vsub.f32 $0.0e+00, v2;
	_ =	sdelay $0x1  }
0x20d: {  	v2 =	vmul.f32 $1.442695020e+00, v2;
	_ =	sdelay $0x1  }
0x20e: {  	(erf) = vpow2.f32 v2;
	_ =	sdelay $0x8  }
0x20f: {  	v2 =	vpop (erf)  }
0x210: {  	v2 =	vadd.f32 $1.000000000e+00, v2;
	_ =	sdelay $0x1  }
0x211: {  	(erf) = vrcp.f32 v2  }
0x212: {  	v3 =	vld [tilespmem:s26+$0x14010];
	_ =	sdelay $0x4  }
0x213: {  	v2 =	vadd.s32 v0, v3  }
0x214: {  	[tilespmem:s26+$0x15010] =	vst v2;
	v2 =	vld [tilespmem:s26+$0x17010];
	_ =	sdelay $0x1  }
0x215: {  	v3 =	vpop (erf)  }
0x216: {  	v3 =	vmul.f32 $4.999999890e-03, v3;
	_ =	sdelay $0x1  }
0x217: {  	v2 =	vadd.f32 v3, v2;
	_ =	sdelay $0x1  }
0x218: {  	[tilespmem:s26+$0x18010] =	vst v2  }
0x219: {  	v2 =	vld [tilespmem:s2+$0xFFFFFFE0];
	_ =	sdelay $0x4  }
0x21a: {  	v2 =	vsub.f32 $0.0e+00, v2;
	_ =	sdelay $0x1  }
0x21b: {  	v2 =	vmul.f32 $1.442695020e+00, v2;
	_ =	sdelay $0x1  }
0x21c: {  	(erf) = vpow2.f32 v2;
	_ =	sdelay $0x8  }
0x21d: {  	v2 =	vpop (erf)  }
0x21e: {  	v2 =	vadd.f32 $1.000000000e+00, v2;
	_ =	sdelay $0x1  }
0x21f: {  	(erf) = vrcp.f32 v2;
	_ =	sdelay $0x5  }
0x220: {  	v3 =	vld [tilespmem:s26+$0x17020]  }
0x221: {  	v2 =	vld [tilespmem:s26+$0x14020];
	_ =	sdelay $0x1  }
0x222: {  	v58 =	vpop (erf)  }
0x223: {  	v4 =	vmul.f32 $4.999999890e-03, v58;
	_ =	sdelay $0x1  }
0x224: {  	v2 =	vadd.s32 v0, v2;
	v3 =	vadd.f32 v4, v3  }
0x225: {  	[tilespmem:s26+$0x15020] =	vst v2  }
0x226: {  	[tilespmem:s26+$0x18020] =	vst v3  }
0x227: {  	v2 =	vld [tilespmem:s2+$0xFFFFFFF0];
	_ =	sdelay $0x4  }
0x228: {  	v2 =	vsub.f32 $0.0e+00, v2;
	_ =	sdelay $0x1  }
0x229: {  	v2 =	vmul.f32 $1.442695020e+00, v2;
	_ =	sdelay $0x1  }
0x22a: {  	(erf) = vpow2.f32 v2;
	_ =	sdelay $0x8  }
0x22b: {  	v2 =	vpop (erf)  }
0x22c: {  	v2 =	vadd.f32 $1.000000000e+00, v2;
	_ =	sdelay $0x1  }
0x22d: {  	(erf) = vrcp.f32 v2;
	_ =	sdelay $0x5  }
0x22e: {  	v3 =	vld [tilespmem:s26+$0x17030]  }
0x22f: {  	v2 =	vld [tilespmem:s26+$0x14030];
	_ =	sdelay $0x1  }
0x230: {  	v59 =	vpop (erf)  }
0x231: {  	v4 =	vmul.f32 $4.999999890e-03, v59;
	_ =	sdelay $0x1  }
0x232: {  	v2 =	vadd.s32 v0, v2;
	v3 =	vadd.f32 v4, v3  }
0x233: {  	[tilespmem:s26+$0x15030] =	vst v2  }
0x234: {  	[tilespmem:s26+$0x18030] =	vst v3  }
0x235: {  	v2 =	vld [tilespmem:s2+$0x0];
	_ =	sdelay $0x4  }
0x236: {  	v2 =	vsub.f32 $0.0e+00, v2;
	_ =	sdelay $0x1  }
0x237: {  	v2 =	vmul.f32 $1.442695020e+00, v2;
	_ =	sdelay $0x1  }
0x238: {  	(erf) = vpow2.f32 v2;
	_ =	sdelay $0x8  }
0x239: {  	v2 =	vpop (erf)  }
0x23a: {  	v2 =	vadd.f32 $1.000000000e+00, v2;
	_ =	sdelay $0x1  }
0x23b: {  	(erf) = vrcp.f32 v2;
	_ =	sdelay $0x5  }
0x23c: {  	v3 =	vld [tilespmem:s26+$0x17040]  }
0x23d: {  	v2 =	vld [tilespmem:s26+$0x14040];
	_ =	sdelay $0x1  }
0x23e: {  	v60 =	vpop (erf)  }
0x23f: {  	v4 =	vmul.f32 $4.999999890e-03, v60;
	_ =	sdelay $0x1  }
0x240: {  	v2 =	vadd.s32 v0, v2;
	v3 =	vadd.f32 v4, v3  }
0x241: {  	[tilespmem:s26+$0x15040] =	vst v2  }
0x242: {  	[tilespmem:s26+$0x18040] =	vst v3  }
0x243: {  	v2 =	vld [tilespmem:s2+$0x10];
	_ =	sdelay $0x4  }
0x244: {  	v2 =	vsub.f32 $0.0e+00, v2;
	_ =	sdelay $0x1  }
0x245: {  	v2 =	vmul.f32 $1.442695020e+00, v2;
	_ =	sdelay $0x1  }
0x246: {  	(erf) = vpow2.f32 v2;
	_ =	sdelay $0x8  }
0x247: {  	v2 =	vpop (erf)  }
0x248: {  	v2 =	vadd.f32 $1.000000000e+00, v2;
	_ =	sdelay $0x1  }
0x249: {  	(erf) = vrcp.f32 v2;
	_ =	sdelay $0x5  }
0x24a: {  	v3 =	vld [tilespmem:s26+$0x17050]  }
0x24b: {  	v2 =	vld [tilespmem:s26+$0x14050];
	_ =	sdelay $0x1  }
0x24c: {  	v61 =	vpop (erf)  }
0x24d: {  	v4 =	vmul.f32 $4.999999890e-03, v61;
	_ =	sdelay $0x1  }
0x24e: {  	v2 =	vadd.s32 v0, v2;
	v3 =	vadd.f32 v4, v3  }
0x24f: {  	[tilespmem:s26+$0x15050] =	vst v2  }
0x250: {  	[tilespmem:s26+$0x18050] =	vst v3  }
0x251: {  	v2 =	vld [tilespmem:s2+$0x20];
	_ =	sdelay $0x4  }
0x252: {  	v2 =	vsub.f32 $0.0e+00, v2;
	_ =	sdelay $0x1  }
0x253: {  	v2 =	vmul.f32 $1.442695020e+00, v2;
	_ =	sdelay $0x1  }
0x254: {  	(erf) = vpow2.f32 v2;
	_ =	sdelay $0x8  }
0x255: {  	v2 =	vpop (erf)  }
0x256: {  	v2 =	vadd.f32 $1.000000000e+00, v2;
	_ =	sdelay $0x1  }
0x257: {  	(erf) = vrcp.f32 v2;
	_ =	sdelay $0x5  }
0x258: {  	v3 =	vld [tilespmem:s26+$0x17060]  }
0x259: {  	v2 =	vld [tilespmem:s26+$0x14060];
	_ =	sdelay $0x1  }
0x25a: {  	v62 =	vpop (erf)  }
0x25b: {  	v63 =	vld [tilespmem:s26+$0x14070];
	v4 =	vmul.f32 $4.999999890e-03, v62;
	_ =	sdelay $0x1  }
0x25c: {  	v2 =	vadd.s32 v0, v2;
	v3 =	vadd.f32 v4, v3  }
0x25d: {  	[tilespmem:s26+$0x15060] =	vst v2  }
0x25e: {  	[tilespmem:s26+$0x18060] =	vst v3  }
0x25f: {  	v3 =	vadd.s32 v0, v63;
	v2 =	vld [tilespmem:s2+$0x30]  }
0x260: {  	s6 =	simm.s32 $0x200;
	s7 =	simm.s32 $0x400;
	[tilespmem:s26+$0x15070] =	vst v3  }
.LBB2_56:
0x261: {  	p0 =	sne.s32 s7, $0x3E00;
	_ =	sdelay $0x2  }
0x262: {  	v2 =	vsub.f32 $0.0e+00, v2;
	_ =	sdelay $0x1  }
0x263: {  	v2 =	vmul.f32 $1.442695020e+00, v2;
	_ =	sdelay $0x1  }
0x264: {  	(erf) = vpow2.f32 v2;
	_ =	sdelay $0x8  }
0x265: {  	v2 =	vpop (erf)  }
0x266: {  	v2 =	vadd.f32 $1.000000000e+00, v2;
	_ =	sdelay $0x1  }
0x267: {  	(erf) = vrcp.f32 v2;
	_ =	sdelay $0x6  }
0x268: {  	v2 =	vld [tilespmem:s26+$0x17070]  }
0x269: {  	s8 =	sshra.s32 s6, $0x2;
	s6 =	smov.u32 s7  }
0x26a: {  	v3 =	vld [tilespmem:s8+$0x14000];
	v4 =	vpop (erf)  }
0x26b: {  	v4 =	vmul.f32 $4.999999890e-03, v4;
	_ =	sdelay $0x1  }
0x26c: {  	v2 =	vadd.f32 v4, v2;
	_ =	sdelay $0x1  }
0x26d: {  	s2 =	sadd.s32 $0x100, s2;
	v3 =	vadd.s32 v0, v3;
	[tilespmem:s26+$0x18070] =	vst v2;
	s26 =	smov.u32 s8  }
0x26e: {  	v2 =	vld [tilespmem:s2+$0xFFFFFFC0];
	[tilespmem:s26+$0x15000] =	vst v3;
	_ =	sdelay $0x4  }
0x26f: {  	v2 =	vsub.f32 $0.0e+00, v2;
	_ =	sdelay $0x1  }
0x270: {  	v2 =	vmul.f32 $1.442695020e+00, v2;
	_ =	sdelay $0x1  }
0x271: {  	(erf) = vpow2.f32 v2;
	_ =	sdelay $0x8  }
0x272: {  	v2 =	vpop (erf)  }
0x273: {  	v2 =	vadd.f32 $1.000000000e+00, v2;
	_ =	sdelay $0x1  }
0x274: {  	(erf) = vrcp.f32 v2;
	_ =	sdelay $0x6  }
0x275: {  	v2 =	vld [tilespmem:s26+$0x17000];
	_ =	sdelay $0x1  }
0x276: {  	v3 =	vld [tilespmem:s26+$0x14010];
	v4 =	vpop (erf)  }
0x277: {  	v4 =	vmul.f32 $4.999999890e-03, v4;
	_ =	sdelay $0x1  }
0x278: {  	v2 =	vadd.f32 v4, v2;
	_ =	sdelay $0x1  }
0x279: {  	[tilespmem:s26+$0x18000] =	vst v2;
	v2 =	vadd.s32 v0, v3  }
0x27a: {  	v3 =	vld [tilespmem:s2+$0xFFFFFFD0];
	[tilespmem:s26+$0x15010] =	vst v2;
	_ =	sdelay $0x4  }
0x27b: {  	v2 =	vsub.f32 $0.0e+00, v3;
	_ =	sdelay $0x1  }
0x27c: {  	v2 =	vmul.f32 $1.442695020e+00, v2;
	_ =	sdelay $0x1  }
0x27d: {  	(erf) = vpow2.f32 v2;
	_ =	sdelay $0x8  }
0x27e: {  	v2 =	vpop (erf)  }
0x27f: {  	v2 =	vadd.f32 $1.000000000e+00, v2;
	_ =	sdelay $0x1  }
0x280: {  	(erf) = vrcp.f32 v2;
	_ =	sdelay $0x6  }
0x281: {  	v2 =	vld [tilespmem:s26+$0x17010];
	_ =	sdelay $0x1  }
0x282: {  	v3 =	vpop (erf)  }
0x283: {  	v3 =	vmul.f32 $4.999999890e-03, v3;
	_ =	sdelay $0x1  }
0x284: {  	v2 =	vadd.f32 v3, v2;
	_ =	sdelay $0x1  }
0x285: {  	[tilespmem:s26+$0x18010] =	vst v2  }
0x286: {  	v2 =	vld [tilespmem:s2+$0xFFFFFFE0];
	_ =	sdelay $0x4  }
0x287: {  	v2 =	vsub.f32 $0.0e+00, v2;
	_ =	sdelay $0x1  }
0x288: {  	v2 =	vmul.f32 $1.442695020e+00, v2;
	_ =	sdelay $0x1  }
0x289: {  	(erf) = vpow2.f32 v2;
	_ =	sdelay $0x8  }
0x28a: {  	v2 =	vpop (erf)  }
0x28b: {  	v2 =	vadd.f32 $1.000000000e+00, v2;
	_ =	sdelay $0x1  }
0x28c: {  	(erf) = vrcp.f32 v2;
	_ =	sdelay $0x5  }
0x28d: {  	v2 =	vld [tilespmem:s26+$0x14020]  }
0x28e: {  	v3 =	vld [tilespmem:s26+$0x17020];
	_ =	sdelay $0x1  }
0x28f: {  	v4 =	vpop (erf)  }
0x290: {  	v4 =	vmul.f32 $4.999999890e-03, v4;
	_ =	sdelay $0x1  }
0x291: {  	v2 =	vadd.s32 v0, v2;
	v3 =	vadd.f32 v4, v3  }
0x292: {  	[tilespmem:s26+$0x15020] =	vst v2  }
0x293: {  	[tilespmem:s26+$0x18020] =	vst v3  }
0x294: {  	v2 =	vld [tilespmem:s2+$0xFFFFFFF0];
	_ =	sdelay $0x4  }
0x295: {  	v2 =	vsub.f32 $0.0e+00, v2;
	_ =	sdelay $0x1  }
0x296: {  	v2 =	vmul.f32 $1.442695020e+00, v2;
	_ =	sdelay $0x1  }
0x297: {  	(erf) = vpow2.f32 v2;
	_ =	sdelay $0x8  }
0x298: {  	v2 =	vpop (erf)  }
0x299: {  	v2 =	vadd.f32 $1.000000000e+00, v2;
	_ =	sdelay $0x1  }
0x29a: {  	(erf) = vrcp.f32 v2;
	_ =	sdelay $0x5  }
0x29b: {  	v2 =	vld [tilespmem:s26+$0x14030]  }
0x29c: {  	v3 =	vld [tilespmem:s26+$0x17030];
	_ =	sdelay $0x1  }
0x29d: {  	v4 =	vpop (erf)  }
0x29e: {  	v4 =	vmul.f32 $4.999999890e-03, v4;
	_ =	sdelay $0x1  }
0x29f: {  	v2 =	vadd.s32 v0, v2;
	v3 =	vadd.f32 v4, v3  }
0x2a0: {  	[tilespmem:s26+$0x15030] =	vst v2  }
0x2a1: {  	[tilespmem:s26+$0x18030] =	vst v3  }
0x2a2: {  	v2 =	vld [tilespmem:s2+$0x0];
	_ =	sdelay $0x4  }
0x2a3: {  	v2 =	vsub.f32 $0.0e+00, v2;
	_ =	sdelay $0x1  }
0x2a4: {  	v2 =	vmul.f32 $1.442695020e+00, v2;
	_ =	sdelay $0x1  }
0x2a5: {  	(erf) = vpow2.f32 v2;
	_ =	sdelay $0x8  }
0x2a6: {  	v2 =	vpop (erf)  }
0x2a7: {  	v2 =	vadd.f32 $1.000000000e+00, v2;
	_ =	sdelay $0x1  }
0x2a8: {  	(erf) = vrcp.f32 v2;
	_ =	sdelay $0x5  }
0x2a9: {  	v2 =	vld [tilespmem:s26+$0x14040]  }
0x2aa: {  	v3 =	vld [tilespmem:s26+$0x17040];
	_ =	sdelay $0x1  }
0x2ab: {  	v4 =	vpop (erf)  }
0x2ac: {  	v4 =	vmul.f32 $4.999999890e-03, v4;
	_ =	sdelay $0x1  }
0x2ad: {  	v2 =	vadd.s32 v0, v2;
	v3 =	vadd.f32 v4, v3  }
0x2ae: {  	[tilespmem:s26+$0x15040] =	vst v2  }
0x2af: {  	[tilespmem:s26+$0x18040] =	vst v3  }
0x2b0: {  	v2 =	vld [tilespmem:s2+$0x10];
	_ =	sdelay $0x4  }
0x2b1: {  	v2 =	vsub.f32 $0.0e+00, v2;
	_ =	sdelay $0x1  }
0x2b2: {  	v2 =	vmul.f32 $1.442695020e+00, v2;
	_ =	sdelay $0x1  }
0x2b3: {  	(erf) = vpow2.f32 v2;
	_ =	sdelay $0x8  }
0x2b4: {  	v2 =	vpop (erf)  }
0x2b5: {  	v2 =	vadd.f32 $1.000000000e+00, v2;
	_ =	sdelay $0x1  }
0x2b6: {  	(erf) = vrcp.f32 v2;
	_ =	sdelay $0x5  }
0x2b7: {  	v2 =	vld [tilespmem:s26+$0x14050]  }
0x2b8: {  	v3 =	vld [tilespmem:s26+$0x17050];
	_ =	sdelay $0x1  }
0x2b9: {  	v4 =	vpop (erf)  }
0x2ba: {  	v4 =	vmul.f32 $4.999999890e-03, v4;
	_ =	sdelay $0x1  }
0x2bb: {  	v2 =	vadd.s32 v0, v2;
	v3 =	vadd.f32 v4, v3  }
0x2bc: {  	[tilespmem:s26+$0x15050] =	vst v2  }
0x2bd: {  	[tilespmem:s26+$0x18050] =	vst v3  }
0x2be: {  	v2 =	vld [tilespmem:s2+$0x20];
	_ =	sdelay $0x4  }
0x2bf: {  	v2 =	vsub.f32 $0.0e+00, v2;
	_ =	sdelay $0x1  }
0x2c0: {  	v2 =	vmul.f32 $1.442695020e+00, v2;
	_ =	sdelay $0x1  }
0x2c1: {  	(erf) = vpow2.f32 v2;
	_ =	sdelay $0x8  }
0x2c2: {  	v2 =	vpop (erf)  }
0x2c3: {  	v2 =	vadd.f32 $1.000000000e+00, v2;
	_ =	sdelay $0x1  }
0x2c4: {  	(erf) = vrcp.f32 v2;
	_ =	sdelay $0x5  }
0x2c5: {  	v2 =	vld [tilespmem:s26+$0x14060]  }
0x2c6: {  	v3 =	vld [tilespmem:s26+$0x17060];
	_ =	sdelay $0x1  }
0x2c7: {  	v4 =	vld [tilespmem:s26+$0x14070];
	v5 =	vpop (erf)  }
0x2c8: {  	v5 =	vmul.f32 $4.999999890e-03, v5;
	_ =	sdelay $0x1  }
.Ltmp27:
0x2c9: {  	v2 =	vadd.s32 v0, v2;
	v3 =	vadd.f32 v5, v3;
	(pc) =	sbr.rel @p0 .LBB2_56-.Ltmp27, $4  }
0x2ca: {  	[tilespmem:s26+$0x15060] =	vst v2  }
0x2cb: {  	[tilespmem:s26+$0x18060] =	vst v3;
	v3 =	vadd.s32 v0, v4  }
0x2cc: {  	v2 =	vld [tilespmem:s2+$0x30];
	[tilespmem:s26+$0x15070] =	vst v3  }
0x2cd: {  	s7 =	sadd.s32 $0x200, s7  }
0x2ce: {  	_ =	sdelay $0x2  }
0x2cf: {  	v2 =	vsub.f32 $0.0e+00, v2;
	_ =	sdelay $0x1  }
0x2d0: {  	v2 =	vmul.f32 $1.442695020e+00, v2;
	_ =	sdelay $0x1  }
0x2d1: {  	(erf) = vpow2.f32 v2;
	_ =	sdelay $0x8  }
0x2d2: {  	v2 =	vpop (erf)  }
0x2d3: {  	v2 =	vadd.f32 $1.000000000e+00, v2;
	_ =	sdelay $0x1  }
0x2d4: {  	(erf) = vrcp.f32 v2;
	_ =	sdelay $0x6  }
0x2d5: {  	v2 =	vld [tilespmem:s26+$0x17070];
	_ =	sdelay $0x1  }
0x2d6: {  	v3 =	vpop (erf)  }
0x2d7: {  	v3 =	vmul.f32 $4.999999890e-03, v3;
	_ =	sdelay $0x1  }
0x2d8: {  	v2 =	vadd.f32 v3, v2  }
0x2d9: {  	s6 =	sshra.s32 s6, $0x2  }
0x2da: {  	s2 =	sadd.s32 $0x100, s2;
	v3 =	vld [tilespmem:s6+$0x14000];
	[tilespmem:s26+$0x18070] =	vst v2  }
0x2db: {  	v2 =	vld [tilespmem:s2+$0xFFFFFFC0];
	_ =	sdelay $0x4  }
0x2dc: {  	v2 =	vsub.f32 $0.0e+00, v2;
	_ =	sdelay $0x1  }
0x2dd: {  	v2 =	vmul.f32 $1.442695020e+00, v2;
	_ =	sdelay $0x1  }
0x2de: {  	(erf) = vpow2.f32 v2;
	_ =	sdelay $0x8  }
0x2df: {  	v2 =	vpop (erf)  }
0x2e0: {  	v2 =	vadd.f32 $1.000000000e+00, v2;
	_ =	sdelay $0x1  }
0x2e1: {  	(erf) = vrcp.f32 v2;
	_ =	sdelay $0x6  }
0x2e2: {  	v2 =	vld [tilespmem:s6+$0x17000];
	_ =	sdelay $0x1  }
0x2e3: {  	v4 =	vpop (erf)  }
0x2e4: {  	v4 =	vmul.f32 $4.999999890e-03, v4;
	_ =	sdelay $0x1  }
0x2e5: {  	v3 =	vadd.s32 v0, v3;
	v2 =	vadd.f32 v4, v2  }
0x2e6: {  	[tilespmem:s6+$0x15000] =	vst v3  }
0x2e7: {  	[tilespmem:s6+$0x18000] =	vst v2  }
0x2e8: {  	v2 =	vld [tilespmem:s2+$0xFFFFFFD0];
	_ =	sdelay $0x4  }
0x2e9: {  	v2 =	vsub.f32 $0.0e+00, v2;
	_ =	sdelay $0x1  }
0x2ea: {  	v2 =	vmul.f32 $1.442695020e+00, v2;
	_ =	sdelay $0x1  }
0x2eb: {  	(erf) = vpow2.f32 v2;
	_ =	sdelay $0x8  }
0x2ec: {  	v2 =	vpop (erf)  }
0x2ed: {  	v2 =	vadd.f32 $1.000000000e+00, v2;
	_ =	sdelay $0x1  }
0x2ee: {  	(erf) = vrcp.f32 v2;
	_ =	sdelay $0x5  }
0x2ef: {  	v3 =	vld [tilespmem:s6+$0x17010]  }
0x2f0: {  	v2 =	vld [tilespmem:s6+$0x14010];
	_ =	sdelay $0x1  }
0x2f1: {  	v57 =	vpop (erf)  }
0x2f2: {  	v4 =	vmul.f32 $4.999999890e-03, v57;
	_ =	sdelay $0x1  }
0x2f3: {  	v2 =	vadd.s32 v0, v2;
	v3 =	vadd.f32 v4, v3  }
0x2f4: {  	[tilespmem:s6+$0x15010] =	vst v2  }
0x2f5: {  	[tilespmem:s6+$0x18010] =	vst v3  }
0x2f6: {  	v2 =	vld [tilespmem:s2+$0xFFFFFFE0];
	_ =	sdelay $0x4  }
0x2f7: {  	v2 =	vsub.f32 $0.0e+00, v2;
	_ =	sdelay $0x1  }
0x2f8: {  	v2 =	vmul.f32 $1.442695020e+00, v2;
	_ =	sdelay $0x1  }
0x2f9: {  	(erf) = vpow2.f32 v2;
	_ =	sdelay $0x8  }
0x2fa: {  	v2 =	vpop (erf)  }
0x2fb: {  	v2 =	vadd.f32 $1.000000000e+00, v2;
	_ =	sdelay $0x1  }
0x2fc: {  	(erf) = vrcp.f32 v2;
	_ =	sdelay $0x5  }
0x2fd: {  	v3 =	vld [tilespmem:s6+$0x17020]  }
0x2fe: {  	v2 =	vld [tilespmem:s6+$0x14020];
	_ =	sdelay $0x1  }
0x2ff: {  	v58 =	vpop (erf)  }
0x300: {  	v4 =	vmul.f32 $4.999999890e-03, v58;
	_ =	sdelay $0x1  }
0x301: {  	v2 =	vadd.s32 v0, v2;
	v3 =	vadd.f32 v4, v3  }
0x302: {  	[tilespmem:s6+$0x15020] =	vst v2  }
0x303: {  	[tilespmem:s6+$0x18020] =	vst v3  }
0x304: {  	v2 =	vld [tilespmem:s2+$0xFFFFFFF0];
	_ =	sdelay $0x4  }
0x305: {  	v2 =	vsub.f32 $0.0e+00, v2;
	_ =	sdelay $0x1  }
0x306: {  	v2 =	vmul.f32 $1.442695020e+00, v2;
	_ =	sdelay $0x1  }
0x307: {  	(erf) = vpow2.f32 v2;
	_ =	sdelay $0x8  }
0x308: {  	v2 =	vpop (erf)  }
0x309: {  	v2 =	vadd.f32 $1.000000000e+00, v2;
	_ =	sdelay $0x1  }
0x30a: {  	(erf) = vrcp.f32 v2;
	_ =	sdelay $0x5  }
0x30b: {  	v3 =	vld [tilespmem:s6+$0x17030]  }
0x30c: {  	v2 =	vld [tilespmem:s6+$0x14030];
	_ =	sdelay $0x1  }
0x30d: {  	v59 =	vpop (erf)  }
0x30e: {  	v4 =	vmul.f32 $4.999999890e-03, v59;
	_ =	sdelay $0x1  }
0x30f: {  	v2 =	vadd.s32 v0, v2;
	v3 =	vadd.f32 v4, v3  }
0x310: {  	[tilespmem:s6+$0x15030] =	vst v2  }
0x311: {  	[tilespmem:s6+$0x18030] =	vst v3  }
0x312: {  	v2 =	vld [tilespmem:s2+$0x0];
	_ =	sdelay $0x4  }
0x313: {  	v2 =	vsub.f32 $0.0e+00, v2;
	_ =	sdelay $0x1  }
0x314: {  	v2 =	vmul.f32 $1.442695020e+00, v2;
	_ =	sdelay $0x1  }
0x315: {  	(erf) = vpow2.f32 v2;
	_ =	sdelay $0x8  }
0x316: {  	v2 =	vpop (erf)  }
0x317: {  	v2 =	vadd.f32 $1.000000000e+00, v2;
	_ =	sdelay $0x1  }
0x318: {  	(erf) = vrcp.f32 v2;
	_ =	sdelay $0x5  }
0x319: {  	v3 =	vld [tilespmem:s6+$0x17040]  }
0x31a: {  	v2 =	vld [tilespmem:s6+$0x14040];
	_ =	sdelay $0x1  }
0x31b: {  	v60 =	vpop (erf)  }
0x31c: {  	v4 =	vmul.f32 $4.999999890e-03, v60;
	_ =	sdelay $0x1  }
0x31d: {  	v2 =	vadd.s32 v0, v2;
	v3 =	vadd.f32 v4, v3  }
0x31e: {  	[tilespmem:s6+$0x15040] =	vst v2  }
0x31f: {  	[tilespmem:s6+$0x18040] =	vst v3  }
0x320: {  	v2 =	vld [tilespmem:s2+$0x10];
	_ =	sdelay $0x4  }
0x321: {  	v2 =	vsub.f32 $0.0e+00, v2;
	_ =	sdelay $0x1  }
0x322: {  	v2 =	vmul.f32 $1.442695020e+00, v2;
	_ =	sdelay $0x1  }
0x323: {  	(erf) = vpow2.f32 v2;
	_ =	sdelay $0x8  }
0x324: {  	v2 =	vpop (erf)  }
0x325: {  	v2 =	vadd.f32 $1.000000000e+00, v2;
	_ =	sdelay $0x1  }
0x326: {  	(erf) = vrcp.f32 v2;
	_ =	sdelay $0x5  }
0x327: {  	v3 =	vld [tilespmem:s6+$0x17050]  }
0x328: {  	v2 =	vld [tilespmem:s6+$0x14050];
	_ =	sdelay $0x1  }
0x329: {  	v61 =	vpop (erf)  }
0x32a: {  	v4 =	vmul.f32 $4.999999890e-03, v61;
	_ =	sdelay $0x1  }
0x32b: {  	v2 =	vadd.s32 v0, v2;
	v3 =	vadd.f32 v4, v3  }
0x32c: {  	[tilespmem:s6+$0x15050] =	vst v2  }
0x32d: {  	[tilespmem:s6+$0x18050] =	vst v3  }
0x32e: {  	v2 =	vld [tilespmem:s2+$0x20];
	_ =	sdelay $0x4  }
0x32f: {  	v2 =	vsub.f32 $0.0e+00, v2;
	_ =	sdelay $0x1  }
0x330: {  	v2 =	vmul.f32 $1.442695020e+00, v2;
	_ =	sdelay $0x1  }
0x331: {  	(erf) = vpow2.f32 v2;
	_ =	sdelay $0x8  }
0x332: {  	v2 =	vpop (erf)  }
0x333: {  	v2 =	vadd.f32 $1.000000000e+00, v2;
	_ =	sdelay $0x1  }
0x334: {  	(erf) = vrcp.f32 v2;
	_ =	sdelay $0x5  }
0x335: {  	v3 =	vld [tilespmem:s6+$0x17060]  }
0x336: {  	v2 =	vld [tilespmem:s6+$0x14060];
	_ =	sdelay $0x1  }
0x337: {  	v62 =	vpop (erf)  }
0x338: {  	v4 =	vmul.f32 $4.999999890e-03, v62;
	_ =	sdelay $0x1  }
0x339: {  	v2 =	vadd.s32 v0, v2;
	v3 =	vadd.f32 v4, v3  }
0x33a: {  	[tilespmem:s6+$0x15060] =	vst v2  }
0x33b: {  	[tilespmem:s6+$0x18060] =	vst v3  }
0x33c: {  	v2 =	vld [tilespmem:s2+$0x30];
	_ =	sdelay $0x4  }
0x33d: {  	v2 =	vsub.f32 $0.0e+00, v2;
	_ =	sdelay $0x1  }
0x33e: {  	v2 =	vmul.f32 $1.442695020e+00, v2;
	_ =	sdelay $0x1  }
0x33f: {  	(erf) = vpow2.f32 v2;
	_ =	sdelay $0x8  }
0x340: {  	v2 =	vpop (erf)  }
0x341: {  	v2 =	vadd.f32 $1.000000000e+00, v2;
	_ =	sdelay $0x1  }
0x342: {  	(erf) = vrcp.f32 v2;
	_ =	sdelay $0x5  }
0x343: {  	v3 =	vld [tilespmem:s6+$0x17070]  }
0x344: {  	v2 =	vld [tilespmem:s6+$0x14070];
	_ =	sdelay $0x1  }
0x345: {  	v63 =	vpop (erf)  }
0x346: {  	v4 =	vmul.f32 $4.999999890e-03, v63;
	_ =	sdelay $0x1  }
0x347: {  	v2 =	vadd.s32 v0, v2;
	v3 =	vadd.f32 v4, v3  }
0x348: {  	[tilespmem:s6+$0x15070] =	vst v2  }
0x349: {  	[tilespmem:s6+$0x18070] =	vst v3  }
0x34a: {  	s7 =	simm.s32 $0x16000;
	s8 =	simm.s32 $0x14040;
	_ =	swait.ge [sflag:s10], $0x1000  }
0x34b: {  	s9 =	simm.s32 $0x17040;
	s26 =	simm.s32 $0x120F0;
	[sflag:s10] =	ssyncset.done $0x0  }
0x34c: {  	s2 =	simm.s32 $0x0;
	s6 =	simm.s32 $0x19000;
	[sflag:s10] =	ssyncadd.s32 $0xFFFFF000  }
.LBB2_58:
0x34d: {  	v2 =	vld [tilespmem:s26+$0xFFFFFF90];
	_ =	sdelay $0x4  }
0x34e: {  	v2 =	vsub.f32 $0.0e+00, v2;
	_ =	sdelay $0x1  }
0x34f: {  	v2 =	vmul.f32 $1.442695020e+00, v2;
	_ =	sdelay $0x1  }
0x350: {  	(erf) = vpow2.f32 v2;
	_ =	sdelay $0x8  }
0x351: {  	v2 =	vpop (erf)  }
0x352: {  	v2 =	vadd.f32 $1.000000000e+00, v2;
	_ =	sdelay $0x1  }
0x353: {  	(erf) = vrcp.f32 v2;
	_ =	sdelay $0x6  }
0x354: {  	v2 =	vld [tilespmem:s9+$0xFFFFFFC0];
	_ =	sdelay $0x1  }
0x355: {  	v3 =	vpop (erf)  }
0x356: {  	v3 =	vmul.f32 $4.999999890e-03, v3;
	_ =	sdelay $0x1  }
0x357: {  	v2 =	vadd.f32 v3, v2;
	_ =	sdelay $0x1  }
0x358: {  	[tilespmem:s6+$0x0] =	vst v2  }
0x359: {  	v2 =	vld [tilespmem:s8+$0xFFFFFFC0];
	_ =	sdelay $0x4  }
0x35a: {  	v2 =	vadd.s32 v1, v2  }
0x35b: {  	[tilespmem:s7+$0x0] =	vst v2  }
0x35c: {  	v2 =	vld [tilespmem:s26+$0xFFFFFFA0];
	_ =	sdelay $0x4  }
0x35d: {  	v2 =	vsub.f32 $0.0e+00, v2;
	_ =	sdelay $0x1  }
0x35e: {  	v2 =	vmul.f32 $1.442695020e+00, v2;
	_ =	sdelay $0x1  }
0x35f: {  	(erf) = vpow2.f32 v2;
	_ =	sdelay $0x8  }
0x360: {  	v2 =	vpop (erf)  }
0x361: {  	v2 =	vadd.f32 $1.000000000e+00, v2;
	_ =	sdelay $0x1  }
0x362: {  	(erf) = vrcp.f32 v2;
	_ =	sdelay $0x6  }
0x363: {  	v2 =	vld [tilespmem:s9+$0xFFFFFFD0];
	_ =	sdelay $0x1  }
0x364: {  	v3 =	vpop (erf)  }
0x365: {  	v3 =	vmul.f32 $4.999999890e-03, v3;
	_ =	sdelay $0x1  }
0x366: {  	v2 =	vadd.f32 v3, v2  }
0x367: {  	s10 =	sor.u32 $0x1010, s2  }
0x368: {  	[tilespmem:s10+$0x18000] =	vst v2  }
0x369: {  	v2 =	vld [tilespmem:s8+$0xFFFFFFD0];
	_ =	sdelay $0x4  }
0x36a: {  	v2 =	vadd.s32 v1, v2  }
0x36b: {  	[tilespmem:s10+$0x15000] =	vst v2  }
0x36c: {  	v2 =	vld [tilespmem:s26+$0xFFFFFFB0];
	_ =	sdelay $0x4  }
0x36d: {  	v2 =	vsub.f32 $0.0e+00, v2;
	_ =	sdelay $0x1  }
0x36e: {  	v2 =	vmul.f32 $1.442695020e+00, v2;
	_ =	sdelay $0x1  }
0x36f: {  	(erf) = vpow2.f32 v2;
	_ =	sdelay $0x8  }
0x370: {  	v2 =	vpop (erf)  }
0x371: {  	v2 =	vadd.f32 $1.000000000e+00, v2;
	_ =	sdelay $0x1  }
0x372: {  	(erf) = vrcp.f32 v2;
	_ =	sdelay $0x6  }
0x373: {  	v2 =	vld [tilespmem:s9+$0xFFFFFFE0];
	_ =	sdelay $0x1  }
0x374: {  	v3 =	vpop (erf)  }
0x375: {  	v3 =	vmul.f32 $4.999999890e-03, v3;
	_ =	sdelay $0x1  }
0x376: {  	v2 =	vadd.f32 v3, v2  }
0x377: {  	s11 =	sor.u32 $0x1020, s2  }
0x378: {  	[tilespmem:s11+$0x18000] =	vst v2  }
0x379: {  	v2 =	vld [tilespmem:s8+$0xFFFFFFE0];
	_ =	sdelay $0x4  }
0x37a: {  	v2 =	vadd.s32 v1, v2  }
0x37b: {  	[tilespmem:s11+$0x15000] =	vst v2  }
0x37c: {  	v2 =	vld [tilespmem:s26+$0xFFFFFFC0];
	_ =	sdelay $0x4  }
0x37d: {  	v2 =	vsub.f32 $0.0e+00, v2;
	_ =	sdelay $0x1  }
0x37e: {  	v2 =	vmul.f32 $1.442695020e+00, v2;
	_ =	sdelay $0x1  }
0x37f: {  	(erf) = vpow2.f32 v2;
	_ =	sdelay $0x8  }
0x380: {  	v2 =	vpop (erf)  }
0x381: {  	v2 =	vadd.f32 $1.000000000e+00, v2;
	_ =	sdelay $0x1  }
0x382: {  	(erf) = vrcp.f32 v2;
	_ =	sdelay $0x6  }
0x383: {  	v2 =	vld [tilespmem:s9+$0xFFFFFFF0];
	_ =	sdelay $0x1  }
0x384: {  	v3 =	vpop (erf)  }
0x385: {  	v3 =	vmul.f32 $4.999999890e-03, v3;
	_ =	sdelay $0x1  }
0x386: {  	v2 =	vadd.f32 v3, v2  }
0x387: {  	s12 =	sor.u32 $0x1030, s2  }
0x388: {  	[tilespmem:s12+$0x18000] =	vst v2  }
0x389: {  	v2 =	vld [tilespmem:s8+$0xFFFFFFF0];
	_ =	sdelay $0x4  }
0x38a: {  	v2 =	vadd.s32 v1, v2  }
0x38b: {  	[tilespmem:s12+$0x15000] =	vst v2  }
0x38c: {  	v2 =	vld [tilespmem:s26+$0xFFFFFFD0];
	_ =	sdelay $0x4  }
0x38d: {  	v2 =	vsub.f32 $0.0e+00, v2;
	_ =	sdelay $0x1  }
0x38e: {  	v2 =	vmul.f32 $1.442695020e+00, v2;
	_ =	sdelay $0x1  }
0x38f: {  	(erf) = vpow2.f32 v2;
	_ =	sdelay $0x8  }
0x390: {  	v2 =	vpop (erf)  }
0x391: {  	v2 =	vadd.f32 $1.000000000e+00, v2;
	_ =	sdelay $0x1  }
0x392: {  	(erf) = vrcp.f32 v2;
	_ =	sdelay $0x6  }
0x393: {  	v2 =	vld [tilespmem:s9+$0x0];
	_ =	sdelay $0x1  }
0x394: {  	v3 =	vpop (erf)  }
0x395: {  	v3 =	vmul.f32 $4.999999890e-03, v3;
	_ =	sdelay $0x1  }
0x396: {  	v2 =	vadd.f32 v3, v2  }
0x397: {  	s11 =	sor.u32 $0x1040, s2  }
0x398: {  	[tilespmem:s11+$0x18000] =	vst v2  }
0x399: {  	v2 =	vld [tilespmem:s8+$0x0];
	_ =	sdelay $0x4  }
0x39a: {  	v2 =	vadd.s32 v1, v2  }
0x39b: {  	[tilespmem:s11+$0x15000] =	vst v2  }
0x39c: {  	v2 =	vld [tilespmem:s26+$0xFFFFFFE0];
	_ =	sdelay $0x4  }
0x39d: {  	v2 =	vsub.f32 $0.0e+00, v2;
	_ =	sdelay $0x1  }
0x39e: {  	v2 =	vmul.f32 $1.442695020e+00, v2;
	_ =	sdelay $0x1  }
0x39f: {  	(erf) = vpow2.f32 v2;
	_ =	sdelay $0x8  }
0x3a0: {  	v2 =	vpop (erf)  }
0x3a1: {  	v2 =	vadd.f32 $1.000000000e+00, v2;
	_ =	sdelay $0x1  }
0x3a2: {  	(erf) = vrcp.f32 v2;
	_ =	sdelay $0x6  }
0x3a3: {  	v2 =	vld [tilespmem:s9+$0x10];
	_ =	sdelay $0x1  }
0x3a4: {  	v3 =	vpop (erf)  }
0x3a5: {  	v3 =	vmul.f32 $4.999999890e-03, v3;
	_ =	sdelay $0x1  }
0x3a6: {  	v2 =	vadd.f32 v3, v2  }
0x3a7: {  	s12 =	sor.u32 $0x1050, s2  }
0x3a8: {  	[tilespmem:s12+$0x18000] =	vst v2  }
0x3a9: {  	v2 =	vld [tilespmem:s8+$0x10];
	_ =	sdelay $0x4  }
0x3aa: {  	v2 =	vadd.s32 v1, v2  }
0x3ab: {  	[tilespmem:s12+$0x15000] =	vst v2  }
0x3ac: {  	v2 =	vld [tilespmem:s26+$0xFFFFFFF0];
	_ =	sdelay $0x4  }
0x3ad: {  	v2 =	vsub.f32 $0.0e+00, v2;
	_ =	sdelay $0x1  }
0x3ae: {  	v2 =	vmul.f32 $1.442695020e+00, v2;
	_ =	sdelay $0x1  }
0x3af: {  	(erf) = vpow2.f32 v2;
	_ =	sdelay $0x8  }
0x3b0: {  	v2 =	vpop (erf)  }
0x3b1: {  	v2 =	vadd.f32 $1.000000000e+00, v2;
	_ =	sdelay $0x1  }
0x3b2: {  	(erf) = vrcp.f32 v2;
	_ =	sdelay $0x6  }
0x3b3: {  	v2 =	vld [tilespmem:s9+$0x20];
	_ =	sdelay $0x1  }
0x3b4: {  	v3 =	vpop (erf)  }
0x3b5: {  	v3 =	vmul.f32 $4.999999890e-03, v3;
	_ =	sdelay $0x1  }
0x3b6: {  	v2 =	vadd.f32 v3, v2  }
0x3b7: {  	s11 =	sor.u32 $0x1060, s2  }
0x3b8: {  	[tilespmem:s11+$0x18000] =	vst v2  }
0x3b9: {  	v2 =	vld [tilespmem:s8+$0x20];
	_ =	sdelay $0x4  }
0x3ba: {  	v2 =	vadd.s32 v1, v2  }
0x3bb: {  	[tilespmem:s11+$0x15000] =	vst v2  }
0x3bc: {  	v2 =	vld [tilespmem:s26+$0x0];
	_ =	sdelay $0x4  }
0x3bd: {  	v2 =	vsub.f32 $0.0e+00, v2;
	_ =	sdelay $0x1  }
0x3be: {  	v2 =	vmul.f32 $1.442695020e+00, v2;
	_ =	sdelay $0x1  }
0x3bf: {  	(erf) = vpow2.f32 v2;
	_ =	sdelay $0x8  }
0x3c0: {  	v2 =	vpop (erf)  }
0x3c1: {  	v2 =	vadd.f32 $1.000000000e+00, v2;
	_ =	sdelay $0x1  }
0x3c2: {  	(erf) = vrcp.f32 v2;
	_ =	sdelay $0x6  }
0x3c3: {  	v2 =	vld [tilespmem:s9+$0x30];
	_ =	sdelay $0x1  }
0x3c4: {  	v3 =	vpop (erf)  }
0x3c5: {  	v3 =	vmul.f32 $4.999999890e-03, v3;
	_ =	sdelay $0x1  }
0x3c6: {  	v2 =	vadd.f32 v3, v2  }
0x3c7: {  	s12 =	sor.u32 $0x1070, s2  }
0x3c8: {  	[tilespmem:s12+$0x18000] =	vst v2  }
0x3c9: {  	v2 =	vld [tilespmem:s8+$0x30]  }
0x3ca: {  	p0 =	sne.s32 s2, $0xF80  }
.Ltmp28:
0x3cb: {  	_ = 	snop;
	(pc) =	sbr.rel @p0 .LBB2_58-.Ltmp28, $3  }
0x3cc: {  	_ =	sdelay $0x1  }
0x3cd: {  	s6 =	sadd.s32 $0x80, s6;
	s7 =	sadd.s32 $0x80, s7;
	s2 =	sadd.s32 $0x80, s2;
	v2 =	vadd.s32 v1, v2  }
0x3ce: {  	s26 =	sadd.s32 $0x100, s26;
	s9 =	sadd.s32 $0x80, s9;
	s8 =	sadd.s32 $0x80, s8;
	[tilespmem:s12+$0x15000] =	vst v2  }
0x3cf: {  	s2 =	simm.s32 $0x2  }
0x3d0: {  	_ =	swait.ge [sflag:s2], $0x8000  }
0x3d1: {  	[sflag:s2] =	ssyncset.done $0x0  }
0x3d2: {  	[sflag:s2] =	ssyncadd.s32 $0xFFFF8000  }
0x3d3: {  	_ =	swait.ge [sflag:s2], $0x8000  }
0x3d4: {  	[sflag:s2] =	ssyncset.done $0x0  }
0x3d5: {  	[sflag:s2] =	ssyncadd.s32 $0xFFFF8000  }
0x3d6: {  	_ =	swait.ge [sflag:s2], $0x8000  }
0x3d7: {  	[sflag:s2] =	ssyncset.done $0x0  }
0x3d8: {  	[sflag:s2] =	ssyncadd.s32 $0xFFFF8000  }
0x3d9: {  	_ =	swait.ge [sflag:s2], $0x8000  }
0x3da: {  	[sflag:s2] =	ssyncset.done $0x0  }
0x3db: {  	s6 =	simm.s32 $0x18000;
	[sflag:s2] =	ssyncadd.s32 $0xFFFF8000  }
0x3dc: {  	s7 =	simm.s32 $0x15000;
	s2 =	simm.s32 $0x200;
	[bflag:$0x0] =	sbarrier.arrive $0xFFFF  }
.LBB2_60:
0x3dd: {  	[hbm4b:s19+s5] =	stream.indirect.scatter [tilespmem:s6], [sflag:$0x5], $0x1, s7, s5, $0xb8;
	[tilespmem:$0x1A000] =	vst v63  }
0x3de: {  	s6 =	smov.u32 s2;
	p0 =	sne.s32 s2, $0x3E00  }
.Ltmp29:
0x3df: {  	s2 =	sadd.s32 $0x200, s2;
	(pc) =	sbr.rel @p0 .LBB2_60-.Ltmp29, $3  }
0x3e0: {  	_ =	sdelay $0x1  }
0x3e1: {  	s7 =	sshra.s32 s6, $0x2  }
0x3e2: {  	s6 =	sadd.s32 $0x18000, s7;
	s7 =	sadd.s32 $0x15000, s7  }
0x3e3: {  	[hbm4b:s19+s5] =	stream.indirect.scatter [tilespmem:s6], [sflag:$0x5], $0x1, s7, s5, $0xb8;
	[tilespmem:$0x1A000] =	vst v63  }
0x3e4: {  	s9 =	rddreg [dreg:$0x5]  }
0x3e5: {  	s2 =	simm.s32 $0x200;
	s10 =	rddreg [dreg:$0x6]  }
0x3e6: {  	s6 =	simm.s32 $0x19000;
	s7 =	simm.s32 $0x16000;
	s26 =	rddreg [dreg:$0x7]  }
.LBB2_62:
0x3e7: {  	[hbm4b:s19+s5] =	stream.indirect.scatter [tilespmem:s6], [sflag:$0x5], $0x1, s7, s5, $0xb8;
	[tilespmem:$0x1A000] =	vst v63  }
0x3e8: {  	s6 =	smov.u32 s2;
	p0 =	sne.s32 s2, $0x3E00  }
.Ltmp30:
0x3e9: {  	s2 =	sadd.s32 $0x200, s2;
	(pc) =	sbr.rel @p0 .LBB2_62-.Ltmp30, $3  }
0x3ea: {  	_ =	sdelay $0x1  }
0x3eb: {  	s7 =	sshra.s32 s6, $0x2  }
0x3ec: {  	s6 =	sadd.s32 $0x19000, s7;
	s7 =	sadd.s32 $0x16000, s7  }
0x3ed: {  	[hbm4b:s19+s5] =	stream.indirect.scatter [tilespmem:s6], [sflag:$0x5], $0x1, s7, s5, $0xb8;
	[tilespmem:$0x1A000] =	vst v63  }
0x3ee: {  	s11 =	simm.s32 $0x5  }
0x3ef: {  	_ =	swait.ge [sflag:s11], $0x80  }
0x3f0: {  	[sflag:s11] =	ssyncset.done $0x0  }
0x3f1: {  	[sflag:s11] =	ssyncadd.s32 $0xFFFFFF80  }
0x3f2: {  	_ =	swait.ge [sflag:s11], $0x80  }
0x3f3: {  	[sflag:s11] =	ssyncset.done $0x0  }
0x3f4: {  	[sflag:s11] =	ssyncadd.s32 $0xFFFFFF80  }
0x3f5: {  	_ =	swait.ge [sflag:s11], $0x80  }
0x3f6: {  	[sflag:s11] =	ssyncset.done $0x0  }
0x3f7: {  	[sflag:s11] =	ssyncadd.s32 $0xFFFFFF80  }
0x3f8: {  	_ =	swait.ge [sflag:s11], $0x80  }
0x3f9: {  	[sflag:s11] =	ssyncset.done $0x0  }
0x3fa: {  	[sflag:s11] =	ssyncadd.s32 $0xFFFFFF80  }
0x3fb: {  	_ =	swait.ge [sflag:s11], $0x80  }
0x3fc: {  	[sflag:s11] =	ssyncset.done $0x0  }
0x3fd: {  	[sflag:s11] =	ssyncadd.s32 $0xFFFFFF80  }
0x3fe: {  	_ =	swait.ge [sflag:s11], $0x80  }
0x3ff: {  	[sflag:s11] =	ssyncset.done $0x0  }
0x400: {  	[sflag:s11] =	ssyncadd.s32 $0xFFFFFF80  }
0x401: {  	_ =	swait.ge [sflag:s11], $0x80  }
0x402: {  	[sflag:s11] =	ssyncset.done $0x0  }
0x403: {  	[sflag:s11] =	ssyncadd.s32 $0xFFFFFF80  }
0x404: {  	_ =	swait.ge [sflag:s11], $0x80  }
0x405: {  	[sflag:s11] =	ssyncset.done $0x0  }
0x406: {  	[sflag:s11] =	ssyncadd.s32 $0xFFFFFF80  }
0x407: {  	_ =	swait.ge [sflag:s11], $0x80  }
0x408: {  	[sflag:s11] =	ssyncset.done $0x0  }
0x409: {  	[sflag:s11] =	ssyncadd.s32 $0xFFFFFF80  }
0x40a: {  	_ =	swait.ge [sflag:s11], $0x80  }
0x40b: {  	[sflag:s11] =	ssyncset.done $0x0  }
0x40c: {  	[sflag:s11] =	ssyncadd.s32 $0xFFFFFF80  }
0x40d: {  	_ =	swait.ge [sflag:s11], $0x80  }
0x40e: {  	[sflag:s11] =	ssyncset.done $0x0  }
0x40f: {  	[sflag:s11] =	ssyncadd.s32 $0xFFFFFF80  }
0x410: {  	_ =	swait.ge [sflag:s11], $0x80  }
0x411: {  	[sflag:s11] =	ssyncset.done $0x0  }
0x412: {  	[sflag:s11] =	ssyncadd.s32 $0xFFFFFF80  }
0x413: {  	_ =	swait.ge [sflag:s11], $0x80  }
0x414: {  	[sflag:s11] =	ssyncset.done $0x0  }
0x415: {  	[sflag:s11] =	ssyncadd.s32 $0xFFFFFF80  }
0x416: {  	_ =	swait.ge [sflag:s11], $0x80  }
0x417: {  	[sflag:s11] =	ssyncset.done $0x0  }
0x418: {  	[sflag:s11] =	ssyncadd.s32 $0xFFFFFF80  }
0x419: {  	_ =	swait.ge [sflag:s11], $0x80  }
0x41a: {  	[sflag:s11] =	ssyncset.done $0x0  }
0x41b: {  	[sflag:s11] =	ssyncadd.s32 $0xFFFFFF80  }
0x41c: {  	_ =	swait.ge [sflag:s11], $0x80  }
0x41d: {  	[sflag:s11] =	ssyncset.done $0x0  }
0x41e: {  	[sflag:s11] =	ssyncadd.s32 $0xFFFFFF80  }
0x41f: {  	_ =	swait.ge [sflag:s11], $0x80  }
0x420: {  	[sflag:s11] =	ssyncset.done $0x0  }
0x421: {  	[sflag:s11] =	ssyncadd.s32 $0xFFFFFF80  }
0x422: {  	_ =	swait.ge [sflag:s11], $0x80  }
0x423: {  	[sflag:s11] =	ssyncset.done $0x0  }
0x424: {  	[sflag:s11] =	ssyncadd.s32 $0xFFFFFF80  }
0x425: {  	_ =	swait.ge [sflag:s11], $0x80  }
0x426: {  	[sflag:s11] =	ssyncset.done $0x0  }
0x427: {  	[sflag:s11] =	ssyncadd.s32 $0xFFFFFF80  }
0x428: {  	_ =	swait.ge [sflag:s11], $0x80  }
0x429: {  	[sflag:s11] =	ssyncset.done $0x0  }
0x42a: {  	[sflag:s11] =	ssyncadd.s32 $0xFFFFFF80  }
0x42b: {  	_ =	swait.ge [sflag:s11], $0x80  }
0x42c: {  	[sflag:s11] =	ssyncset.done $0x0  }
0x42d: {  	[sflag:s11] =	ssyncadd.s32 $0xFFFFFF80  }
0x42e: {  	_ =	swait.ge [sflag:s11], $0x80  }
0x42f: {  	[sflag:s11] =	ssyncset.done $0x0  }
0x430: {  	[sflag:s11] =	ssyncadd.s32 $0xFFFFFF80  }
0x431: {  	_ =	swait.ge [sflag:s11], $0x80  }
0x432: {  	[sflag:s11] =	ssyncset.done $0x0  }
0x433: {  	[sflag:s11] =	ssyncadd.s32 $0xFFFFFF80  }
0x434: {  	_ =	swait.ge [sflag:s11], $0x80  }
0x435: {  	[sflag:s11] =	ssyncset.done $0x0  }
0x436: {  	[sflag:s11] =	ssyncadd.s32 $0xFFFFFF80  }
0x437: {  	_ =	swait.ge [sflag:s11], $0x80  }
0x438: {  	[sflag:s11] =	ssyncset.done $0x0  }
0x439: {  	[sflag:s11] =	ssyncadd.s32 $0xFFFFFF80  }
0x43a: {  	_ =	swait.ge [sflag:s11], $0x80  }
0x43b: {  	[sflag:s11] =	ssyncset.done $0x0  }
0x43c: {  	[sflag:s11] =	ssyncadd.s32 $0xFFFFFF80  }
0x43d: {  	_ =	swait.ge [sflag:s11], $0x80  }
0x43e: {  	[sflag:s11] =	ssyncset.done $0x0  }
0x43f: {  	[sflag:s11] =	ssyncadd.s32 $0xFFFFFF80  }
0x440: {  	_ =	swait.ge [sflag:s11], $0x80  }
0x441: {  	[sflag:s11] =	ssyncset.done $0x0  }
0x442: {  	[sflag:s11] =	ssyncadd.s32 $0xFFFFFF80  }
0x443: {  	_ =	swait.ge [sflag:s11], $0x80  }
0x444: {  	[sflag:s11] =	ssyncset.done $0x0  }
0x445: {  	[sflag:s11] =	ssyncadd.s32 $0xFFFFFF80  }
0x446: {  	_ =	swait.ge [sflag:s11], $0x80  }
0x447: {  	[sflag:s11] =	ssyncset.done $0x0  }
0x448: {  	[sflag:s11] =	ssyncadd.s32 $0xFFFFFF80  }
0x449: {  	_ =	swait.ge [sflag:s11], $0x80  }
0x44a: {  	[sflag:s11] =	ssyncset.done $0x0  }
0x44b: {  	[sflag:s11] =	ssyncadd.s32 $0xFFFFFF80  }
0x44c: {  	_ =	swait.ge [sflag:s11], $0x80  }
0x44d: {  	[sflag:s11] =	ssyncset.done $0x0  }
0x44e: {  	[sflag:s11] =	ssyncadd.s32 $0xFFFFFF80  }
0x44f: {  	_ =	swait.ge [sflag:s11], $0x80  }
0x450: {  	[sflag:s11] =	ssyncset.done $0x0  }
0x451: {  	[sflag:s11] =	ssyncadd.s32 $0xFFFFFF80  }
0x452: {  	_ =	swait.ge [sflag:s11], $0x80  }
0x453: {  	[sflag:s11] =	ssyncset.done $0x0  }
0x454: {  	[sflag:s11] =	ssyncadd.s32 $0xFFFFFF80  }
0x455: {  	_ =	swait.ge [sflag:s11], $0x80  }
0x456: {  	[sflag:s11] =	ssyncset.done $0x0  }
0x457: {  	[sflag:s11] =	ssyncadd.s32 $0xFFFFFF80  }
0x458: {  	_ =	swait.ge [sflag:s11], $0x80  }
0x459: {  	[sflag:s11] =	ssyncset.done $0x0  }
0x45a: {  	[sflag:s11] =	ssyncadd.s32 $0xFFFFFF80  }
0x45b: {  	_ =	swait.ge [sflag:s11], $0x80  }
0x45c: {  	[sflag:s11] =	ssyncset.done $0x0  }
0x45d: {  	[sflag:s11] =	ssyncadd.s32 $0xFFFFFF80  }
0x45e: {  	_ =	swait.ge [sflag:s11], $0x80  }
0x45f: {  	[sflag:s11] =	ssyncset.done $0x0  }
0x460: {  	[sflag:s11] =	ssyncadd.s32 $0xFFFFFF80  }
0x461: {  	_ =	swait.ge [sflag:s11], $0x80  }
0x462: {  	[sflag:s11] =	ssyncset.done $0x0  }
0x463: {  	[sflag:s11] =	ssyncadd.s32 $0xFFFFFF80  }
0x464: {  	_ =	swait.ge [sflag:s11], $0x80  }
0x465: {  	[sflag:s11] =	ssyncset.done $0x0  }
0x466: {  	[sflag:s11] =	ssyncadd.s32 $0xFFFFFF80  }
0x467: {  	_ =	swait.ge [sflag:s11], $0x80  }
0x468: {  	[sflag:s11] =	ssyncset.done $0x0  }
0x469: {  	[sflag:s11] =	ssyncadd.s32 $0xFFFFFF80  }
0x46a: {  	_ =	swait.ge [sflag:s11], $0x80  }
0x46b: {  	[sflag:s11] =	ssyncset.done $0x0  }
0x46c: {  	[sflag:s11] =	ssyncadd.s32 $0xFFFFFF80  }
0x46d: {  	_ =	swait.ge [sflag:s11], $0x80  }
0x46e: {  	[sflag:s11] =	ssyncset.done $0x0  }
0x46f: {  	[sflag:s11] =	ssyncadd.s32 $0xFFFFFF80  }
0x470: {  	_ =	swait.ge [sflag:s11], $0x80  }
0x471: {  	[sflag:s11] =	ssyncset.done $0x0  }
0x472: {  	[sflag:s11] =	ssyncadd.s32 $0xFFFFFF80  }
0x473: {  	_ =	swait.ge [sflag:s11], $0x80  }
0x474: {  	[sflag:s11] =	ssyncset.done $0x0  }
0x475: {  	[sflag:s11] =	ssyncadd.s32 $0xFFFFFF80  }
0x476: {  	_ =	swait.ge [sflag:s11], $0x80  }
0x477: {  	[sflag:s11] =	ssyncset.done $0x0  }
0x478: {  	[sflag:s11] =	ssyncadd.s32 $0xFFFFFF80  }
0x479: {  	_ =	swait.ge [sflag:s11], $0x80  }
0x47a: {  	[sflag:s11] =	ssyncset.done $0x0  }
0x47b: {  	[sflag:s11] =	ssyncadd.s32 $0xFFFFFF80  }
0x47c: {  	_ =	swait.ge [sflag:s11], $0x80  }
0x47d: {  	[sflag:s11] =	ssyncset.done $0x0  }
0x47e: {  	[sflag:s11] =	ssyncadd.s32 $0xFFFFFF80  }
0x47f: {  	_ =	swait.ge [sflag:s11], $0x80  }
0x480: {  	[sflag:s11] =	ssyncset.done $0x0  }
0x481: {  	[sflag:s11] =	ssyncadd.s32 $0xFFFFFF80  }
0x482: {  	_ =	swait.ge [sflag:s11], $0x80  }
0x483: {  	[sflag:s11] =	ssyncset.done $0x0  }
0x484: {  	[sflag:s11] =	ssyncadd.s32 $0xFFFFFF80  }
0x485: {  	_ =	swait.ge [sflag:s11], $0x80  }
0x486: {  	[sflag:s11] =	ssyncset.done $0x0  }
0x487: {  	[sflag:s11] =	ssyncadd.s32 $0xFFFFFF80  }
0x488: {  	_ =	swait.ge [sflag:s11], $0x80  }
0x489: {  	[sflag:s11] =	ssyncset.done $0x0  }
0x48a: {  	[sflag:s11] =	ssyncadd.s32 $0xFFFFFF80  }
0x48b: {  	_ =	swait.ge [sflag:s11], $0x80  }
0x48c: {  	[sflag:s11] =	ssyncset.done $0x0  }
0x48d: {  	[sflag:s11] =	ssyncadd.s32 $0xFFFFFF80  }
0x48e: {  	_ =	swait.ge [sflag:s11], $0x80  }
0x48f: {  	[sflag:s11] =	ssyncset.done $0x0  }
0x490: {  	[sflag:s11] =	ssyncadd.s32 $0xFFFFFF80  }
0x491: {  	_ =	swait.ge [sflag:s11], $0x80  }
0x492: {  	[sflag:s11] =	ssyncset.done $0x0  }
0x493: {  	[sflag:s11] =	ssyncadd.s32 $0xFFFFFF80  }
0x494: {  	_ =	swait.ge [sflag:s11], $0x80  }
0x495: {  	[sflag:s11] =	ssyncset.done $0x0  }
0x496: {  	[sflag:s11] =	ssyncadd.s32 $0xFFFFFF80  }
0x497: {  	_ =	swait.ge [sflag:s11], $0x80  }
0x498: {  	[sflag:s11] =	ssyncset.done $0x0  }
0x499: {  	[sflag:s11] =	ssyncadd.s32 $0xFFFFFF80  }
0x49a: {  	_ =	swait.ge [sflag:s11], $0x80  }
0x49b: {  	[sflag:s11] =	ssyncset.done $0x0  }
0x49c: {  	[sflag:s11] =	ssyncadd.s32 $0xFFFFFF80  }
0x49d: {  	_ =	swait.ge [sflag:s11], $0x80  }
0x49e: {  	[sflag:s11] =	ssyncset.done $0x0  }
0x49f: {  	[sflag:s11] =	ssyncadd.s32 $0xFFFFFF80  }
0x4a0: {  	_ =	swait.ge [sflag:s11], $0x80  }
0x4a1: {  	[sflag:s11] =	ssyncset.done $0x0  }
0x4a2: {  	[sflag:s11] =	ssyncadd.s32 $0xFFFFFF80  }
0x4a3: {  	_ =	swait.ge [sflag:s11], $0x80  }
0x4a4: {  	[sflag:s11] =	ssyncset.done $0x0  }
0x4a5: {  	[sflag:s11] =	ssyncadd.s32 $0xFFFFFF80  }
0x4a6: {  	_ =	swait.ge [sflag:s11], $0x80  }
0x4a7: {  	[sflag:s11] =	ssyncset.done $0x0  }
0x4a8: {  	[sflag:s11] =	ssyncadd.s32 $0xFFFFFF80  }
0x4a9: {  	_ =	swait.ge [sflag:s11], $0x80  }
0x4aa: {  	[sflag:s11] =	ssyncset.done $0x0  }
0x4ab: {  	[sflag:s11] =	ssyncadd.s32 $0xFFFFFF80  }
0x4ac: {  	_ =	swait.ge [sflag:s11], $0x80  }
0x4ad: {  	s12 =	rddreg [dreg:$0xd]  }
0x4ae: {  	s2 =	rddreg [dreg:$0xc];
	s7 =	sadd.s32 $0x1, s12  }
0x4af: {  	p0 =	sne.s32 s7, s2  }
.Ltmp31:
0x4b0: {  	_ = 	snop;
	(pc) =	sbr.rel @p0 .LBB2_1-.Ltmp31, $3  }
0x4b1: {  	_ =	sdelay $0x1  }
0x4b2: {  	[sflag:s11] =	ssyncset.done $0x0  }
0x4b3: {  	[sflag:s11] =	ssyncadd.s32 $0xFFFFFF80  }
0x4b4: {  	_ =	sfence.sel $0x180000  }
0x4b5: {  	[bflag:$0x0] =	sbarrier.arrive $0xFFFF  }
0x4b6: {  	_ =	strace $0x90000047  }
0x4b7: {  	s0 =	stileid.u32;
	[bflag:$0x2] =	sbarrier.arrive $0xFFFF  }
0x4b8: {  	p0 =	sne.s32 s0, $0x0;
	s0 =	rddreg [dreg:$0x2]  }
0x4b9: {  	s0 =	sadd.s32 @!p0 $0x100000, s0  }
0x4ba: {  	[sflag:s0] =	ssyncadd.tile.s32 @!p0 $0x1;
	_ =	shalt  }
.Lfunc_end2:
_tile_overlayer_lowered:
.L_overlay_start_2:
0x4bb: {  	(tag) =	ssettag $0x2  }
0x4bc: {  	s0 =	rddreg [dreg:$0x0];
	s2 =	stileid.u32  }
0x4bd: {  	s1 =	rddreg [dreg:$0x1];
	p0 =	sne.s32 s2, $0x0  }
0x4be: {  	s3 =	rddreg [dreg:$0x2];
	[bflag:$0x3] =	sbarrier.arrive $0xFFFF;
	s2 =	simm.s32 @!p0 $0x1C06  }
0x4bf: {  	[timem:s3], [sflag:s2] =	dma.local @!p0 [hbm:s0], s1  }
0x4c0: {  	s0 =	simm.s32 @!p0 $0x6  }
0x4c1: {  	_ =	swait.ge @!p0 [sflag:s0], s1  }
0x4c2: {  	s1 =	ssub.s32 @!p0 $0x0, s1;
	[sflag:s0] =	ssyncset.done @!p0 $0x0  }
0x4c3: {  	[sflag:s0] =	ssyncadd.s32 @!p0 s1  }
0x4c4: {  	[bflag:$0x3] =	sbarrier.arrive $0xFFFF  }
0x4c5: {  	_ =	shalt  }

</sc_bundles>
